<compile_context>
chip_gen: v7x
topology: tpu7x:2x2x1
jax: 0.10.2.dev20260603
libtpu: 0.0.44.dev20260713+nightly
codegen_flags: <defaults>
</compile_context>

<pallas_src>
import functools

import jax
import jax.numpy as jnp
from jax import lax
from jax.experimental import pallas as pl
from jax.experimental.pallas import tpu as pltpu
from jax.experimental.pallas import tpu_sc as plsc

N = 10000
E = 320000
H = 128

NCORE = 2
NSUB = 16
CHUNK = 128
CHUNKS_PER_TILE = 79
EPT = CHUNKS_PER_TILE * CHUNK
EPC = EPT * NSUB
EPAD = EPC * NCORE
TRASH = N
NP = 10240
DEG_R = 10240
RPT = NP // NSUB

_mesh = plsc.VectorSubcoreMesh(core_axis_name="c", subcore_axis_name="s")



@functools.partial(
    pl.kernel,
    out_type=jax.ShapeDtypeStruct((NCORE, DEG_R), jnp.float32),
    mesh=_mesh,
    scratch_types=[
        pltpu.VMEM((CHUNK,), jnp.int32),
        pltpu.VMEM((CHUNK,), jnp.float32),
        pltpu.VMEM((640,), jnp.float32),
        pltpu.VMEM_SHARED((DEG_R,), jnp.float32),
    ],
)
def _deg_kernel(cols_hbm, deg_out, col_v, ones_v, zeros_v, deg_sp):
    c = lax.axis_index("c")
    t = lax.axis_index("s")
    for j in range(CHUNK // 16):
        ones_v[pl.ds(j * 16, 16)] = jnp.ones((16,), jnp.float32)
    for j in range(640 // 16):
        zeros_v[pl.ds(j * 16, 16)] = jnp.zeros((16,), jnp.float32)
    pltpu.sync_copy(zeros_v, deg_sp.at[pl.ds(t * 640, 640)])
    plsc.subcore_barrier()

    ebase = c * EPC + t * EPT

    @pl.loop(0, CHUNKS_PER_TILE)
    def _(g):
        pltpu.sync_copy(cols_hbm.at[pl.ds(ebase + g * CHUNK, CHUNK)], col_v)
        pltpu.sync_copy(ones_v, deg_sp.at[col_v], add=True)

    plsc.subcore_barrier()
    pltpu.sync_copy(deg_sp.at[pl.ds(t * 640, 640)],
                    deg_out.at[c, pl.ds(t * 640, 640)])


def _make_agg_kernel(S):

    @functools.partial(
        pl.kernel,
        out_type=jax.ShapeDtypeStruct((NCORE, S, NP, H), jnp.float32),
        mesh=_mesh,
        scratch_types=[
            pltpu.VMEM((CHUNK,), jnp.int32),
            pltpu.VMEM((CHUNK,), jnp.int32),
            pltpu.VMEM((CHUNK,), jnp.int32),
            pltpu.VMEM((CHUNK, H), jnp.float32),
            pltpu.VMEM_SHARED((NP, H), jnp.float32),
            pltpu.SemaphoreType.DMA,
        ],
    )
    def _agg(rows_hbm, cols_hbm, z_hbm, out_hbm,
             row_v, col_v, gidx_v, rows_v, acc_sp, sem):
        c = lax.axis_index("c")
        t = lax.axis_index("s")
        ebase = c * EPC + t * EPT

        for s in range(S):
            pltpu.sync_copy(z_hbm.at[pl.ds(s * NP + t * RPT, RPT)],
                            acc_sp.at[pl.ds(t * RPT, RPT)])
            plsc.subcore_barrier()

            @pl.loop(0, CHUNKS_PER_TILE)
            def _(g):
                off = ebase + g * CHUNK
                pltpu.sync_copy(rows_hbm.at[pl.ds(off, CHUNK)], row_v)
                pltpu.sync_copy(cols_hbm.at[pl.ds(off, CHUNK)], col_v)
                if s == 0:
                    gsrc = row_v
                else:
                    for j in range(CHUNK // 16):
                        gidx_v[pl.ds(j * 16, 16)] = (
                            row_v[pl.ds(j * 16, 16)]
                            + jnp.full((16,), s * NP, jnp.int32))
                    gsrc = gidx_v
                pltpu.async_copy(z_hbm.at[gsrc], rows_v, sem).wait()
                pltpu.sync_copy(rows_v, acc_sp.at[col_v], add=True)

            plsc.subcore_barrier()
            pltpu.sync_copy(acc_sp.at[pl.ds(t * RPT, RPT)],
                            out_hbm.at[c, s, pl.ds(t * RPT, RPT)])
            plsc.subcore_barrier()

    return _agg


_agg1 = _make_agg_kernel(1)
_agg2 = _make_agg_kernel(2)
_agg4 = _make_agg_kernel(4)



NB = 1000
GRID = N // NB


def _full(shape):
    return pl.BlockSpec(shape, lambda i: (0,) * len(shape))


def _prep_body(x_ref, wg_ref, d0_ref, d1_ref, z_ref, dinv_ref):
    dinv = lax.rsqrt(d0_ref[...] + d1_ref[...] + 1.0)
    xw = jnp.dot(x_ref[...], wg_ref[...], preferred_element_type=jnp.float32)
    z_ref[0] = dinv * xw
    dinv_ref[...] = dinv


def _prep(x, Wg1, d0, d1):
    return pl.pallas_call(
        _prep_body,
        grid=(GRID,),
        in_specs=[
            pl.BlockSpec((NB, H), lambda i: (i, 0)),
            _full((H, H)),
            pl.BlockSpec((NB, 1), lambda i: (i, 0)),
            pl.BlockSpec((NB, 1), lambda i: (i, 0)),
        ],
        out_specs=[
            pl.BlockSpec((1, NB, H), lambda i: (0, i, 0)),
            pl.BlockSpec((NB, 1), lambda i: (i, 0)),
        ],
        out_shape=[
            jax.ShapeDtypeStruct((1, NP, H), jnp.float32),
            jax.ShapeDtypeStruct((N, 1), jnp.float32),
        ],
    )(x, Wg1, d0, d1)


def _encode_block(aggp, z, dinv, wf, b, S):
    h = b
    for s in range(S):
        u = dinv * (aggp[0, s] + aggp[1, s] - z[s])
        h = h + jnp.dot(u, wf[s * H:(s + 1) * H, :],
                        preferred_element_type=jnp.float32)
    return jax.nn.relu(h)


def _make_layer(S_in, S_out):
    def body(aggp_ref, z_ref, dinv_ref, wf_ref, b_ref, wg_ref, a_ref,
             znext_ref, part_ref):
        dinv = dinv_ref[...]
        xi = _encode_block(aggp_ref[...], z_ref[...], dinv, wf_ref[...],
                           b_ref[...], S_in)
        part_ref[...] = jnp.dot(xi, a_ref[...],
                                preferred_element_type=jnp.float32)
        xw = jnp.dot(xi, wg_ref[...], preferred_element_type=jnp.float32)
        for sp in range(S_out):
            znext_ref[sp] = dinv * xw[:, sp * H:(sp + 1) * H]

    Hi, Ho = S_in * H, S_out * H

    def run(aggp, z, dinv, wf, b, wg, a):
        return pl.pallas_call(
            body,
            grid=(GRID,),
            in_specs=[
                pl.BlockSpec((NCORE, S_in, NB, H), lambda i: (0, 0, i, 0)),
                pl.BlockSpec((S_in, NB, H), lambda i: (0, i, 0)),
                pl.BlockSpec((NB, 1), lambda i: (i, 0)),
                _full((Hi, Hi)),
                _full((1, Hi)),
                _full((Hi, Ho)),
                _full((Hi, H)),
            ],
            out_specs=[
                pl.BlockSpec((S_out, NB, H), lambda i: (0, i, 0)),
                pl.BlockSpec((NB, H), lambda i: (i, 0)),
            ],
            out_shape=[
                jax.ShapeDtypeStruct((S_out, NP, H), jnp.float32),
                jax.ShapeDtypeStruct((N, H), jnp.float32),
            ],
        )(aggp, z, dinv, wf, b, wg, a)

    return run


_layer1 = _make_layer(1, 2)
_layer2 = _make_layer(2, 4)


def _final_body(aggp_ref, z_ref, dinv_ref, wf_ref, b_ref, a_ref,
                p1_ref, p2_ref, c_ref, out_ref):
    xi = _encode_block(aggp_ref[...], z_ref[...], dinv_ref[...], wf_ref[...],
                       b_ref[...], 4)
    out_ref[...] = (jnp.dot(xi, a_ref[...], preferred_element_type=jnp.float32)
                    + p1_ref[...] + p2_ref[...] + c_ref[...])


def _final(aggp, z, dinv, wf, b, a, p1, p2, cvec):
    Hi = 4 * H
    return pl.pallas_call(
        _final_body,
        grid=(GRID,),
        in_specs=[
            pl.BlockSpec((NCORE, 4, NB, H), lambda i: (0, 0, i, 0)),
            pl.BlockSpec((4, NB, H), lambda i: (0, i, 0)),
            pl.BlockSpec((NB, 1), lambda i: (i, 0)),
            _full((Hi, Hi)),
            _full((1, Hi)),
            _full((Hi, H)),
            pl.BlockSpec((NB, H), lambda i: (i, 0)),
            pl.BlockSpec((NB, H), lambda i: (i, 0)),
            _full((1, H)),
        ],
        out_specs=pl.BlockSpec((NB, H), lambda i: (i, 0)),
        out_shape=jax.ShapeDtypeStruct((N, H), jnp.float32),
    )(aggp, z, dinv, wf, b, a, p1, p2, cvec)



def kernel(x, edge_index, Wg1, bg1, Wf1, bf1, Wg2, bg2, Wf2, bf2, Wg3, bg3,
           Wf3, bf3, Wd1, bd1, Wd2, bd2, Wd3, bd3, Ws1, bs1, Ws2, bs2,
           Wfin, bfin):
    Wfin3 = Wfin.reshape(H, 8, H)
    U = [Wfin3[:, p, :] for p in range(8)]
    B = [Wd3[:, :, 0] @ U[2 * m] + Wd3[:, :, 1] @ U[2 * m + 1]
         for m in range(4)]
    C = [Wd2[:, :, 0] @ B[2 * l] + Wd2[:, :, 1] @ B[2 * l + 1]
         for l in range(2)]
    A3 = Wd1[:, :, 0] @ C[0] + Wd1[:, :, 1] @ C[1]
    A2 = Ws1[:, :, 0].T @ (C[0] + C[1])
    A1 = Ws2[:, :, 0].T @ (B[0] + B[1] + B[2] + B[3])
    sumU = U[0] + U[1] + U[2] + U[3] + U[4] + U[5] + U[6] + U[7]
    sumB = B[0] + B[1] + B[2] + B[3]
    sumC = C[0] + C[1]
    cvec = (bd3 @ sumU + (bd2 + bs2) @ sumB + (bd1 + bs1) @ sumC
            + bfin).reshape(1, H)
    b1 = (bg1 @ Wf1 + bf1).reshape(1, H)
    b2 = (bg2 @ Wf2 + bf2).reshape(1, 2 * H)
    b3 = (bg3 @ Wf3 + bf3).reshape(1, 4 * H)

    rows = edge_index[0]
    cols = edge_index[1]
    rows_p = jnp.concatenate(
        [rows, jnp.zeros((EPAD - E,), jnp.int32)])
    cols_p = jnp.concatenate(
        [cols, jnp.full((EPAD - E,), TRASH, jnp.int32)])

    deg = _deg_kernel(cols_p)
    d0 = deg[0].reshape(DEG_R, 1)
    d1 = deg[1].reshape(DEG_R, 1)

    z1, dinv = _prep(x, Wg1, d0, d1)
    aggp1 = _agg1(rows_p, cols_p, z1.reshape(NP, H))
    z2, part1 = _layer1(aggp1, z1, dinv, Wf1, b1, Wg2, A1)
    aggp2 = _agg2(rows_p, cols_p, z2.reshape(2 * NP, H))
    z3, part2 = _layer2(aggp2, z2, dinv, Wf2, b2, Wg3, A2)
    aggp3 = _agg4(rows_p, cols_p, z3.reshape(4 * NP, H))
    return _final(aggp3, z3, dinv, Wf3, b3, A3, part1, part2, cvec)

# --- scband reference (transcript-rebuilt; emitter-appended) ---
"""Pipeline reference for scband-mul-hop-unet-gcn-20151986553228 (READ-ONLY COPY).

The authoritative reference and input builder live on the scoring server;
editing this copy changes nothing except your own understanding.
"""

import jax, jax.numpy as jnp
import numpy as np

N_NODES = 10000
N_EDGES = 320000
D_IN = 128
H = 128
D_OUT = 128
K_HOPS = 2


def setup_inputs(seed: int = 0):
    key = jax.random.key(seed)
    ks = jax.random.split(key, 32)

    def p(i, shape):
        return jax.random.normal(ks[i], shape, dtype=jnp.float32) * 0.05

    inp = {
        'x': jax.random.normal(ks[0], (N_NODES, D_IN), dtype=jnp.float32),
        'edge_index': jax.random.randint(ks[1], (2, N_EDGES), 0, N_NODES, dtype=jnp.int32),
        'Wg1': p(2, (D_IN, H)), 'bg1': p(3, (H,)),
        'Wf1': p(4, (H, H)), 'bf1': p(5, (H,)),
        'Wg2': p(6, (H, 2 * H)), 'bg2': p(7, (2 * H,)),
        'Wf2': p(8, (2 * H, 2 * H)), 'bf2': p(9, (2 * H,)),
        'Wg3': p(10, (2 * H, 4 * H)), 'bg3': p(11, (4 * H,)),
        'Wf3': p(12, (4 * H, 4 * H)), 'bf3': p(13, (4 * H,)),
        'Wd1': p(14, (4 * H, 2 * H, 2)), 'bd1': p(15, (2 * H,)),
        'Wd2': p(16, (2 * H, H, 2)), 'bd2': p(17, (H,)),
        'Wd3': p(18, (H, H, 2)), 'bd3': p(19, (H,)),
        'Ws1': p(20, (2 * H, 2 * H, 1)), 'bs1': p(21, (2 * H,)),
        'Ws2': p(22, (H, H, 1)), 'bs2': p(23, (H,)),
        'Wfin': p(24, (8 * H, D_OUT)), 'bfin': p(25, (D_OUT,)),
    }
    return inp


def _gcn(x, row, col, ew, W, b):
    # PyG GCNConv: x @ W, symmetric normalization, scatter-add aggregation at dst (col)
    n = x.shape[0]
    xw = x @ W
    deg = jnp.zeros((n,), jnp.float32).at[col].add(ew)
    dinv = jnp.where(deg > 0, 1.0 / jnp.sqrt(deg), 0.0)
    norm = dinv[row] * ew * dinv[col]
    out = jnp.zeros((n, xw.shape[1]), jnp.float32).at[col].add(norm[:, None] * xw[row])
    return out + b


def _multihop(x, edge_index, Wg, bg, Wf, bf):
    # MultiHopGCNConv: add self-loops once (gcn_norm adds no remaining ones),
    # then K iterations each starting from initial_x (mathematically one GCN pass,
    # executed K times to stay faithful), followed by final_linear.
    n = x.shape[0]
    loops = jnp.arange(n, dtype=edge_index.dtype)
    row = jnp.concatenate([edge_index[0], loops])
    col = jnp.concatenate([edge_index[1], loops])
    ew = jnp.ones((row.shape[0],), jnp.float32)
    h = x
    for _ in range(K_HOPS):
        h = _gcn(x, row, col, ew, Wg, bg)
    return h @ Wf + bf


def _convT(x, W, b):
    # ConvTranspose1d, kernel=2, stride=2; W: [C_in, C_out, 2]
    n, cin, L = x.shape
    y = jnp.einsum('ncl,cok->nolk', x, W).reshape(n, W.shape[1], L * 2)
    return y + b[None, :, None]


def _conv1(x, W, b):
    # Conv1d kernel_size=1; W: [C_out, C_in, 1]
    y = jnp.einsum('ncl,oc->nol', x, W[:, :, 0])
    return y + b[None, :, None]


def reference(x, edge_index, Wg1, bg1, Wf1, bf1, Wg2, bg2, Wf2, bf2, Wg3, bg3, Wf3, bf3, Wd1, bd1, Wd2, bd2, Wd3, bd3, Ws1, bs1, Ws2, bs2, Wfin, bfin):
    relu = jax.nn.relu
    x1 = relu(_multihop(x, edge_index, Wg1, bg1, Wf1, bf1))
    x2 = relu(_multihop(x1, edge_index, Wg2, bg2, Wf2, bf2))
    x3 = relu(_multihop(x2, edge_index, Wg3, bg3, Wf3, bf3))
    h = _convT(x3[:, :, None], Wd1, bd1)
    s2 = _conv1(x2[:, :, None], Ws1, bs1)
    h = h + jnp.repeat(s2, h.shape[2], axis=2)
    h = _convT(h, Wd2, bd2)
    s1 = _conv1(x1[:, :, None], Ws2, bs2)
    h = h + jnp.repeat(s1, h.shape[2], axis=2)
    h = _convT(h, Wd3, bd3)
    h = h.reshape(h.shape[0], -1)
    return h @ Wfin + bfin

if __name__ == "__main__":
    import jax
    _d = setup_inputs()
    print(jax.jit(kernel)(*tuple(_d.values())))

</pallas_src>

<mosaic_0001>
#map = affine_map<(d0, d1) -> (0)>
#map1 = affine_map<(d0, d1) -> (0, 0)>
module attributes {stable_mosaic.version = 14 : i64} {
  func.func @_deg_kernel(%arg0: i32, %arg1: i32, %arg2: memref<323584xi32, #tpu.memory_space<hbm>>, %arg3: memref<2x10240xf32, #tpu.memory_space<hbm>>, %arg4: memref<128xi32, #tpu.memory_space<vmem>>, %arg5: memref<128xf32, #tpu.memory_space<vmem>>, %arg6: memref<640xf32, #tpu.memory_space<vmem>>, %arg7: memref<10240xf32, #tpu.memory_space<vmem_shared>>) attributes {dimension_semantics = [#tpu.dimension_semantics<core_parallel>, #tpu.dimension_semantics<subcore_parallel>], iteration_bounds = array<i64: 2, 16>, scalar_prefetch = 0 : i64, scratch_operands = 4 : i64, tpu.core_type = #tpu.core_type<sc_vector_subcore>, window_params = [{transform_indices = #map}, {transform_indices = #map1}]} {
    %broadcast_in_dim3A = arith.constant 1.000000e+00 : f32
    %broadcast_in_dim3A_0 = vector.broadcast %broadcast_in_dim3A : f32 to vector<16xf32>
    %swap3A = arith.constant 0 : index
    %swap3A_1 = tpu.vector_load %arg5[%swap3A] {strides = array<i32>} : memref<128xf32, #tpu.memory_space<vmem>>, vector<16xf32>,
    %swap3A_2 = vector.shape_cast %swap3A_1 : vector<16xf32> to vector<16xf32>
    %swap3A_3 = vector.shape_cast %broadcast_in_dim3A_0 : vector<16xf32> to vector<16xf32>
    tpu.vector_store %arg5[%swap3A], %swap3A_3 {strides = array<i32>} : memref<128xf32, #tpu.memory_space<vmem>>, vector<16xf32>,
    %broadcast_in_dim3A_4 = arith.constant 1.000000e+00 : f32
    %broadcast_in_dim3A_5 = vector.broadcast %broadcast_in_dim3A_4 : f32 to vector<16xf32>
    %swap3A_6 = arith.constant 16 : index
    %swap3A_7 = tpu.vector_load %arg5[%swap3A_6] {strides = array<i32>} : memref<128xf32, #tpu.memory_space<vmem>>, vector<16xf32>,
    %swap3A_8 = vector.shape_cast %swap3A_7 : vector<16xf32> to vector<16xf32>
    %swap3A_9 = vector.shape_cast %broadcast_in_dim3A_5 : vector<16xf32> to vector<16xf32>
    tpu.vector_store %arg5[%swap3A_6], %swap3A_9 {strides = array<i32>} : memref<128xf32, #tpu.memory_space<vmem>>, vector<16xf32>,
    %broadcast_in_dim3A_10 = arith.constant 1.000000e+00 : f32
    %broadcast_in_dim3A_11 = vector.broadcast %broadcast_in_dim3A_10 : f32 to vector<16xf32>
    %swap3A_12 = arith.constant 32 : index
    %swap3A_13 = tpu.vector_load %arg5[%swap3A_12] {strides = array<i32>} : memref<128xf32, #tpu.memory_space<vmem>>, vector<16xf32>,
    %swap3A_14 = vector.shape_cast %swap3A_13 : vector<16xf32> to vector<16xf32>
    %swap3A_15 = vector.shape_cast %broadcast_in_dim3A_11 : vector<16xf32> to vector<16xf32>
    tpu.vector_store %arg5[%swap3A_12], %swap3A_15 {strides = array<i32>} : memref<128xf32, #tpu.memory_space<vmem>>, vector<16xf32>,
    %broadcast_in_dim3A_16 = arith.constant 1.000000e+00 : f32
    %broadcast_in_dim3A_17 = vector.broadcast %broadcast_in_dim3A_16 : f32 to vector<16xf32>
    %swap3A_18 = arith.constant 48 : index
    %swap3A_19 = tpu.vector_load %arg5[%swap3A_18] {strides = array<i32>} : memref<128xf32, #tpu.memory_space<vmem>>, vector<16xf32>,
    %swap3A_20 = vector.shape_cast %swap3A_19 : vector<16xf32> to vector<16xf32>
    %swap3A_21 = vector.shape_cast %broadcast_in_dim3A_17 : vector<16xf32> to vector<16xf32>
    tpu.vector_store %arg5[%swap3A_18], %swap3A_21 {strides = array<i32>} : memref<128xf32, #tpu.memory_space<vmem>>, vector<16xf32>,
    %broadcast_in_dim3A_22 = arith.constant 1.000000e+00 : f32
    %broadcast_in_dim3A_23 = vector.broadcast %broadcast_in_dim3A_22 : f32 to vector<16xf32>
    %swap3A_24 = arith.constant 64 : index
    %swap3A_25 = tpu.vector_load %arg5[%swap3A_24] {strides = array<i32>} : memref<128xf32, #tpu.memory_space<vmem>>, vector<16xf32>,
    %swap3A_26 = vector.shape_cast %swap3A_25 : vector<16xf32> to vector<16xf32>
    %swap3A_27 = vector.shape_cast %broadcast_in_dim3A_23 : vector<16xf32> to vector<16xf32>
    tpu.vector_store %arg5[%swap3A_24], %swap3A_27 {strides = array<i32>} : memref<128xf32, #tpu.memory_space<vmem>>, vector<16xf32>,
    %broadcast_in_dim3A_28 = arith.constant 1.000000e+00 : f32
    %broadcast_in_dim3A_29 = vector.broadcast %broadcast_in_dim3A_28 : f32 to vector<16xf32>
    %swap3A_30 = arith.constant 80 : index
    %swap3A_31 = tpu.vector_load %arg5[%swap3A_30] {strides = array<i32>} : memref<128xf32, #tpu.memory_space<vmem>>, vector<16xf32>,
    %swap3A_32 = vector.shape_cast %swap3A_31 : vector<16xf32> to vector<16xf32>
    %swap3A_33 = vector.shape_cast %broadcast_in_dim3A_29 : vector<16xf32> to vector<16xf32>
    tpu.vector_store %arg5[%swap3A_30], %swap3A_33 {strides = array<i32>} : memref<128xf32, #tpu.memory_space<vmem>>, vector<16xf32>,
    %broadcast_in_dim3A_34 = arith.constant 1.000000e+00 : f32
    %broadcast_in_dim3A_35 = vector.broadcast %broadcast_in_dim3A_34 : f32 to vector<16xf32>
    %swap3A_36 = arith.constant 96 : index
    %swap3A_37 = tpu.vector_load %arg5[%swap3A_36] {strides = array<i32>} : memref<128xf32, #tpu.memory_space<vmem>>, vector<16xf32>,
    %swap3A_38 = vector.shape_cast %swap3A_37 : vector<16xf32> to vector<16xf32>
    %swap3A_39 = vector.shape_cast %broadcast_in_dim3A_35 : vector<16xf32> to vector<16xf32>
    tpu.vector_store %arg5[%swap3A_36], %swap3A_39 {strides = array<i32>} : memref<128xf32, #tpu.memory_space<vmem>>, vector<16xf32>,
    %broadcast_in_dim3A_40 = arith.constant 1.000000e+00 : f32
    %broadcast_in_dim3A_41 = vector.broadcast %broadcast_in_dim3A_40 : f32 to vector<16xf32>
    %swap3A_42 = arith.constant 112 : index
    %swap3A_43 = tpu.vector_load %arg5[%swap3A_42] {strides = array<i32>} : memref<128xf32, #tpu.memory_space<vmem>>, vector<16xf32>,
    %swap3A_44 = vector.shape_cast %swap3A_43 : vector<16xf32> to vector<16xf32>
    %swap3A_45 = vector.shape_cast %broadcast_in_dim3A_41 : vector<16xf32> to vector<16xf32>
    tpu.vector_store %arg5[%swap3A_42], %swap3A_45 {strides = array<i32>} : memref<128xf32, #tpu.memory_space<vmem>>, vector<16xf32>,
    %broadcast_in_dim3A_46 = arith.constant 0.000000e+00 : f32
    %broadcast_in_dim3A_47 = vector.broadcast %broadcast_in_dim3A_46 : f32 to vector<16xf32>
    %swap3A_48 = arith.constant 0 : index
    %swap3A_49 = tpu.vector_load %arg6[%swap3A_48] {strides = array<i32>} : memref<640xf32, #tpu.memory_space<vmem>>, vector<16xf32>,
    %swap3A_50 = vector.shape_cast %swap3A_49 : vector<16xf32> to vector<16xf32>
    %swap3A_51 = vector.shape_cast %broadcast_in_dim3A_47 : vector<16xf32> to vector<16xf32>
    tpu.vector_store %arg6[%swap3A_48], %swap3A_51 {strides = array<i32>} : memref<640xf32, #tpu.memory_space<vmem>>, vector<16xf32>,
    %broadcast_in_dim3A_52 = arith.constant 0.000000e+00 : f32
    %broadcast_in_dim3A_53 = vector.broadcast %broadcast_in_dim3A_52 : f32 to vector<16xf32>
    %swap3A_54 = arith.constant 16 : index
    %swap3A_55 = tpu.vector_load %arg6[%swap3A_54] {strides = array<i32>} : memref<640xf32, #tpu.memory_space<vmem>>, vector<16xf32>,
    %swap3A_56 = vector.shape_cast %swap3A_55 : vector<16xf32> to vector<16xf32>
    %swap3A_57 = vector.shape_cast %broadcast_in_dim3A_53 : vector<16xf32> to vector<16xf32>
    tpu.vector_store %arg6[%swap3A_54], %swap3A_57 {strides = array<i32>} : memref<640xf32, #tpu.memory_space<vmem>>, vector<16xf32>,
    %broadcast_in_dim3A_58 = arith.constant 0.000000e+00 : f32
    %broadcast_in_dim3A_59 = vector.broadcast %broadcast_in_dim3A_58 : f32 to vector<16xf32>
    %swap3A_60 = arith.constant 32 : index
    %swap3A_61 = tpu.vector_load %arg6[%swap3A_60] {strides = array<i32>} : memref<640xf32, #tpu.memory_space<vmem>>, vector<16xf32>,
    %swap3A_62 = vector.shape_cast %swap3A_61 : vector<16xf32> to vector<16xf32>
    %swap3A_63 = vector.shape_cast %broadcast_in_dim3A_59 : vector<16xf32> to vector<16xf32>
    tpu.vector_store %arg6[%swap3A_60], %swap3A_63 {strides = array<i32>} : memref<640xf32, #tpu.memory_space<vmem>>, vector<16xf32>,
    %broadcast_in_dim3A_64 = arith.constant 0.000000e+00 : f32
    %broadcast_in_dim3A_65 = vector.broadcast %broadcast_in_dim3A_64 : f32 to vector<16xf32>
    %swap3A_66 = arith.constant 48 : index
    %swap3A_67 = tpu.vector_load %arg6[%swap3A_66] {strides = array<i32>} : memref<640xf32, #tpu.memory_space<vmem>>, vector<16xf32>,
    %swap3A_68 = vector.shape_cast %swap3A_67 : vector<16xf32> to vector<16xf32>
    %swap3A_69 = vector.shape_cast %broadcast_in_dim3A_65 : vector<16xf32> to vector<16xf32>
    tpu.vector_store %arg6[%swap3A_66], %swap3A_69 {strides = array<i32>} : memref<640xf32, #tpu.memory_space<vmem>>, vector<16xf32>,
    %broadcast_in_dim3A_70 = arith.constant 0.000000e+00 : f32
    %broadcast_in_dim3A_71 = vector.broadcast %broadcast_in_dim3A_70 : f32 to vector<16xf32>
    %swap3A_72 = arith.constant 64 : index
    %swap3A_73 = tpu.vector_load %arg6[%swap3A_72] {strides = array<i32>} : memref<640xf32, #tpu.memory_space<vmem>>, vector<16xf32>,
    %swap3A_74 = vector.shape_cast %swap3A_73 : vector<16xf32> to vector<16xf32>
    %swap3A_75 = vector.shape_cast %broadcast_in_dim3A_71 : vector<16xf32> to vector<16xf32>
    tpu.vector_store %arg6[%swap3A_72], %swap3A_75 {strides = array<i32>} : memref<640xf32, #tpu.memory_space<vmem>>, vector<16xf32>,
    %broadcast_in_dim3A_76 = arith.constant 0.000000e+00 : f32
    %broadcast_in_dim3A_77 = vector.broadcast %broadcast_in_dim3A_76 : f32 to vector<16xf32>
    %swap3A_78 = arith.constant 80 : index
    %swap3A_79 = tpu.vector_load %arg6[%swap3A_78] {strides = array<i32>} : memref<640xf32, #tpu.memory_space<vmem>>, vector<16xf32>,
    %swap3A_80 = vector.shape_cast %swap3A_79 : vector<16xf32> to vector<16xf32>
    %swap3A_81 = vector.shape_cast %broadcast_in_dim3A_77 : vector<16xf32> to vector<16xf32>
    tpu.vector_store %arg6[%swap3A_78], %swap3A_81 {strides = array<i32>} : memref<640xf32, #tpu.memory_space<vmem>>, vector<16xf32>,
    %broadcast_in_dim3A_82 = arith.constant 0.000000e+00 : f32
    %broadcast_in_dim3A_83 = vector.broadcast %broadcast_in_dim3A_82 : f32 to vector<16xf32>
    %swap3A_84 = arith.constant 96 : index
    %swap3A_85 = tpu.vector_load %arg6[%swap3A_84] {strides = array<i32>} : memref<640xf32, #tpu.memory_space<vmem>>, vector<16xf32>,
    %swap3A_86 = vector.shape_cast %swap3A_85 : vector<16xf32> to vector<16xf32>
    %swap3A_87 = vector.shape_cast %broadcast_in_dim3A_83 : vector<16xf32> to vector<16xf32>
    tpu.vector_store %arg6[%swap3A_84], %swap3A_87 {strides = array<i32>} : memref<640xf32, #tpu.memory_space<vmem>>, vector<16xf32>,
    %broadcast_in_dim3A_88 = arith.constant 0.000000e+00 : f32
    %broadcast_in_dim3A_89 = vector.broadcast %broadcast_in_dim3A_88 : f32 to vector<16xf32>
    %swap3A_90 = arith.constant 112 : index
    %swap3A_91 = tpu.vector_load %arg6[%swap3A_90] {strides = array<i32>} : memref<640xf32, #tpu.memory_space<vmem>>, vector<16xf32>,
    %swap3A_92 = vector.shape_cast %swap3A_91 : vector<16xf32> to vector<16xf32>
    %swap3A_93 = vector.shape_cast %broadcast_in_dim3A_89 : vector<16xf32> to vector<16xf32>
    tpu.vector_store %arg6[%swap3A_90], %swap3A_93 {strides = array<i32>} : memref<640xf32, #tpu.memory_space<vmem>>, vector<16xf32>,
    %broadcast_in_dim3A_94 = arith.constant 0.000000e+00 : f32
    %broadcast_in_dim3A_95 = vector.broadcast %broadcast_in_dim3A_94 : f32 to vector<16xf32>
    %swap3A_96 = arith.constant 128 : index
    %swap3A_97 = tpu.vector_load %arg6[%swap3A_96] {strides = array<i32>} : memref<640xf32, #tpu.memory_space<vmem>>, vector<16xf32>,
    %swap3A_98 = vector.shape_cast %swap3A_97 : vector<16xf32> to vector<16xf32>
    %swap3A_99 = vector.shape_cast %broadcast_in_dim3A_95 : vector<16xf32> to vector<16xf32>
    tpu.vector_store %arg6[%swap3A_96], %swap3A_99 {strides = array<i32>} : memref<640xf32, #tpu.memory_space<vmem>>, vector<16xf32>,
    %broadcast_in_dim3A_100 = arith.constant 0.000000e+00 : f32
    %broadcast_in_dim3A_101 = vector.broadcast %broadcast_in_dim3A_100 : f32 to vector<16xf32>
    %swap3A_102 = arith.constant 144 : index
    %swap3A_103 = tpu.vector_load %arg6[%swap3A_102] {strides = array<i32>} : memref<640xf32, #tpu.memory_space<vmem>>, vector<16xf32>,
    %swap3A_104 = vector.shape_cast %swap3A_103 : vector<16xf32> to vector<16xf32>
    %swap3A_105 = vector.shape_cast %broadcast_in_dim3A_101 : vector<16xf32> to vector<16xf32>
    tpu.vector_store %arg6[%swap3A_102], %swap3A_105 {strides = array<i32>} : memref<640xf32, #tpu.memory_space<vmem>>, vector<16xf32>,
    %broadcast_in_dim3A_106 = arith.constant 0.000000e+00 : f32
    %broadcast_in_dim3A_107 = vector.broadcast %broadcast_in_dim3A_106 : f32 to vector<16xf32>
    %swap3A_108 = arith.constant 160 : index
    %swap3A_109 = tpu.vector_load %arg6[%swap3A_108] {strides = array<i32>} : memref<640xf32, #tpu.memory_space<vmem>>, vector<16xf32>,
    %swap3A_110 = vector.shape_cast %swap3A_109 : vector<16xf32> to vector<16xf32>
    %swap3A_111 = vector.shape_cast %broadcast_in_dim3A_107 : vector<16xf32> to vector<16xf32>
    tpu.vector_store %arg6[%swap3A_108], %swap3A_111 {strides = array<i32>} : memref<640xf32, #tpu.memory_space<vmem>>, vector<16xf32>,
    %broadcast_in_dim3A_112 = arith.constant 0.000000e+00 : f32
    %broadcast_in_dim3A_113 = vector.broadcast %broadcast_in_dim3A_112 : f32 to vector<16xf32>
    %swap3A_114 = arith.constant 176 : index
    %swap3A_115 = tpu.vector_load %arg6[%swap3A_114] {strides = array<i32>} : memref<640xf32, #tpu.memory_space<vmem>>, vector<16xf32>,
    %swap3A_116 = vector.shape_cast %swap3A_115 : vector<16xf32> to vector<16xf32>
    %swap3A_117 = vector.shape_cast %broadcast_in_dim3A_113 : vector<16xf32> to vector<16xf32>
    tpu.vector_store %arg6[%swap3A_114], %swap3A_117 {strides = array<i32>} : memref<640xf32, #tpu.memory_space<vmem>>, vector<16xf32>,
    %broadcast_in_dim3A_118 = arith.constant 0.000000e+00 : f32
    %broadcast_in_dim3A_119 = vector.broadcast %broadcast_in_dim3A_118 : f32 to vector<16xf32>
    %swap3A_120 = arith.constant 192 : index
    %swap3A_121 = tpu.vector_load %arg6[%swap3A_120] {strides = array<i32>} : memref<640xf32, #tpu.memory_space<vmem>>, vector<16xf32>,
    %swap3A_122 = vector.shape_cast %swap3A_121 : vector<16xf32> to vector<16xf32>
    %swap3A_123 = vector.shape_cast %broadcast_in_dim3A_119 : vector<16xf32> to vector<16xf32>
    tpu.vector_store %arg6[%swap3A_120], %swap3A_123 {strides = array<i32>} : memref<640xf32, #tpu.memory_space<vmem>>, vector<16xf32>,
    %broadcast_in_dim3A_124 = arith.constant 0.000000e+00 : f32
    %broadcast_in_dim3A_125 = vector.broadcast %broadcast_in_dim3A_124 : f32 to vector<16xf32>
    %swap3A_126 = arith.constant 208 : index
    %swap3A_127 = tpu.vector_load %arg6[%swap3A_126] {strides = array<i32>} : memref<640xf32, #tpu.memory_space<vmem>>, vector<16xf32>,
    %swap3A_128 = vector.shape_cast %swap3A_127 : vector<16xf32> to vector<16xf32>
    %swap3A_129 = vector.shape_cast %broadcast_in_dim3A_125 : vector<16xf32> to vector<16xf32>
    tpu.vector_store %arg6[%swap3A_126], %swap3A_129 {strides = array<i32>} : memref<640xf32, #tpu.memory_space<vmem>>, vector<16xf32>,
    %broadcast_in_dim3A_130 = arith.constant 0.000000e+00 : f32
    %broadcast_in_dim3A_131 = vector.broadcast %broadcast_in_dim3A_130 : f32 to vector<16xf32>
    %swap3A_132 = arith.constant 224 : index
    %swap3A_133 = tpu.vector_load %arg6[%swap3A_132] {strides = array<i32>} : memref<640xf32, #tpu.memory_space<vmem>>, vector<16xf32>,
    %swap3A_134 = vector.shape_cast %swap3A_133 : vector<16xf32> to vector<16xf32>
    %swap3A_135 = vector.shape_cast %broadcast_in_dim3A_131 : vector<16xf32> to vector<16xf32>
    tpu.vector_store %arg6[%swap3A_132], %swap3A_135 {strides = array<i32>} : memref<640xf32, #tpu.memory_space<vmem>>, vector<16xf32>,
    %broadcast_in_dim3A_136 = arith.constant 0.000000e+00 : f32
    %broadcast_in_dim3A_137 = vector.broadcast %broadcast_in_dim3A_136 : f32 to vector<16xf32>
    %swap3A_138 = arith.constant 240 : index
    %swap3A_139 = tpu.vector_load %arg6[%swap3A_138] {strides = array<i32>} : memref<640xf32, #tpu.memory_space<vmem>>, vector<16xf32>,
    %swap3A_140 = vector.shape_cast %swap3A_139 : vector<16xf32> to vector<16xf32>
    %swap3A_141 = vector.shape_cast %broadcast_in_dim3A_137 : vector<16xf32> to vector<16xf32>
    tpu.vector_store %arg6[%swap3A_138], %swap3A_141 {strides = array<i32>} : memref<640xf32, #tpu.memory_space<vmem>>, vector<16xf32>,
    %broadcast_in_dim3A_142 = arith.constant 0.000000e+00 : f32
    %broadcast_in_dim3A_143 = vector.broadcast %broadcast_in_dim3A_142 : f32 to vector<16xf32>
    %swap3A_144 = arith.constant 256 : index
    %swap3A_145 = tpu.vector_load %arg6[%swap3A_144] {strides = array<i32>} : memref<640xf32, #tpu.memory_space<vmem>>, vector<16xf32>,
    %swap3A_146 = vector.shape_cast %swap3A_145 : vector<16xf32> to vector<16xf32>
    %swap3A_147 = vector.shape_cast %broadcast_in_dim3A_143 : vector<16xf32> to vector<16xf32>
    tpu.vector_store %arg6[%swap3A_144], %swap3A_147 {strides = array<i32>} : memref<640xf32, #tpu.memory_space<vmem>>, vector<16xf32>,
    %broadcast_in_dim3A_148 = arith.constant 0.000000e+00 : f32
    %broadcast_in_dim3A_149 = vector.broadcast %broadcast_in_dim3A_148 : f32 to vector<16xf32>
    %swap3A_150 = arith.constant 272 : index
    %swap3A_151 = tpu.vector_load %arg6[%swap3A_150] {strides = array<i32>} : memref<640xf32, #tpu.memory_space<vmem>>, vector<16xf32>,
    %swap3A_152 = vector.shape_cast %swap3A_151 : vector<16xf32> to vector<16xf32>
    %swap3A_153 = vector.shape_cast %broadcast_in_dim3A_149 : vector<16xf32> to vector<16xf32>
    tpu.vector_store %arg6[%swap3A_150], %swap3A_153 {strides = array<i32>} : memref<640xf32, #tpu.memory_space<vmem>>, vector<16xf32>,
    %broadcast_in_dim3A_154 = arith.constant 0.000000e+00 : f32
    %broadcast_in_dim3A_155 = vector.broadcast %broadcast_in_dim3A_154 : f32 to vector<16xf32>
    %swap3A_156 = arith.constant 288 : index
    %swap3A_157 = tpu.vector_load %arg6[%swap3A_156] {strides = array<i32>} : memref<640xf32, #tpu.memory_space<vmem>>, vector<16xf32>,
    %swap3A_158 = vector.shape_cast %swap3A_157 : vector<16xf32> to vector<16xf32>
    %swap3A_159 = vector.shape_cast %broadcast_in_dim3A_155 : vector<16xf32> to vector<16xf32>
    tpu.vector_store %arg6[%swap3A_156], %swap3A_159 {strides = array<i32>} : memref<640xf32, #tpu.memory_space<vmem>>, vector<16xf32>,
    %broadcast_in_dim3A_160 = arith.constant 0.000000e+00 : f32
    %broadcast_in_dim3A_161 = vector.broadcast %broadcast_in_dim3A_160 : f32 to vector<16xf32>
    %swap3A_162 = arith.constant 304 : index
    %swap3A_163 = tpu.vector_load %arg6[%swap3A_162] {strides = array<i32>} : memref<640xf32, #tpu.memory_space<vmem>>, vector<16xf32>,
    %swap3A_164 = vector.shape_cast %swap3A_163 : vector<16xf32> to vector<16xf32>
    %swap3A_165 = vector.shape_cast %broadcast_in_dim3A_161 : vector<16xf32> to vector<16xf32>
    tpu.vector_store %arg6[%swap3A_162], %swap3A_165 {strides = array<i32>} : memref<640xf32, #tpu.memory_space<vmem>>, vector<16xf32>,
    %broadcast_in_dim3A_166 = arith.constant 0.000000e+00 : f32
    %broadcast_in_dim3A_167 = vector.broadcast %broadcast_in_dim3A_166 : f32 to vector<16xf32>
    %swap3A_168 = arith.constant 320 : index
    %swap3A_169 = tpu.vector_load %arg6[%swap3A_168] {strides = array<i32>} : memref<640xf32, #tpu.memory_space<vmem>>, vector<16xf32>,
    %swap3A_170 = vector.shape_cast %swap3A_169 : vector<16xf32> to vector<16xf32>
    %swap3A_171 = vector.shape_cast %broadcast_in_dim3A_167 : vector<16xf32> to vector<16xf32>
    tpu.vector_store %arg6[%swap3A_168], %swap3A_171 {strides = array<i32>} : memref<640xf32, #tpu.memory_space<vmem>>, vector<16xf32>,
    %broadcast_in_dim3A_172 = arith.constant 0.000000e+00 : f32
    %broadcast_in_dim3A_173 = vector.broadcast %broadcast_in_dim3A_172 : f32 to vector<16xf32>
    %swap3A_174 = arith.constant 336 : index
    %swap3A_175 = tpu.vector_load %arg6[%swap3A_174] {strides = array<i32>} : memref<640xf32, #tpu.memory_space<vmem>>, vector<16xf32>,
    %swap3A_176 = vector.shape_cast %swap3A_175 : vector<16xf32> to vector<16xf32>
    %swap3A_177 = vector.shape_cast %broadcast_in_dim3A_173 : vector<16xf32> to vector<16xf32>
    tpu.vector_store %arg6[%swap3A_174], %swap3A_177 {strides = array<i32>} : memref<640xf32, #tpu.memory_space<vmem>>, vector<16xf32>,
    %broadcast_in_dim3A_178 = arith.constant 0.000000e+00 : f32
    %broadcast_in_dim3A_179 = vector.broadcast %broadcast_in_dim3A_178 : f32 to vector<16xf32>
    %swap3A_180 = arith.constant 352 : index
    %swap3A_181 = tpu.vector_load %arg6[%swap3A_180] {strides = array<i32>} : memref<640xf32, #tpu.memory_space<vmem>>, vector<16xf32>,
    %swap3A_182 = vector.shape_cast %swap3A_181 : vector<16xf32> to vector<16xf32>
    %swap3A_183 = vector.shape_cast %broadcast_in_dim3A_179 : vector<16xf32> to vector<16xf32>
    tpu.vector_store %arg6[%swap3A_180], %swap3A_183 {strides = array<i32>} : memref<640xf32, #tpu.memory_space<vmem>>, vector<16xf32>,
    %broadcast_in_dim3A_184 = arith.constant 0.000000e+00 : f32
    %broadcast_in_dim3A_185 = vector.broadcast %broadcast_in_dim3A_184 : f32 to vector<16xf32>
    %swap3A_186 = arith.constant 368 : index
    %swap3A_187 = tpu.vector_load %arg6[%swap3A_186] {strides = array<i32>} : memref<640xf32, #tpu.memory_space<vmem>>, vector<16xf32>,
    %swap3A_188 = vector.shape_cast %swap3A_187 : vector<16xf32> to vector<16xf32>
    %swap3A_189 = vector.shape_cast %broadcast_in_dim3A_185 : vector<16xf32> to vector<16xf32>
    tpu.vector_store %arg6[%swap3A_186], %swap3A_189 {strides = array<i32>} : memref<640xf32, #tpu.memory_space<vmem>>, vector<16xf32>,
    %broadcast_in_dim3A_190 = arith.constant 0.000000e+00 : f32
    %broadcast_in_dim3A_191 = vector.broadcast %broadcast_in_dim3A_190 : f32 to vector<16xf32>
    %swap3A_192 = arith.constant 384 : index
    %swap3A_193 = tpu.vector_load %arg6[%swap3A_192] {strides = array<i32>} : memref<640xf32, #tpu.memory_space<vmem>>, vector<16xf32>,
    %swap3A_194 = vector.shape_cast %swap3A_193 : vector<16xf32> to vector<16xf32>
    %swap3A_195 = vector.shape_cast %broadcast_in_dim3A_191 : vector<16xf32> to vector<16xf32>
    tpu.vector_store %arg6[%swap3A_192], %swap3A_195 {strides = array<i32>} : memref<640xf32, #tpu.memory_space<vmem>>, vector<16xf32>,
    %broadcast_in_dim3A_196 = arith.constant 0.000000e+00 : f32
    %broadcast_in_dim3A_197 = vector.broadcast %broadcast_in_dim3A_196 : f32 to vector<16xf32>
    %swap3A_198 = arith.constant 400 : index
    %swap3A_199 = tpu.vector_load %arg6[%swap3A_198] {strides = array<i32>} : memref<640xf32, #tpu.memory_space<vmem>>, vector<16xf32>,
    %swap3A_200 = vector.shape_cast %swap3A_199 : vector<16xf32> to vector<16xf32>
    %swap3A_201 = vector.shape_cast %broadcast_in_dim3A_197 : vector<16xf32> to vector<16xf32>
    tpu.vector_store %arg6[%swap3A_198], %swap3A_201 {strides = array<i32>} : memref<640xf32, #tpu.memory_space<vmem>>, vector<16xf32>,
    %broadcast_in_dim3A_202 = arith.constant 0.000000e+00 : f32
    %broadcast_in_dim3A_203 = vector.broadcast %broadcast_in_dim3A_202 : f32 to vector<16xf32>
    %swap3A_204 = arith.constant 416 : index
    %swap3A_205 = tpu.vector_load %arg6[%swap3A_204] {strides = array<i32>} : memref<640xf32, #tpu.memory_space<vmem>>, vector<16xf32>,
    %swap3A_206 = vector.shape_cast %swap3A_205 : vector<16xf32> to vector<16xf32>
    %swap3A_207 = vector.shape_cast %broadcast_in_dim3A_203 : vector<16xf32> to vector<16xf32>
    tpu.vector_store %arg6[%swap3A_204], %swap3A_207 {strides = array<i32>} : memref<640xf32, #tpu.memory_space<vmem>>, vector<16xf32>,
    %broadcast_in_dim3A_208 = arith.constant 0.000000e+00 : f32
    %broadcast_in_dim3A_209 = vector.broadcast %broadcast_in_dim3A_208 : f32 to vector<16xf32>
    %swap3A_210 = arith.constant 432 : index
    %swap3A_211 = tpu.vector_load %arg6[%swap3A_210] {strides = array<i32>} : memref<640xf32, #tpu.memory_space<vmem>>, vector<16xf32>,
    %swap3A_212 = vector.shape_cast %swap3A_211 : vector<16xf32> to vector<16xf32>
    %swap3A_213 = vector.shape_cast %broadcast_in_dim3A_209 : vector<16xf32> to vector<16xf32>
    tpu.vector_store %arg6[%swap3A_210], %swap3A_213 {strides = array<i32>} : memref<640xf32, #tpu.memory_space<vmem>>, vector<16xf32>,
    %broadcast_in_dim3A_214 = arith.constant 0.000000e+00 : f32
    %broadcast_in_dim3A_215 = vector.broadcast %broadcast_in_dim3A_214 : f32 to vector<16xf32>
    %swap3A_216 = arith.constant 448 : index
    %swap3A_217 = tpu.vector_load %arg6[%swap3A_216] {strides = array<i32>} : memref<640xf32, #tpu.memory_space<vmem>>, vector<16xf32>,
    %swap3A_218 = vector.shape_cast %swap3A_217 : vector<16xf32> to vector<16xf32>
    %swap3A_219 = vector.shape_cast %broadcast_in_dim3A_215 : vector<16xf32> to vector<16xf32>
    tpu.vector_store %arg6[%swap3A_216], %swap3A_219 {strides = array<i32>} : memref<640xf32, #tpu.memory_space<vmem>>, vector<16xf32>,
    %broadcast_in_dim3A_220 = arith.constant 0.000000e+00 : f32
    %broadcast_in_dim3A_221 = vector.broadcast %broadcast_in_dim3A_220 : f32 to vector<16xf32>
    %swap3A_222 = arith.constant 464 : index
    %swap3A_223 = tpu.vector_load %arg6[%swap3A_222] {strides = array<i32>} : memref<640xf32, #tpu.memory_space<vmem>>, vector<16xf32>,
    %swap3A_224 = vector.shape_cast %swap3A_223 : vector<16xf32> to vector<16xf32>
    %swap3A_225 = vector.shape_cast %broadcast_in_dim3A_221 : vector<16xf32> to vector<16xf32>
    tpu.vector_store %arg6[%swap3A_222], %swap3A_225 {strides = array<i32>} : memref<640xf32, #tpu.memory_space<vmem>>, vector<16xf32>,
    %broadcast_in_dim3A_226 = arith.constant 0.000000e+00 : f32
    %broadcast_in_dim3A_227 = vector.broadcast %broadcast_in_dim3A_226 : f32 to vector<16xf32>
    %swap3A_228 = arith.constant 480 : index
    %swap3A_229 = tpu.vector_load %arg6[%swap3A_228] {strides = array<i32>} : memref<640xf32, #tpu.memory_space<vmem>>, vector<16xf32>,
    %swap3A_230 = vector.shape_cast %swap3A_229 : vector<16xf32> to vector<16xf32>
    %swap3A_231 = vector.shape_cast %broadcast_in_dim3A_227 : vector<16xf32> to vector<16xf32>
    tpu.vector_store %arg6[%swap3A_228], %swap3A_231 {strides = array<i32>} : memref<640xf32, #tpu.memory_space<vmem>>, vector<16xf32>,
    %broadcast_in_dim3A_232 = arith.constant 0.000000e+00 : f32
    %broadcast_in_dim3A_233 = vector.broadcast %broadcast_in_dim3A_232 : f32 to vector<16xf32>
    %swap3A_234 = arith.constant 496 : index
    %swap3A_235 = tpu.vector_load %arg6[%swap3A_234] {strides = array<i32>} : memref<640xf32, #tpu.memory_space<vmem>>, vector<16xf32>,
    %swap3A_236 = vector.shape_cast %swap3A_235 : vector<16xf32> to vector<16xf32>
    %swap3A_237 = vector.shape_cast %broadcast_in_dim3A_233 : vector<16xf32> to vector<16xf32>
    tpu.vector_store %arg6[%swap3A_234], %swap3A_237 {strides = array<i32>} : memref<640xf32, #tpu.memory_space<vmem>>, vector<16xf32>,
    %broadcast_in_dim3A_238 = arith.constant 0.000000e+00 : f32
    %broadcast_in_dim3A_239 = vector.broadcast %broadcast_in_dim3A_238 : f32 to vector<16xf32>
    %swap3A_240 = arith.constant 512 : index
    %swap3A_241 = tpu.vector_load %arg6[%swap3A_240] {strides = array<i32>} : memref<640xf32, #tpu.memory_space<vmem>>, vector<16xf32>,
    %swap3A_242 = vector.shape_cast %swap3A_241 : vector<16xf32> to vector<16xf32>
    %swap3A_243 = vector.shape_cast %broadcast_in_dim3A_239 : vector<16xf32> to vector<16xf32>
    tpu.vector_store %arg6[%swap3A_240], %swap3A_243 {strides = array<i32>} : memref<640xf32, #tpu.memory_space<vmem>>, vector<16xf32>,
    %broadcast_in_dim3A_244 = arith.constant 0.000000e+00 : f32
    %broadcast_in_dim3A_245 = vector.broadcast %broadcast_in_dim3A_244 : f32 to vector<16xf32>
    %swap3A_246 = arith.constant 528 : index
    %swap3A_247 = tpu.vector_load %arg6[%swap3A_246] {strides = array<i32>} : memref<640xf32, #tpu.memory_space<vmem>>, vector<16xf32>,
    %swap3A_248 = vector.shape_cast %swap3A_247 : vector<16xf32> to vector<16xf32>
    %swap3A_249 = vector.shape_cast %broadcast_in_dim3A_245 : vector<16xf32> to vector<16xf32>
    tpu.vector_store %arg6[%swap3A_246], %swap3A_249 {strides = array<i32>} : memref<640xf32, #tpu.memory_space<vmem>>, vector<16xf32>,
    %broadcast_in_dim3A_250 = arith.constant 0.000000e+00 : f32
    %broadcast_in_dim3A_251 = vector.broadcast %broadcast_in_dim3A_250 : f32 to vector<16xf32>
    %swap3A_252 = arith.constant 544 : index
    %swap3A_253 = tpu.vector_load %arg6[%swap3A_252] {strides = array<i32>} : memref<640xf32, #tpu.memory_space<vmem>>, vector<16xf32>,
    %swap3A_254 = vector.shape_cast %swap3A_253 : vector<16xf32> to vector<16xf32>
    %swap3A_255 = vector.shape_cast %broadcast_in_dim3A_251 : vector<16xf32> to vector<16xf32>
    tpu.vector_store %arg6[%swap3A_252], %swap3A_255 {strides = array<i32>} : memref<640xf32, #tpu.memory_space<vmem>>, vector<16xf32>,
    %broadcast_in_dim3A_256 = arith.constant 0.000000e+00 : f32
    %broadcast_in_dim3A_257 = vector.broadcast %broadcast_in_dim3A_256 : f32 to vector<16xf32>
    %swap3A_258 = arith.constant 560 : index
    %swap3A_259 = tpu.vector_load %arg6[%swap3A_258] {strides = array<i32>} : memref<640xf32, #tpu.memory_space<vmem>>, vector<16xf32>,
    %swap3A_260 = vector.shape_cast %swap3A_259 : vector<16xf32> to vector<16xf32>
    %swap3A_261 = vector.shape_cast %broadcast_in_dim3A_257 : vector<16xf32> to vector<16xf32>
    tpu.vector_store %arg6[%swap3A_258], %swap3A_261 {strides = array<i32>} : memref<640xf32, #tpu.memory_space<vmem>>, vector<16xf32>,
    %broadcast_in_dim3A_262 = arith.constant 0.000000e+00 : f32
    %broadcast_in_dim3A_263 = vector.broadcast %broadcast_in_dim3A_262 : f32 to vector<16xf32>
    %swap3A_264 = arith.constant 576 : index
    %swap3A_265 = tpu.vector_load %arg6[%swap3A_264] {strides = array<i32>} : memref<640xf32, #tpu.memory_space<vmem>>, vector<16xf32>,
    %swap3A_266 = vector.shape_cast %swap3A_265 : vector<16xf32> to vector<16xf32>
    %swap3A_267 = vector.shape_cast %broadcast_in_dim3A_263 : vector<16xf32> to vector<16xf32>
    tpu.vector_store %arg6[%swap3A_264], %swap3A_267 {strides = array<i32>} : memref<640xf32, #tpu.memory_space<vmem>>, vector<16xf32>,
    %broadcast_in_dim3A_268 = arith.constant 0.000000e+00 : f32
    %broadcast_in_dim3A_269 = vector.broadcast %broadcast_in_dim3A_268 : f32 to vector<16xf32>
    %swap3A_270 = arith.constant 592 : index
    %swap3A_271 = tpu.vector_load %arg6[%swap3A_270] {strides = array<i32>} : memref<640xf32, #tpu.memory_space<vmem>>, vector<16xf32>,
    %swap3A_272 = vector.shape_cast %swap3A_271 : vector<16xf32> to vector<16xf32>
    %swap3A_273 = vector.shape_cast %broadcast_in_dim3A_269 : vector<16xf32> to vector<16xf32>
    tpu.vector_store %arg6[%swap3A_270], %swap3A_273 {strides = array<i32>} : memref<640xf32, #tpu.memory_space<vmem>>, vector<16xf32>,
    %broadcast_in_dim3A_274 = arith.constant 0.000000e+00 : f32
    %broadcast_in_dim3A_275 = vector.broadcast %broadcast_in_dim3A_274 : f32 to vector<16xf32>
    %swap3A_276 = arith.constant 608 : index
    %swap3A_277 = tpu.vector_load %arg6[%swap3A_276] {strides = array<i32>} : memref<640xf32, #tpu.memory_space<vmem>>, vector<16xf32>,
    %swap3A_278 = vector.shape_cast %swap3A_277 : vector<16xf32> to vector<16xf32>
    %swap3A_279 = vector.shape_cast %broadcast_in_dim3A_275 : vector<16xf32> to vector<16xf32>
    tpu.vector_store %arg6[%swap3A_276], %swap3A_279 {strides = array<i32>} : memref<640xf32, #tpu.memory_space<vmem>>, vector<16xf32>,
    %broadcast_in_dim3A_280 = arith.constant 0.000000e+00 : f32
    %broadcast_in_dim3A_281 = vector.broadcast %broadcast_in_dim3A_280 : f32 to vector<16xf32>
    %swap3A_282 = arith.constant 624 : index
    %swap3A_283 = tpu.vector_load %arg6[%swap3A_282] {strides = array<i32>} : memref<640xf32, #tpu.memory_space<vmem>>, vector<16xf32>,
    %swap3A_284 = vector.shape_cast %swap3A_283 : vector<16xf32> to vector<16xf32>
    %swap3A_285 = vector.shape_cast %broadcast_in_dim3A_281 : vector<16xf32> to vector<16xf32>
    tpu.vector_store %arg6[%swap3A_282], %swap3A_285 {strides = array<i32>} : memref<640xf32, #tpu.memory_space<vmem>>, vector<16xf32>,
    %mul3A = arith.constant 640 : i32
    %mul3A_286 = arith.muli %arg1, %mul3A : i32
    "tpu.region"() ({
      %run_scoped3A = tpu.sem_alloc : memref<!tpu.dma_semaphore, #tpu.memory_space<semaphore_mem>>
      %dma_start3A = tpu.memref_slice %arg7[%mul3A_286] : memref<10240xf32, #tpu.memory_space<vmem_shared>> -> memref<640xf32, #tpu.memory_space<vmem_shared>>
      %dma_start3A_300 = tpu.memref_slice %arg7[%mul3A_286] : memref<10240xf32, #tpu.memory_space<vmem_shared>> -> memref<640xf32, #tpu.memory_space<vmem_shared>>
      tpu.enqueue_dma source(%arg6 : memref<640xf32, #tpu.memory_space<vmem>>) target(%dma_start3A_300 : memref<640xf32, #tpu.memory_space<vmem_shared>>) target_semaphore(%run_scoped3A : memref<!tpu.dma_semaphore, #tpu.memory_space<semaphore_mem>>)
      %dma_wait3A = tpu.memref_slice %arg7[%mul3A_286] : memref<10240xf32, #tpu.memory_space<vmem_shared>> -> memref<640xf32, #tpu.memory_space<vmem_shared>>
      %dma_wait3A_301 = tpu.memref_slice %arg7[%mul3A_286] : memref<10240xf32, #tpu.memory_space<vmem_shared>> -> memref<640xf32, #tpu.memory_space<vmem_shared>>
      tpu.wait_dma2 semaphore(%run_scoped3A : memref<!tpu.dma_semaphore, #tpu.memory_space<semaphore_mem>>) src(%arg6 : memref<640xf32, #tpu.memory_space<vmem>>) dst(%dma_wait3A_301 : memref<640xf32, #tpu.memory_space<vmem_shared>>)
      tpu.yield
    }) : () -> ()
    %barrier3A = arith.constant 0 : index
    tpu.barrier barrier_id(%barrier3A)
    %mul3A_287 = arith.constant 161792 : i32
    %mul3A_288 = arith.muli %arg0, %mul3A_287 : i32
    %mul3A_289 = arith.constant 10112 : i32
    %mul3A_290 = arith.muli %arg1, %mul3A_289 : i32
    %add3A = arith.addi %mul3A_288, %mul3A_290 : i32
    %scan3A = arith.constant 0 : i32
    %scan3A_291 = arith.constant 79 : i32
    %scan3A_292 = arith.addi %scan3A, %scan3A_291 : i32
    %scan3A_293 = arith.constant 1 : i32
    scf.for %scan3A_300 = %scan3A to %scan3A_292 step %scan3A_293  : i32 {
      %mul3A_301 = arith.constant 1 : i32
      %mul3A_302 = arith.muli %scan3A_300, %mul3A_301 : i32
      %add3A_303 = arith.constant 0 : i32
      %add3A_304 = arith.addi %add3A_303, %mul3A_302 : i32
      %mul3A_305 = arith.constant 128 : i32
      %mul3A_306 = arith.muli %add3A_304, %mul3A_305 : i32
      %add3A_307 = arith.addi %add3A, %mul3A_306 : i32
      "tpu.region"() ({
        %run_scoped3A = tpu.sem_alloc : memref<!tpu.dma_semaphore, #tpu.memory_space<semaphore_mem>>
        %dma_start3A = tpu.memref_slice %arg2[%add3A_307] : memref<323584xi32, #tpu.memory_space<hbm>> -> memref<128xi32, #tpu.memory_space<hbm>>
        %dma_start3A_308 = tpu.memref_slice %arg2[%add3A_307] : memref<323584xi32, #tpu.memory_space<hbm>> -> memref<128xi32, #tpu.memory_space<hbm>>
        tpu.enqueue_dma source(%dma_start3A_308 : memref<128xi32, #tpu.memory_space<hbm>>) target(%arg4 : memref<128xi32, #tpu.memory_space<vmem>>) target_semaphore(%run_scoped3A : memref<!tpu.dma_semaphore, #tpu.memory_space<semaphore_mem>>)
        %dma_wait3A = tpu.memref_slice %arg2[%add3A_307] : memref<323584xi32, #tpu.memory_space<hbm>> -> memref<128xi32, #tpu.memory_space<hbm>>
        %dma_wait3A_309 = tpu.memref_slice %arg2[%add3A_307] : memref<323584xi32, #tpu.memory_space<hbm>> -> memref<128xi32, #tpu.memory_space<hbm>>
        tpu.wait_dma2 semaphore(%run_scoped3A : memref<!tpu.dma_semaphore, #tpu.memory_space<semaphore_mem>>) src(%dma_wait3A_309 : memref<128xi32, #tpu.memory_space<hbm>>) dst(%arg4 : memref<128xi32, #tpu.memory_space<vmem>>)
        tpu.yield
      }) : () -> ()
      "tpu.region"() ({
        %run_scoped3A = tpu.sem_alloc : memref<!tpu.dma_semaphore, #tpu.memory_space<semaphore_mem>>
        %dma_start3A = arith.constant 0 : i32
        %dma_start3A_308 = tpu.memref_slice %arg7[%dma_start3A] : memref<10240xf32, #tpu.memory_space<vmem_shared>> -> memref<10240xf32, #tpu.memory_space<vmem_shared>>
        tpu.enqueue_indirect_dma source(%arg5 : memref<128xf32, #tpu.memory_space<vmem>>) target(%dma_start3A_308 : memref<10240xf32, #tpu.memory_space<vmem_shared>>) offsets(%arg4 : memref<128xi32, #tpu.memory_space<vmem>>) semaphore(%run_scoped3A : memref<!tpu.dma_semaphore, #tpu.memory_space<semaphore_mem>>) {add = true}
        %dma_wait3A = arith.constant 0 : i32
        %dma_wait3A_309 = tpu.memref_slice %arg7[%dma_wait3A] : memref<10240xf32, #tpu.memory_space<vmem_shared>> -> memref<10240xf32, #tpu.memory_space<vmem_shared>>
        tpu.wait_indirect_dma semaphore(%run_scoped3A : memref<!tpu.dma_semaphore, #tpu.memory_space<semaphore_mem>>) src(%arg5 : memref<128xf32, #tpu.memory_space<vmem>>) dst(%dma_wait3A_309 : memref<10240xf32, #tpu.memory_space<vmem_shared>>)
        tpu.yield
      }) : () -> ()
    }
    %scan3A_294 = arith.constant 79 : i32
    %barrier3A_295 = arith.constant 0 : index
    tpu.barrier barrier_id(%barrier3A_295)
    %mul3A_296 = arith.constant 640 : i32
    %mul3A_297 = arith.muli %arg1, %mul3A_296 : i32
    %mul3A_298 = arith.constant 640 : i32
    %mul3A_299 = arith.muli %arg1, %mul3A_298 : i32
    "tpu.region"() ({
      %run_scoped3A = tpu.sem_alloc : memref<!tpu.dma_semaphore, #tpu.memory_space<semaphore_mem>>
      %dma_start3A = tpu.memref_slice %arg3[%arg0, %mul3A_299] : memref<2x10240xf32, #tpu.memory_space<hbm>> -> memref<1x640xf32, #tpu.memory_space<hbm>>
      %dma_start3A_300 = tpu.memref_squeeze %dma_start3A : memref<1x640xf32, #tpu.memory_space<hbm>> -> memref<640xf32, #tpu.memory_space<hbm>>
      %dma_start3A_301 = tpu.memref_slice %arg7[%mul3A_297] : memref<10240xf32, #tpu.memory_space<vmem_shared>> -> memref<640xf32, #tpu.memory_space<vmem_shared>>
      tpu.enqueue_dma source(%dma_start3A_301 : memref<640xf32, #tpu.memory_space<vmem_shared>>) target(%dma_start3A_300 : memref<640xf32, #tpu.memory_space<hbm>>) target_semaphore(%run_scoped3A : memref<!tpu.dma_semaphore, #tpu.memory_space<semaphore_mem>>)
      %dma_wait3A = tpu.memref_slice %arg3[%arg0, %mul3A_299] : memref<2x10240xf32, #tpu.memory_space<hbm>> -> memref<1x640xf32, #tpu.memory_space<hbm>>
      %dma_wait3A_302 = tpu.memref_squeeze %dma_wait3A : memref<1x640xf32, #tpu.memory_space<hbm>> -> memref<640xf32, #tpu.memory_space<hbm>>
      %dma_wait3A_303 = tpu.memref_slice %arg7[%mul3A_297] : memref<10240xf32, #tpu.memory_space<vmem_shared>> -> memref<640xf32, #tpu.memory_space<vmem_shared>>
      tpu.wait_dma2 semaphore(%run_scoped3A : memref<!tpu.dma_semaphore, #tpu.memory_space<semaphore_mem>>) src(%dma_wait3A_303 : memref<640xf32, #tpu.memory_space<vmem_shared>>) dst(%dma_wait3A_302 : memref<640xf32, #tpu.memory_space<hbm>>)
      tpu.yield
    }) : () -> ()
    return
  }
}

#map = affine_map<(d0, d1) -> (0)>
#map1 = affine_map<(d0, d1) -> (0, 0)>
#map2 = affine_map<(d0, d1) -> (0, 0, 0, 0)>
module attributes {stable_mosaic.version = 14 : i64} {
  func.func @_agg(%arg0: i32, %arg1: i32, %arg2: memref<323584xi32, #tpu.memory_space<hbm>>, %arg3: memref<323584xi32, #tpu.memory_space<hbm>>, %arg4: memref<10240x128xf32, #tpu.memory_space<hbm>>, %arg5: memref<2x1x10240x128xf32, #tpu.memory_space<hbm>>, %arg6: memref<128xi32, #tpu.memory_space<vmem>>, %arg7: memref<128xi32, #tpu.memory_space<vmem>>, %arg8: memref<128xi32, #tpu.memory_space<vmem>>, %arg9: memref<128x128xf32, #tpu.memory_space<vmem>>, %arg10: memref<10240x128xf32, #tpu.memory_space<vmem_shared>>, %arg11: memref<!tpu.dma_semaphore, #tpu.memory_space<semaphore_mem>>) attributes {dimension_semantics = [#tpu.dimension_semantics<core_parallel>, #tpu.dimension_semantics<subcore_parallel>], iteration_bounds = array<i64: 2, 16>, scalar_prefetch = 0 : i64, scratch_operands = 6 : i64, tpu.core_type = #tpu.core_type<sc_vector_subcore>, window_params = [{transform_indices = #map}, {transform_indices = #map}, {transform_indices = #map1}, {transform_indices = #map2}]} {
    %mul3A = arith.constant 161792 : i32
    %mul3A_0 = arith.muli %arg0, %mul3A : i32
    %mul3A_1 = arith.constant 10112 : i32
    %mul3A_2 = arith.muli %arg1, %mul3A_1 : i32
    %add3A = arith.addi %mul3A_0, %mul3A_2 : i32
    %mul3A_3 = arith.constant 640 : i32
    %mul3A_4 = arith.muli %arg1, %mul3A_3 : i32
    %add3A_5 = arith.constant 0 : i32
    %add3A_6 = arith.addi %add3A_5, %mul3A_4 : i32
    %mul3A_7 = arith.constant 640 : i32
    %mul3A_8 = arith.muli %arg1, %mul3A_7 : i32
    "tpu.region"() ({
      %run_scoped3A_19 = tpu.sem_alloc : memref<!tpu.dma_semaphore, #tpu.memory_space<semaphore_mem>>
      %dma_start3A = arith.constant 0 : i32
      %dma_start3A_20 = tpu.memref_slice %arg10[%mul3A_8, %dma_start3A] : memref<10240x128xf32, #tpu.memory_space<vmem_shared>> -> memref<640x128xf32, #tpu.memory_space<vmem_shared>>
      %dma_start3A_21 = arith.constant 0 : i32
      %dma_start3A_22 = tpu.memref_slice %arg4[%add3A_6, %dma_start3A_21] : memref<10240x128xf32, #tpu.memory_space<hbm>> -> memref<640x128xf32, #tpu.memory_space<hbm>>
      tpu.enqueue_dma source(%dma_start3A_22 : memref<640x128xf32, #tpu.memory_space<hbm>>) target(%dma_start3A_20 : memref<640x128xf32, #tpu.memory_space<vmem_shared>>) target_semaphore(%run_scoped3A_19 : memref<!tpu.dma_semaphore, #tpu.memory_space<semaphore_mem>>)
      %dma_wait3A = arith.constant 0 : i32
      %dma_wait3A_23 = tpu.memref_slice %arg10[%mul3A_8, %dma_wait3A] : memref<10240x128xf32, #tpu.memory_space<vmem_shared>> -> memref<640x128xf32, #tpu.memory_space<vmem_shared>>
      %dma_wait3A_24 = arith.constant 0 : i32
      %dma_wait3A_25 = tpu.memref_slice %arg4[%add3A_6, %dma_wait3A_24] : memref<10240x128xf32, #tpu.memory_space<hbm>> -> memref<640x128xf32, #tpu.memory_space<hbm>>
      tpu.wait_dma2 semaphore(%run_scoped3A_19 : memref<!tpu.dma_semaphore, #tpu.memory_space<semaphore_mem>>) src(%dma_wait3A_25 : memref<640x128xf32, #tpu.memory_space<hbm>>) dst(%dma_wait3A_23 : memref<640x128xf32, #tpu.memory_space<vmem_shared>>)
      tpu.yield
    }) : () -> ()
    %barrier3A = arith.constant 0 : index
    tpu.barrier barrier_id(%barrier3A)
    %scan3A = arith.constant 0 : i32
    %scan3A_9 = arith.constant 79 : i32
    %scan3A_10 = arith.addi %scan3A, %scan3A_9 : i32
    %scan3A_11 = arith.constant 1 : i32
    scf.for %scan3A_19 = %scan3A to %scan3A_10 step %scan3A_11  : i32 {
      %mul3A_20 = arith.constant 1 : i32
      %mul3A_21 = arith.muli %scan3A_19, %mul3A_20 : i32
      %add3A_22 = arith.constant 0 : i32
      %add3A_23 = arith.addi %add3A_22, %mul3A_21 : i32
      %mul3A_24 = arith.constant 128 : i32
      %mul3A_25 = arith.muli %add3A_23, %mul3A_24 : i32
      %add3A_26 = arith.addi %add3A, %mul3A_25 : i32
      "tpu.region"() ({
        %run_scoped3A_31 = tpu.sem_alloc : memref<!tpu.dma_semaphore, #tpu.memory_space<semaphore_mem>>
        %dma_start3A_32 = tpu.memref_slice %arg2[%add3A_26] : memref<323584xi32, #tpu.memory_space<hbm>> -> memref<128xi32, #tpu.memory_space<hbm>>
        %dma_start3A_33 = tpu.memref_slice %arg2[%add3A_26] : memref<323584xi32, #tpu.memory_space<hbm>> -> memref<128xi32, #tpu.memory_space<hbm>>
        tpu.enqueue_dma source(%dma_start3A_33 : memref<128xi32, #tpu.memory_space<hbm>>) target(%arg6 : memref<128xi32, #tpu.memory_space<vmem>>) target_semaphore(%run_scoped3A_31 : memref<!tpu.dma_semaphore, #tpu.memory_space<semaphore_mem>>)
        %dma_wait3A_34 = tpu.memref_slice %arg2[%add3A_26] : memref<323584xi32, #tpu.memory_space<hbm>> -> memref<128xi32, #tpu.memory_space<hbm>>
        %dma_wait3A_35 = tpu.memref_slice %arg2[%add3A_26] : memref<323584xi32, #tpu.memory_space<hbm>> -> memref<128xi32, #tpu.memory_space<hbm>>
        tpu.wait_dma2 semaphore(%run_scoped3A_31 : memref<!tpu.dma_semaphore, #tpu.memory_space<semaphore_mem>>) src(%dma_wait3A_35 : memref<128xi32, #tpu.memory_space<hbm>>) dst(%arg6 : memref<128xi32, #tpu.memory_space<vmem>>)
        tpu.yield
      }) : () -> ()
      "tpu.region"() ({
        %run_scoped3A_31 = tpu.sem_alloc : memref<!tpu.dma_semaphore, #tpu.memory_space<semaphore_mem>>
        %dma_start3A_32 = tpu.memref_slice %arg3[%add3A_26] : memref<323584xi32, #tpu.memory_space<hbm>> -> memref<128xi32, #tpu.memory_space<hbm>>
        %dma_start3A_33 = tpu.memref_slice %arg3[%add3A_26] : memref<323584xi32, #tpu.memory_space<hbm>> -> memref<128xi32, #tpu.memory_space<hbm>>
        tpu.enqueue_dma source(%dma_start3A_33 : memref<128xi32, #tpu.memory_space<hbm>>) target(%arg7 : memref<128xi32, #tpu.memory_space<vmem>>) target_semaphore(%run_scoped3A_31 : memref<!tpu.dma_semaphore, #tpu.memory_space<semaphore_mem>>)
        %dma_wait3A_34 = tpu.memref_slice %arg3[%add3A_26] : memref<323584xi32, #tpu.memory_space<hbm>> -> memref<128xi32, #tpu.memory_space<hbm>>
        %dma_wait3A_35 = tpu.memref_slice %arg3[%add3A_26] : memref<323584xi32, #tpu.memory_space<hbm>> -> memref<128xi32, #tpu.memory_space<hbm>>
        tpu.wait_dma2 semaphore(%run_scoped3A_31 : memref<!tpu.dma_semaphore, #tpu.memory_space<semaphore_mem>>) src(%dma_wait3A_35 : memref<128xi32, #tpu.memory_space<hbm>>) dst(%arg7 : memref<128xi32, #tpu.memory_space<vmem>>)
        tpu.yield
      }) : () -> ()
      %dma_start3A = arith.constant 0 : i32
      %dma_start3A_27 = arith.constant 0 : i32
      %dma_start3A_28 = tpu.memref_slice %arg4[%dma_start3A, %dma_start3A_27] : memref<10240x128xf32, #tpu.memory_space<hbm>> -> memref<10240x128xf32, #tpu.memory_space<hbm>>
      tpu.enqueue_indirect_dma source(%dma_start3A_28 : memref<10240x128xf32, #tpu.memory_space<hbm>>) target(%arg9 : memref<128x128xf32, #tpu.memory_space<vmem>>) offsets(%arg6 : memref<128xi32, #tpu.memory_space<vmem>>) semaphore(%arg11 : memref<!tpu.dma_semaphore, #tpu.memory_space<semaphore_mem>>)
      %dma_wait3A = arith.constant 0 : i32
      %dma_wait3A_29 = arith.constant 0 : i32
      %dma_wait3A_30 = tpu.memref_slice %arg4[%dma_wait3A, %dma_wait3A_29] : memref<10240x128xf32, #tpu.memory_space<hbm>> -> memref<10240x128xf32, #tpu.memory_space<hbm>>
      tpu.wait_indirect_dma semaphore(%arg11 : memref<!tpu.dma_semaphore, #tpu.memory_space<semaphore_mem>>) src(%dma_wait3A_30 : memref<10240x128xf32, #tpu.memory_space<hbm>>) dst(%arg9 : memref<128x128xf32, #tpu.memory_space<vmem>>)
      "tpu.region"() ({
        %run_scoped3A_31 = tpu.sem_alloc : memref<!tpu.dma_semaphore, #tpu.memory_space<semaphore_mem>>
        %dma_start3A_32 = arith.constant 0 : i32
        %dma_start3A_33 = arith.constant 0 : i32
        %dma_start3A_34 = tpu.memref_slice %arg10[%dma_start3A_32, %dma_start3A_33] : memref<10240x128xf32, #tpu.memory_space<vmem_shared>> -> memref<10240x128xf32, #tpu.memory_space<vmem_shared>>
        tpu.enqueue_indirect_dma source(%arg9 : memref<128x128xf32, #tpu.memory_space<vmem>>) target(%dma_start3A_34 : memref<10240x128xf32, #tpu.memory_space<vmem_shared>>) offsets(%arg7 : memref<128xi32, #tpu.memory_space<vmem>>) semaphore(%run_scoped3A_31 : memref<!tpu.dma_semaphore, #tpu.memory_space<semaphore_mem>>) {add = true}
        %dma_wait3A_35 = arith.constant 0 : i32
        %dma_wait3A_36 = arith.constant 0 : i32
        %dma_wait3A_37 = tpu.memref_slice %arg10[%dma_wait3A_35, %dma_wait3A_36] : memref<10240x128xf32, #tpu.memory_space<vmem_shared>> -> memref<10240x128xf32, #tpu.memory_space<vmem_shared>>
        tpu.wait_indirect_dma semaphore(%run_scoped3A_31 : memref<!tpu.dma_semaphore, #tpu.memory_space<semaphore_mem>>) src(%arg9 : memref<128x128xf32, #tpu.memory_space<vmem>>) dst(%dma_wait3A_37 : memref<10240x128xf32, #tpu.memory_space<vmem_shared>>)
        tpu.yield
      }) : () -> ()
    }
    %scan3A_12 = arith.constant 79 : i32
    %barrier3A_13 = arith.constant 0 : index
    tpu.barrier barrier_id(%barrier3A_13)
    %mul3A_14 = arith.constant 640 : i32
    %mul3A_15 = arith.muli %arg1, %mul3A_14 : i32
    %mul3A_16 = arith.constant 640 : i32
    %mul3A_17 = arith.muli %arg1, %mul3A_16 : i32
    %run_scoped3A = arith.constant 0 : i32
    "tpu.region"() ({
      %run_scoped3A_19 = tpu.sem_alloc : memref<!tpu.dma_semaphore, #tpu.memory_space<semaphore_mem>>
      %dma_start3A = arith.constant 0 : i32
      %dma_start3A_20 = tpu.memref_slice %arg5[%arg0, %run_scoped3A, %mul3A_17, %dma_start3A] : memref<2x1x10240x128xf32, #tpu.memory_space<hbm>> -> memref<1x1x640x128xf32, #tpu.memory_space<hbm>>
      %dma_start3A_21 = tpu.memref_squeeze %dma_start3A_20 : memref<1x1x640x128xf32, #tpu.memory_space<hbm>> -> memref<640x128xf32, #tpu.memory_space<hbm>>
      %dma_start3A_22 = arith.constant 0 : i32
      %dma_start3A_23 = tpu.memref_slice %arg10[%mul3A_15, %dma_start3A_22] : memref<10240x128xf32, #tpu.memory_space<vmem_shared>> -> memref<640x128xf32, #tpu.memory_space<vmem_shared>>
      tpu.enqueue_dma source(%dma_start3A_23 : memref<640x128xf32, #tpu.memory_space<vmem_shared>>) target(%dma_start3A_21 : memref<640x128xf32, #tpu.memory_space<hbm>>) target_semaphore(%run_scoped3A_19 : memref<!tpu.dma_semaphore, #tpu.memory_space<semaphore_mem>>)
      %dma_wait3A = arith.constant 0 : i32
      %dma_wait3A_24 = tpu.memref_slice %arg5[%arg0, %run_scoped3A, %mul3A_17, %dma_wait3A] : memref<2x1x10240x128xf32, #tpu.memory_space<hbm>> -> memref<1x1x640x128xf32, #tpu.memory_space<hbm>>
      %dma_wait3A_25 = tpu.memref_squeeze %dma_wait3A_24 : memref<1x1x640x128xf32, #tpu.memory_space<hbm>> -> memref<640x128xf32, #tpu.memory_space<hbm>>
      %dma_wait3A_26 = arith.constant 0 : i32
      %dma_wait3A_27 = tpu.memref_slice %arg10[%mul3A_15, %dma_wait3A_26] : memref<10240x128xf32, #tpu.memory_space<vmem_shared>> -> memref<640x128xf32, #tpu.memory_space<vmem_shared>>
      tpu.wait_dma2 semaphore(%run_scoped3A_19 : memref<!tpu.dma_semaphore, #tpu.memory_space<semaphore_mem>>) src(%dma_wait3A_27 : memref<640x128xf32, #tpu.memory_space<vmem_shared>>) dst(%dma_wait3A_25 : memref<640x128xf32, #tpu.memory_space<hbm>>)
      tpu.yield
    }) : () -> ()
    %barrier3A_18 = arith.constant 0 : index
    tpu.barrier barrier_id(%barrier3A_18)
    return
  }
}

#map = affine_map<(d0, d1) -> (0)>
#map1 = affine_map<(d0, d1) -> (0, 0)>
#map2 = affine_map<(d0, d1) -> (0, 0, 0, 0)>
module attributes {stable_mosaic.version = 14 : i64} {
  func.func @_agg(%arg0: i32, %arg1: i32, %arg2: memref<323584xi32, #tpu.memory_space<hbm>>, %arg3: memref<323584xi32, #tpu.memory_space<hbm>>, %arg4: memref<20480x128xf32, #tpu.memory_space<hbm>>, %arg5: memref<2x2x10240x128xf32, #tpu.memory_space<hbm>>, %arg6: memref<128xi32, #tpu.memory_space<vmem>>, %arg7: memref<128xi32, #tpu.memory_space<vmem>>, %arg8: memref<128xi32, #tpu.memory_space<vmem>>, %arg9: memref<128x128xf32, #tpu.memory_space<vmem>>, %arg10: memref<10240x128xf32, #tpu.memory_space<vmem_shared>>, %arg11: memref<!tpu.dma_semaphore, #tpu.memory_space<semaphore_mem>>) attributes {dimension_semantics = [#tpu.dimension_semantics<core_parallel>, #tpu.dimension_semantics<subcore_parallel>], iteration_bounds = array<i64: 2, 16>, scalar_prefetch = 0 : i64, scratch_operands = 6 : i64, tpu.core_type = #tpu.core_type<sc_vector_subcore>, window_params = [{transform_indices = #map}, {transform_indices = #map}, {transform_indices = #map1}, {transform_indices = #map2}]} {
    %mul3A = arith.constant 161792 : i32
    %mul3A_0 = arith.muli %arg0, %mul3A : i32
    %mul3A_1 = arith.constant 10112 : i32
    %mul3A_2 = arith.muli %arg1, %mul3A_1 : i32
    %add3A = arith.addi %mul3A_0, %mul3A_2 : i32
    %mul3A_3 = arith.constant 640 : i32
    %mul3A_4 = arith.muli %arg1, %mul3A_3 : i32
    %add3A_5 = arith.constant 0 : i32
    %add3A_6 = arith.addi %add3A_5, %mul3A_4 : i32
    %mul3A_7 = arith.constant 640 : i32
    %mul3A_8 = arith.muli %arg1, %mul3A_7 : i32
    "tpu.region"() ({
      %run_scoped3A_38 = tpu.sem_alloc : memref<!tpu.dma_semaphore, #tpu.memory_space<semaphore_mem>>
      %dma_start3A = arith.constant 0 : i32
      %dma_start3A_39 = tpu.memref_slice %arg10[%mul3A_8, %dma_start3A] : memref<10240x128xf32, #tpu.memory_space<vmem_shared>> -> memref<640x128xf32, #tpu.memory_space<vmem_shared>>
      %dma_start3A_40 = arith.constant 0 : i32
      %dma_start3A_41 = tpu.memref_slice %arg4[%add3A_6, %dma_start3A_40] : memref<20480x128xf32, #tpu.memory_space<hbm>> -> memref<640x128xf32, #tpu.memory_space<hbm>>
      tpu.enqueue_dma source(%dma_start3A_41 : memref<640x128xf32, #tpu.memory_space<hbm>>) target(%dma_start3A_39 : memref<640x128xf32, #tpu.memory_space<vmem_shared>>) target_semaphore(%run_scoped3A_38 : memref<!tpu.dma_semaphore, #tpu.memory_space<semaphore_mem>>)
      %dma_wait3A = arith.constant 0 : i32
      %dma_wait3A_42 = tpu.memref_slice %arg10[%mul3A_8, %dma_wait3A] : memref<10240x128xf32, #tpu.memory_space<vmem_shared>> -> memref<640x128xf32, #tpu.memory_space<vmem_shared>>
      %dma_wait3A_43 = arith.constant 0 : i32
      %dma_wait3A_44 = tpu.memref_slice %arg4[%add3A_6, %dma_wait3A_43] : memref<20480x128xf32, #tpu.memory_space<hbm>> -> memref<640x128xf32, #tpu.memory_space<hbm>>
      tpu.wait_dma2 semaphore(%run_scoped3A_38 : memref<!tpu.dma_semaphore, #tpu.memory_space<semaphore_mem>>) src(%dma_wait3A_44 : memref<640x128xf32, #tpu.memory_space<hbm>>) dst(%dma_wait3A_42 : memref<640x128xf32, #tpu.memory_space<vmem_shared>>)
      tpu.yield
    }) : () -> ()
    %barrier3A = arith.constant 0 : index
    tpu.barrier barrier_id(%barrier3A)
    %scan3A = arith.constant 0 : i32
    %scan3A_9 = arith.constant 79 : i32
    %scan3A_10 = arith.addi %scan3A, %scan3A_9 : i32
    %scan3A_11 = arith.constant 1 : i32
    scf.for %scan3A_38 = %scan3A to %scan3A_10 step %scan3A_11  : i32 {
      %mul3A_39 = arith.constant 1 : i32
      %mul3A_40 = arith.muli %scan3A_38, %mul3A_39 : i32
      %add3A_41 = arith.constant 0 : i32
      %add3A_42 = arith.addi %add3A_41, %mul3A_40 : i32
      %mul3A_43 = arith.constant 128 : i32
      %mul3A_44 = arith.muli %add3A_42, %mul3A_43 : i32
      %add3A_45 = arith.addi %add3A, %mul3A_44 : i32
      "tpu.region"() ({
        %run_scoped3A_50 = tpu.sem_alloc : memref<!tpu.dma_semaphore, #tpu.memory_space<semaphore_mem>>
        %dma_start3A_51 = tpu.memref_slice %arg2[%add3A_45] : memref<323584xi32, #tpu.memory_space<hbm>> -> memref<128xi32, #tpu.memory_space<hbm>>
        %dma_start3A_52 = tpu.memref_slice %arg2[%add3A_45] : memref<323584xi32, #tpu.memory_space<hbm>> -> memref<128xi32, #tpu.memory_space<hbm>>
        tpu.enqueue_dma source(%dma_start3A_52 : memref<128xi32, #tpu.memory_space<hbm>>) target(%arg6 : memref<128xi32, #tpu.memory_space<vmem>>) target_semaphore(%run_scoped3A_50 : memref<!tpu.dma_semaphore, #tpu.memory_space<semaphore_mem>>)
        %dma_wait3A_53 = tpu.memref_slice %arg2[%add3A_45] : memref<323584xi32, #tpu.memory_space<hbm>> -> memref<128xi32, #tpu.memory_space<hbm>>
        %dma_wait3A_54 = tpu.memref_slice %arg2[%add3A_45] : memref<323584xi32, #tpu.memory_space<hbm>> -> memref<128xi32, #tpu.memory_space<hbm>>
        tpu.wait_dma2 semaphore(%run_scoped3A_50 : memref<!tpu.dma_semaphore, #tpu.memory_space<semaphore_mem>>) src(%dma_wait3A_54 : memref<128xi32, #tpu.memory_space<hbm>>) dst(%arg6 : memref<128xi32, #tpu.memory_space<vmem>>)
        tpu.yield
      }) : () -> ()
      "tpu.region"() ({
        %run_scoped3A_50 = tpu.sem_alloc : memref<!tpu.dma_semaphore, #tpu.memory_space<semaphore_mem>>
        %dma_start3A_51 = tpu.memref_slice %arg3[%add3A_45] : memref<323584xi32, #tpu.memory_space<hbm>> -> memref<128xi32, #tpu.memory_space<hbm>>
        %dma_start3A_52 = tpu.memref_slice %arg3[%add3A_45] : memref<323584xi32, #tpu.memory_space<hbm>> -> memref<128xi32, #tpu.memory_space<hbm>>
        tpu.enqueue_dma source(%dma_start3A_52 : memref<128xi32, #tpu.memory_space<hbm>>) target(%arg7 : memref<128xi32, #tpu.memory_space<vmem>>) target_semaphore(%run_scoped3A_50 : memref<!tpu.dma_semaphore, #tpu.memory_space<semaphore_mem>>)
        %dma_wait3A_53 = tpu.memref_slice %arg3[%add3A_45] : memref<323584xi32, #tpu.memory_space<hbm>> -> memref<128xi32, #tpu.memory_space<hbm>>
        %dma_wait3A_54 = tpu.memref_slice %arg3[%add3A_45] : memref<323584xi32, #tpu.memory_space<hbm>> -> memref<128xi32, #tpu.memory_space<hbm>>
        tpu.wait_dma2 semaphore(%run_scoped3A_50 : memref<!tpu.dma_semaphore, #tpu.memory_space<semaphore_mem>>) src(%dma_wait3A_54 : memref<128xi32, #tpu.memory_space<hbm>>) dst(%arg7 : memref<128xi32, #tpu.memory_space<vmem>>)
        tpu.yield
      }) : () -> ()
      %dma_start3A = arith.constant 0 : i32
      %dma_start3A_46 = arith.constant 0 : i32
      %dma_start3A_47 = tpu.memref_slice %arg4[%dma_start3A, %dma_start3A_46] : memref<20480x128xf32, #tpu.memory_space<hbm>> -> memref<20480x128xf32, #tpu.memory_space<hbm>>
      tpu.enqueue_indirect_dma source(%dma_start3A_47 : memref<20480x128xf32, #tpu.memory_space<hbm>>) target(%arg9 : memref<128x128xf32, #tpu.memory_space<vmem>>) offsets(%arg6 : memref<128xi32, #tpu.memory_space<vmem>>) semaphore(%arg11 : memref<!tpu.dma_semaphore, #tpu.memory_space<semaphore_mem>>)
      %dma_wait3A = arith.constant 0 : i32
      %dma_wait3A_48 = arith.constant 0 : i32
      %dma_wait3A_49 = tpu.memref_slice %arg4[%dma_wait3A, %dma_wait3A_48] : memref<20480x128xf32, #tpu.memory_space<hbm>> -> memref<20480x128xf32, #tpu.memory_space<hbm>>
      tpu.wait_indirect_dma semaphore(%arg11 : memref<!tpu.dma_semaphore, #tpu.memory_space<semaphore_mem>>) src(%dma_wait3A_49 : memref<20480x128xf32, #tpu.memory_space<hbm>>) dst(%arg9 : memref<128x128xf32, #tpu.memory_space<vmem>>)
      "tpu.region"() ({
        %run_scoped3A_50 = tpu.sem_alloc : memref<!tpu.dma_semaphore, #tpu.memory_space<semaphore_mem>>
        %dma_start3A_51 = arith.constant 0 : i32
        %dma_start3A_52 = arith.constant 0 : i32
        %dma_start3A_53 = tpu.memref_slice %arg10[%dma_start3A_51, %dma_start3A_52] : memref<10240x128xf32, #tpu.memory_space<vmem_shared>> -> memref<10240x128xf32, #tpu.memory_space<vmem_shared>>
        tpu.enqueue_indirect_dma source(%arg9 : memref<128x128xf32, #tpu.memory_space<vmem>>) target(%dma_start3A_53 : memref<10240x128xf32, #tpu.memory_space<vmem_shared>>) offsets(%arg7 : memref<128xi32, #tpu.memory_space<vmem>>) semaphore(%run_scoped3A_50 : memref<!tpu.dma_semaphore, #tpu.memory_space<semaphore_mem>>) {add = true}
        %dma_wait3A_54 = arith.constant 0 : i32
        %dma_wait3A_55 = arith.constant 0 : i32
        %dma_wait3A_56 = tpu.memref_slice %arg10[%dma_wait3A_54, %dma_wait3A_55] : memref<10240x128xf32, #tpu.memory_space<vmem_shared>> -> memref<10240x128xf32, #tpu.memory_space<vmem_shared>>
        tpu.wait_indirect_dma semaphore(%run_scoped3A_50 : memref<!tpu.dma_semaphore, #tpu.memory_space<semaphore_mem>>) src(%arg9 : memref<128x128xf32, #tpu.memory_space<vmem>>) dst(%dma_wait3A_56 : memref<10240x128xf32, #tpu.memory_space<vmem_shared>>)
        tpu.yield
      }) : () -> ()
    }
    %scan3A_12 = arith.constant 79 : i32
    %barrier3A_13 = arith.constant 0 : index
    tpu.barrier barrier_id(%barrier3A_13)
    %mul3A_14 = arith.constant 640 : i32
    %mul3A_15 = arith.muli %arg1, %mul3A_14 : i32
    %mul3A_16 = arith.constant 640 : i32
    %mul3A_17 = arith.muli %arg1, %mul3A_16 : i32
    %run_scoped3A = arith.constant 0 : i32
    "tpu.region"() ({
      %run_scoped3A_38 = tpu.sem_alloc : memref<!tpu.dma_semaphore, #tpu.memory_space<semaphore_mem>>
      %dma_start3A = arith.constant 0 : i32
      %dma_start3A_39 = tpu.memref_slice %arg5[%arg0, %run_scoped3A, %mul3A_17, %dma_start3A] : memref<2x2x10240x128xf32, #tpu.memory_space<hbm>> -> memref<1x1x640x128xf32, #tpu.memory_space<hbm>>
      %dma_start3A_40 = tpu.memref_squeeze %dma_start3A_39 : memref<1x1x640x128xf32, #tpu.memory_space<hbm>> -> memref<640x128xf32, #tpu.memory_space<hbm>>
      %dma_start3A_41 = arith.constant 0 : i32
      %dma_start3A_42 = tpu.memref_slice %arg10[%mul3A_15, %dma_start3A_41] : memref<10240x128xf32, #tpu.memory_space<vmem_shared>> -> memref<640x128xf32, #tpu.memory_space<vmem_shared>>
      tpu.enqueue_dma source(%dma_start3A_42 : memref<640x128xf32, #tpu.memory_space<vmem_shared>>) target(%dma_start3A_40 : memref<640x128xf32, #tpu.memory_space<hbm>>) target_semaphore(%run_scoped3A_38 : memref<!tpu.dma_semaphore, #tpu.memory_space<semaphore_mem>>)
      %dma_wait3A = arith.constant 0 : i32
      %dma_wait3A_43 = tpu.memref_slice %arg5[%arg0, %run_scoped3A, %mul3A_17, %dma_wait3A] : memref<2x2x10240x128xf32, #tpu.memory_space<hbm>> -> memref<1x1x640x128xf32, #tpu.memory_space<hbm>>
      %dma_wait3A_44 = tpu.memref_squeeze %dma_wait3A_43 : memref<1x1x640x128xf32, #tpu.memory_space<hbm>> -> memref<640x128xf32, #tpu.memory_space<hbm>>
      %dma_wait3A_45 = arith.constant 0 : i32
      %dma_wait3A_46 = tpu.memref_slice %arg10[%mul3A_15, %dma_wait3A_45] : memref<10240x128xf32, #tpu.memory_space<vmem_shared>> -> memref<640x128xf32, #tpu.memory_space<vmem_shared>>
      tpu.wait_dma2 semaphore(%run_scoped3A_38 : memref<!tpu.dma_semaphore, #tpu.memory_space<semaphore_mem>>) src(%dma_wait3A_46 : memref<640x128xf32, #tpu.memory_space<vmem_shared>>) dst(%dma_wait3A_44 : memref<640x128xf32, #tpu.memory_space<hbm>>)
      tpu.yield
    }) : () -> ()
    %barrier3A_18 = arith.constant 0 : index
    tpu.barrier barrier_id(%barrier3A_18)
    %mul3A_19 = arith.constant 640 : i32
    %mul3A_20 = arith.muli %arg1, %mul3A_19 : i32
    %add3A_21 = arith.constant 10240 : i32
    %add3A_22 = arith.addi %add3A_21, %mul3A_20 : i32
    %mul3A_23 = arith.constant 640 : i32
    %mul3A_24 = arith.muli %arg1, %mul3A_23 : i32
    "tpu.region"() ({
      %run_scoped3A_38 = tpu.sem_alloc : memref<!tpu.dma_semaphore, #tpu.memory_space<semaphore_mem>>
      %dma_start3A = arith.constant 0 : i32
      %dma_start3A_39 = tpu.memref_slice %arg10[%mul3A_24, %dma_start3A] : memref<10240x128xf32, #tpu.memory_space<vmem_shared>> -> memref<640x128xf32, #tpu.memory_space<vmem_shared>>
      %dma_start3A_40 = arith.constant 0 : i32
      %dma_start3A_41 = tpu.memref_slice %arg4[%add3A_22, %dma_start3A_40] : memref<20480x128xf32, #tpu.memory_space<hbm>> -> memref<640x128xf32, #tpu.memory_space<hbm>>
      tpu.enqueue_dma source(%dma_start3A_41 : memref<640x128xf32, #tpu.memory_space<hbm>>) target(%dma_start3A_39 : memref<640x128xf32, #tpu.memory_space<vmem_shared>>) target_semaphore(%run_scoped3A_38 : memref<!tpu.dma_semaphore, #tpu.memory_space<semaphore_mem>>)
      %dma_wait3A = arith.constant 0 : i32
      %dma_wait3A_42 = tpu.memref_slice %arg10[%mul3A_24, %dma_wait3A] : memref<10240x128xf32, #tpu.memory_space<vmem_shared>> -> memref<640x128xf32, #tpu.memory_space<vmem_shared>>
      %dma_wait3A_43 = arith.constant 0 : i32
      %dma_wait3A_44 = tpu.memref_slice %arg4[%add3A_22, %dma_wait3A_43] : memref<20480x128xf32, #tpu.memory_space<hbm>> -> memref<640x128xf32, #tpu.memory_space<hbm>>
      tpu.wait_dma2 semaphore(%run_scoped3A_38 : memref<!tpu.dma_semaphore, #tpu.memory_space<semaphore_mem>>) src(%dma_wait3A_44 : memref<640x128xf32, #tpu.memory_space<hbm>>) dst(%dma_wait3A_42 : memref<640x128xf32, #tpu.memory_space<vmem_shared>>)
      tpu.yield
    }) : () -> ()
    %barrier3A_25 = arith.constant 0 : index
    tpu.barrier barrier_id(%barrier3A_25)
    %scan3A_26 = arith.constant 0 : i32
    %scan3A_27 = arith.constant 79 : i32
    %scan3A_28 = arith.addi %scan3A_26, %scan3A_27 : i32
    %scan3A_29 = arith.constant 1 : i32
    scf.for %scan3A_38 = %scan3A_26 to %scan3A_28 step %scan3A_29  : i32 {
      %mul3A_39 = arith.constant 1 : i32
      %mul3A_40 = arith.muli %scan3A_38, %mul3A_39 : i32
      %add3A_41 = arith.constant 0 : i32
      %add3A_42 = arith.addi %add3A_41, %mul3A_40 : i32
      %mul3A_43 = arith.constant 128 : i32
      %mul3A_44 = arith.muli %add3A_42, %mul3A_43 : i32
      %add3A_45 = arith.addi %add3A, %mul3A_44 : i32
      "tpu.region"() ({
        %run_scoped3A_127 = tpu.sem_alloc : memref<!tpu.dma_semaphore, #tpu.memory_space<semaphore_mem>>
        %dma_start3A_128 = tpu.memref_slice %arg2[%add3A_45] : memref<323584xi32, #tpu.memory_space<hbm>> -> memref<128xi32, #tpu.memory_space<hbm>>
        %dma_start3A_129 = tpu.memref_slice %arg2[%add3A_45] : memref<323584xi32, #tpu.memory_space<hbm>> -> memref<128xi32, #tpu.memory_space<hbm>>
        tpu.enqueue_dma source(%dma_start3A_129 : memref<128xi32, #tpu.memory_space<hbm>>) target(%arg6 : memref<128xi32, #tpu.memory_space<vmem>>) target_semaphore(%run_scoped3A_127 : memref<!tpu.dma_semaphore, #tpu.memory_space<semaphore_mem>>)
        %dma_wait3A_130 = tpu.memref_slice %arg2[%add3A_45] : memref<323584xi32, #tpu.memory_space<hbm>> -> memref<128xi32, #tpu.memory_space<hbm>>
        %dma_wait3A_131 = tpu.memref_slice %arg2[%add3A_45] : memref<323584xi32, #tpu.memory_space<hbm>> -> memref<128xi32, #tpu.memory_space<hbm>>
        tpu.wait_dma2 semaphore(%run_scoped3A_127 : memref<!tpu.dma_semaphore, #tpu.memory_space<semaphore_mem>>) src(%dma_wait3A_131 : memref<128xi32, #tpu.memory_space<hbm>>) dst(%arg6 : memref<128xi32, #tpu.memory_space<vmem>>)
        tpu.yield
      }) : () -> ()
      "tpu.region"() ({
        %run_scoped3A_127 = tpu.sem_alloc : memref<!tpu.dma_semaphore, #tpu.memory_space<semaphore_mem>>
        %dma_start3A_128 = tpu.memref_slice %arg3[%add3A_45] : memref<323584xi32, #tpu.memory_space<hbm>> -> memref<128xi32, #tpu.memory_space<hbm>>
        %dma_start3A_129 = tpu.memref_slice %arg3[%add3A_45] : memref<323584xi32, #tpu.memory_space<hbm>> -> memref<128xi32, #tpu.memory_space<hbm>>
        tpu.enqueue_dma source(%dma_start3A_129 : memref<128xi32, #tpu.memory_space<hbm>>) target(%arg7 : memref<128xi32, #tpu.memory_space<vmem>>) target_semaphore(%run_scoped3A_127 : memref<!tpu.dma_semaphore, #tpu.memory_space<semaphore_mem>>)
        %dma_wait3A_130 = tpu.memref_slice %arg3[%add3A_45] : memref<323584xi32, #tpu.memory_space<hbm>> -> memref<128xi32, #tpu.memory_space<hbm>>
        %dma_wait3A_131 = tpu.memref_slice %arg3[%add3A_45] : memref<323584xi32, #tpu.memory_space<hbm>> -> memref<128xi32, #tpu.memory_space<hbm>>
        tpu.wait_dma2 semaphore(%run_scoped3A_127 : memref<!tpu.dma_semaphore, #tpu.memory_space<semaphore_mem>>) src(%dma_wait3A_131 : memref<128xi32, #tpu.memory_space<hbm>>) dst(%arg7 : memref<128xi32, #tpu.memory_space<vmem>>)
        tpu.yield
      }) : () -> ()
      %get3A = arith.constant 0 : index
      %get3A_46 = tpu.vector_load %arg6[%get3A] {strides = array<i32>} : memref<128xi32, #tpu.memory_space<vmem>>, vector<16xi32>,
      %get3A_47 = vector.shape_cast %get3A_46 : vector<16xi32> to vector<16xi32>
      %broadcast_in_dim3A = arith.constant 10240 : i32
      %broadcast_in_dim3A_48 = vector.broadcast %broadcast_in_dim3A : i32 to vector<16xi32>
      %add3A_49 = arith.addi %get3A_47, %broadcast_in_dim3A_48 : vector<16xi32>
      %swap3A = arith.constant 0 : index
      %swap3A_50 = tpu.vector_load %arg8[%swap3A] {strides = array<i32>} : memref<128xi32, #tpu.memory_space<vmem>>, vector<16xi32>,
      %swap3A_51 = vector.shape_cast %swap3A_50 : vector<16xi32> to vector<16xi32>
      %swap3A_52 = vector.shape_cast %add3A_49 : vector<16xi32> to vector<16xi32>
      tpu.vector_store %arg8[%swap3A], %swap3A_52 {strides = array<i32>} : memref<128xi32, #tpu.memory_space<vmem>>, vector<16xi32>,
      %get3A_53 = arith.constant 16 : index
      %get3A_54 = tpu.vector_load %arg6[%get3A_53] {strides = array<i32>} : memref<128xi32, #tpu.memory_space<vmem>>, vector<16xi32>,
      %get3A_55 = vector.shape_cast %get3A_54 : vector<16xi32> to vector<16xi32>
      %broadcast_in_dim3A_56 = arith.constant 10240 : i32
      %broadcast_in_dim3A_57 = vector.broadcast %broadcast_in_dim3A_56 : i32 to vector<16xi32>
      %add3A_58 = arith.addi %get3A_55, %broadcast_in_dim3A_57 : vector<16xi32>
      %swap3A_59 = arith.constant 16 : index
      %swap3A_60 = tpu.vector_load %arg8[%swap3A_59] {strides = array<i32>} : memref<128xi32, #tpu.memory_space<vmem>>, vector<16xi32>,
      %swap3A_61 = vector.shape_cast %swap3A_60 : vector<16xi32> to vector<16xi32>
      %swap3A_62 = vector.shape_cast %add3A_58 : vector<16xi32> to vector<16xi32>
      tpu.vector_store %arg8[%swap3A_59], %swap3A_62 {strides = array<i32>} : memref<128xi32, #tpu.memory_space<vmem>>, vector<16xi32>,
      %get3A_63 = arith.constant 32 : index
      %get3A_64 = tpu.vector_load %arg6[%get3A_63] {strides = array<i32>} : memref<128xi32, #tpu.memory_space<vmem>>, vector<16xi32>,
      %get3A_65 = vector.shape_cast %get3A_64 : vector<16xi32> to vector<16xi32>
      %broadcast_in_dim3A_66 = arith.constant 10240 : i32
      %broadcast_in_dim3A_67 = vector.broadcast %broadcast_in_dim3A_66 : i32 to vector<16xi32>
      %add3A_68 = arith.addi %get3A_65, %broadcast_in_dim3A_67 : vector<16xi32>
      %swap3A_69 = arith.constant 32 : index
      %swap3A_70 = tpu.vector_load %arg8[%swap3A_69] {strides = array<i32>} : memref<128xi32, #tpu.memory_space<vmem>>, vector<16xi32>,
      %swap3A_71 = vector.shape_cast %swap3A_70 : vector<16xi32> to vector<16xi32>
      %swap3A_72 = vector.shape_cast %add3A_68 : vector<16xi32> to vector<16xi32>
      tpu.vector_store %arg8[%swap3A_69], %swap3A_72 {strides = array<i32>} : memref<128xi32, #tpu.memory_space<vmem>>, vector<16xi32>,
      %get3A_73 = arith.constant 48 : index
      %get3A_74 = tpu.vector_load %arg6[%get3A_73] {strides = array<i32>} : memref<128xi32, #tpu.memory_space<vmem>>, vector<16xi32>,
      %get3A_75 = vector.shape_cast %get3A_74 : vector<16xi32> to vector<16xi32>
      %broadcast_in_dim3A_76 = arith.constant 10240 : i32
      %broadcast_in_dim3A_77 = vector.broadcast %broadcast_in_dim3A_76 : i32 to vector<16xi32>
      %add3A_78 = arith.addi %get3A_75, %broadcast_in_dim3A_77 : vector<16xi32>
      %swap3A_79 = arith.constant 48 : index
      %swap3A_80 = tpu.vector_load %arg8[%swap3A_79] {strides = array<i32>} : memref<128xi32, #tpu.memory_space<vmem>>, vector<16xi32>,
      %swap3A_81 = vector.shape_cast %swap3A_80 : vector<16xi32> to vector<16xi32>
      %swap3A_82 = vector.shape_cast %add3A_78 : vector<16xi32> to vector<16xi32>
      tpu.vector_store %arg8[%swap3A_79], %swap3A_82 {strides = array<i32>} : memref<128xi32, #tpu.memory_space<vmem>>, vector<16xi32>,
      %get3A_83 = arith.constant 64 : index
      %get3A_84 = tpu.vector_load %arg6[%get3A_83] {strides = array<i32>} : memref<128xi32, #tpu.memory_space<vmem>>, vector<16xi32>,
      %get3A_85 = vector.shape_cast %get3A_84 : vector<16xi32> to vector<16xi32>
      %broadcast_in_dim3A_86 = arith.constant 10240 : i32
      %broadcast_in_dim3A_87 = vector.broadcast %broadcast_in_dim3A_86 : i32 to vector<16xi32>
      %add3A_88 = arith.addi %get3A_85, %broadcast_in_dim3A_87 : vector<16xi32>
      %swap3A_89 = arith.constant 64 : index
      %swap3A_90 = tpu.vector_load %arg8[%swap3A_89] {strides = array<i32>} : memref<128xi32, #tpu.memory_space<vmem>>, vector<16xi32>,
      %swap3A_91 = vector.shape_cast %swap3A_90 : vector<16xi32> to vector<16xi32>
      %swap3A_92 = vector.shape_cast %add3A_88 : vector<16xi32> to vector<16xi32>
      tpu.vector_store %arg8[%swap3A_89], %swap3A_92 {strides = array<i32>} : memref<128xi32, #tpu.memory_space<vmem>>, vector<16xi32>,
      %get3A_93 = arith.constant 80 : index
      %get3A_94 = tpu.vector_load %arg6[%get3A_93] {strides = array<i32>} : memref<128xi32, #tpu.memory_space<vmem>>, vector<16xi32>,
      %get3A_95 = vector.shape_cast %get3A_94 : vector<16xi32> to vector<16xi32>
      %broadcast_in_dim3A_96 = arith.constant 10240 : i32
      %broadcast_in_dim3A_97 = vector.broadcast %broadcast_in_dim3A_96 : i32 to vector<16xi32>
      %add3A_98 = arith.addi %get3A_95, %broadcast_in_dim3A_97 : vector<16xi32>
      %swap3A_99 = arith.constant 80 : index
      %swap3A_100 = tpu.vector_load %arg8[%swap3A_99] {strides = array<i32>} : memref<128xi32, #tpu.memory_space<vmem>>, vector<16xi32>,
      %swap3A_101 = vector.shape_cast %swap3A_100 : vector<16xi32> to vector<16xi32>
      %swap3A_102 = vector.shape_cast %add3A_98 : vector<16xi32> to vector<16xi32>
      tpu.vector_store %arg8[%swap3A_99], %swap3A_102 {strides = array<i32>} : memref<128xi32, #tpu.memory_space<vmem>>, vector<16xi32>,
      %get3A_103 = arith.constant 96 : index
      %get3A_104 = tpu.vector_load %arg6[%get3A_103] {strides = array<i32>} : memref<128xi32, #tpu.memory_space<vmem>>, vector<16xi32>,
      %get3A_105 = vector.shape_cast %get3A_104 : vector<16xi32> to vector<16xi32>
      %broadcast_in_dim3A_106 = arith.constant 10240 : i32
      %broadcast_in_dim3A_107 = vector.broadcast %broadcast_in_dim3A_106 : i32 to vector<16xi32>
      %add3A_108 = arith.addi %get3A_105, %broadcast_in_dim3A_107 : vector<16xi32>
      %swap3A_109 = arith.constant 96 : index
      %swap3A_110 = tpu.vector_load %arg8[%swap3A_109] {strides = array<i32>} : memref<128xi32, #tpu.memory_space<vmem>>, vector<16xi32>,
      %swap3A_111 = vector.shape_cast %swap3A_110 : vector<16xi32> to vector<16xi32>
      %swap3A_112 = vector.shape_cast %add3A_108 : vector<16xi32> to vector<16xi32>
      tpu.vector_store %arg8[%swap3A_109], %swap3A_112 {strides = array<i32>} : memref<128xi32, #tpu.memory_space<vmem>>, vector<16xi32>,
      %get3A_113 = arith.constant 112 : index
      %get3A_114 = tpu.vector_load %arg6[%get3A_113] {strides = array<i32>} : memref<128xi32, #tpu.memory_space<vmem>>, vector<16xi32>,
      %get3A_115 = vector.shape_cast %get3A_114 : vector<16xi32> to vector<16xi32>
      %broadcast_in_dim3A_116 = arith.constant 10240 : i32
      %broadcast_in_dim3A_117 = vector.broadcast %broadcast_in_dim3A_116 : i32 to vector<16xi32>
      %add3A_118 = arith.addi %get3A_115, %broadcast_in_dim3A_117 : vector<16xi32>
      %swap3A_119 = arith.constant 112 : index
      %swap3A_120 = tpu.vector_load %arg8[%swap3A_119] {strides = array<i32>} : memref<128xi32, #tpu.memory_space<vmem>>, vector<16xi32>,
      %swap3A_121 = vector.shape_cast %swap3A_120 : vector<16xi32> to vector<16xi32>
      %swap3A_122 = vector.shape_cast %add3A_118 : vector<16xi32> to vector<16xi32>
      tpu.vector_store %arg8[%swap3A_119], %swap3A_122 {strides = array<i32>} : memref<128xi32, #tpu.memory_space<vmem>>, vector<16xi32>,
      %dma_start3A = arith.constant 0 : i32
      %dma_start3A_123 = arith.constant 0 : i32
      %dma_start3A_124 = tpu.memref_slice %arg4[%dma_start3A, %dma_start3A_123] : memref<20480x128xf32, #tpu.memory_space<hbm>> -> memref<20480x128xf32, #tpu.memory_space<hbm>>
      tpu.enqueue_indirect_dma source(%dma_start3A_124 : memref<20480x128xf32, #tpu.memory_space<hbm>>) target(%arg9 : memref<128x128xf32, #tpu.memory_space<vmem>>) offsets(%arg8 : memref<128xi32, #tpu.memory_space<vmem>>) semaphore(%arg11 : memref<!tpu.dma_semaphore, #tpu.memory_space<semaphore_mem>>)
      %dma_wait3A = arith.constant 0 : i32
      %dma_wait3A_125 = arith.constant 0 : i32
      %dma_wait3A_126 = tpu.memref_slice %arg4[%dma_wait3A, %dma_wait3A_125] : memref<20480x128xf32, #tpu.memory_space<hbm>> -> memref<20480x128xf32, #tpu.memory_space<hbm>>
      tpu.wait_indirect_dma semaphore(%arg11 : memref<!tpu.dma_semaphore, #tpu.memory_space<semaphore_mem>>) src(%dma_wait3A_126 : memref<20480x128xf32, #tpu.memory_space<hbm>>) dst(%arg9 : memref<128x128xf32, #tpu.memory_space<vmem>>)
      "tpu.region"() ({
        %run_scoped3A_127 = tpu.sem_alloc : memref<!tpu.dma_semaphore, #tpu.memory_space<semaphore_mem>>
        %dma_start3A_128 = arith.constant 0 : i32
        %dma_start3A_129 = arith.constant 0 : i32
        %dma_start3A_130 = tpu.memref_slice %arg10[%dma_start3A_128, %dma_start3A_129] : memref<10240x128xf32, #tpu.memory_space<vmem_shared>> -> memref<10240x128xf32, #tpu.memory_space<vmem_shared>>
        tpu.enqueue_indirect_dma source(%arg9 : memref<128x128xf32, #tpu.memory_space<vmem>>) target(%dma_start3A_130 : memref<10240x128xf32, #tpu.memory_space<vmem_shared>>) offsets(%arg7 : memref<128xi32, #tpu.memory_space<vmem>>) semaphore(%run_scoped3A_127 : memref<!tpu.dma_semaphore, #tpu.memory_space<semaphore_mem>>) {add = true}
        %dma_wait3A_131 = arith.constant 0 : i32
        %dma_wait3A_132 = arith.constant 0 : i32
        %dma_wait3A_133 = tpu.memref_slice %arg10[%dma_wait3A_131, %dma_wait3A_132] : memref<10240x128xf32, #tpu.memory_space<vmem_shared>> -> memref<10240x128xf32, #tpu.memory_space<vmem_shared>>
        tpu.wait_indirect_dma semaphore(%run_scoped3A_127 : memref<!tpu.dma_semaphore, #tpu.memory_space<semaphore_mem>>) src(%arg9 : memref<128x128xf32, #tpu.memory_space<vmem>>) dst(%dma_wait3A_133 : memref<10240x128xf32, #tpu.memory_space<vmem_shared>>)
        tpu.yield
      }) : () -> ()
    }
    %scan3A_30 = arith.constant 79 : i32
    %barrier3A_31 = arith.constant 0 : index
    tpu.barrier barrier_id(%barrier3A_31)
    %mul3A_32 = arith.constant 640 : i32
    %mul3A_33 = arith.muli %arg1, %mul3A_32 : i32
    %mul3A_34 = arith.constant 640 : i32
    %mul3A_35 = arith.muli %arg1, %mul3A_34 : i32
    %run_scoped3A_36 = arith.constant 1 : i32
    "tpu.region"() ({
      %run_scoped3A_38 = tpu.sem_alloc : memref<!tpu.dma_semaphore, #tpu.memory_space<semaphore_mem>>
      %dma_start3A = arith.constant 0 : i32
      %dma_start3A_39 = tpu.memref_slice %arg5[%arg0, %run_scoped3A_36, %mul3A_35, %dma_start3A] : memref<2x2x10240x128xf32, #tpu.memory_space<hbm>> -> memref<1x1x640x128xf32, #tpu.memory_space<hbm>>
      %dma_start3A_40 = tpu.memref_squeeze %dma_start3A_39 : memref<1x1x640x128xf32, #tpu.memory_space<hbm>> -> memref<640x128xf32, #tpu.memory_space<hbm>>
      %dma_start3A_41 = arith.constant 0 : i32
      %dma_start3A_42 = tpu.memref_slice %arg10[%mul3A_33, %dma_start3A_41] : memref<10240x128xf32, #tpu.memory_space<vmem_shared>> -> memref<640x128xf32, #tpu.memory_space<vmem_shared>>
      tpu.enqueue_dma source(%dma_start3A_42 : memref<640x128xf32, #tpu.memory_space<vmem_shared>>) target(%dma_start3A_40 : memref<640x128xf32, #tpu.memory_space<hbm>>) target_semaphore(%run_scoped3A_38 : memref<!tpu.dma_semaphore, #tpu.memory_space<semaphore_mem>>)
      %dma_wait3A = arith.constant 0 : i32
      %dma_wait3A_43 = tpu.memref_slice %arg5[%arg0, %run_scoped3A_36, %mul3A_35, %dma_wait3A] : memref<2x2x10240x128xf32, #tpu.memory_space<hbm>> -> memref<1x1x640x128xf32, #tpu.memory_space<hbm>>
      %dma_wait3A_44 = tpu.memref_squeeze %dma_wait3A_43 : memref<1x1x640x128xf32, #tpu.memory_space<hbm>> -> memref<640x128xf32, #tpu.memory_space<hbm>>
      %dma_wait3A_45 = arith.constant 0 : i32
      %dma_wait3A_46 = tpu.memref_slice %arg10[%mul3A_33, %dma_wait3A_45] : memref<10240x128xf32, #tpu.memory_space<vmem_shared>> -> memref<640x128xf32, #tpu.memory_space<vmem_shared>>
      tpu.wait_dma2 semaphore(%run_scoped3A_38 : memref<!tpu.dma_semaphore, #tpu.memory_space<semaphore_mem>>) src(%dma_wait3A_46 : memref<640x128xf32, #tpu.memory_space<vmem_shared>>) dst(%dma_wait3A_44 : memref<640x128xf32, #tpu.memory_space<hbm>>)
      tpu.yield
    }) : () -> ()
    %barrier3A_37 = arith.constant 0 : index
    tpu.barrier barrier_id(%barrier3A_37)
    return
  }
}

#map = affine_map<(d0, d1) -> (0)>
#map1 = affine_map<(d0, d1) -> (0, 0)>
#map2 = affine_map<(d0, d1) -> (0, 0, 0, 0)>
module attributes {stable_mosaic.version = 14 : i64} {
  func.func @_agg(%arg0: i32, %arg1: i32, %arg2: memref<323584xi32, #tpu.memory_space<hbm>>, %arg3: memref<323584xi32, #tpu.memory_space<hbm>>, %arg4: memref<40960x128xf32, #tpu.memory_space<hbm>>, %arg5: memref<2x4x10240x128xf32, #tpu.memory_space<hbm>>, %arg6: memref<128xi32, #tpu.memory_space<vmem>>, %arg7: memref<128xi32, #tpu.memory_space<vmem>>, %arg8: memref<128xi32, #tpu.memory_space<vmem>>, %arg9: memref<128x128xf32, #tpu.memory_space<vmem>>, %arg10: memref<10240x128xf32, #tpu.memory_space<vmem_shared>>, %arg11: memref<!tpu.dma_semaphore, #tpu.memory_space<semaphore_mem>>) attributes {dimension_semantics = [#tpu.dimension_semantics<core_parallel>, #tpu.dimension_semantics<subcore_parallel>], iteration_bounds = array<i64: 2, 16>, scalar_prefetch = 0 : i64, scratch_operands = 6 : i64, tpu.core_type = #tpu.core_type<sc_vector_subcore>, window_params = [{transform_indices = #map}, {transform_indices = #map}, {transform_indices = #map1}, {transform_indices = #map2}]} {
    %mul3A = arith.constant 161792 : i32
    %mul3A_0 = arith.muli %arg0, %mul3A : i32
    %mul3A_1 = arith.constant 10112 : i32
    %mul3A_2 = arith.muli %arg1, %mul3A_1 : i32
    %add3A = arith.addi %mul3A_0, %mul3A_2 : i32
    %mul3A_3 = arith.constant 640 : i32
    %mul3A_4 = arith.muli %arg1, %mul3A_3 : i32
    %add3A_5 = arith.constant 0 : i32
    %add3A_6 = arith.addi %add3A_5, %mul3A_4 : i32
    %mul3A_7 = arith.constant 640 : i32
    %mul3A_8 = arith.muli %arg1, %mul3A_7 : i32
    "tpu.region"() ({
      %run_scoped3A_76 = tpu.sem_alloc : memref<!tpu.dma_semaphore, #tpu.memory_space<semaphore_mem>>
      %dma_start3A = arith.constant 0 : i32
      %dma_start3A_77 = tpu.memref_slice %arg10[%mul3A_8, %dma_start3A] : memref<10240x128xf32, #tpu.memory_space<vmem_shared>> -> memref<640x128xf32, #tpu.memory_space<vmem_shared>>
      %dma_start3A_78 = arith.constant 0 : i32
      %dma_start3A_79 = tpu.memref_slice %arg4[%add3A_6, %dma_start3A_78] : memref<40960x128xf32, #tpu.memory_space<hbm>> -> memref<640x128xf32, #tpu.memory_space<hbm>>
      tpu.enqueue_dma source(%dma_start3A_79 : memref<640x128xf32, #tpu.memory_space<hbm>>) target(%dma_start3A_77 : memref<640x128xf32, #tpu.memory_space<vmem_shared>>) target_semaphore(%run_scoped3A_76 : memref<!tpu.dma_semaphore, #tpu.memory_space<semaphore_mem>>)
      %dma_wait3A = arith.constant 0 : i32
      %dma_wait3A_80 = tpu.memref_slice %arg10[%mul3A_8, %dma_wait3A] : memref<10240x128xf32, #tpu.memory_space<vmem_shared>> -> memref<640x128xf32, #tpu.memory_space<vmem_shared>>
      %dma_wait3A_81 = arith.constant 0 : i32
      %dma_wait3A_82 = tpu.memref_slice %arg4[%add3A_6, %dma_wait3A_81] : memref<40960x128xf32, #tpu.memory_space<hbm>> -> memref<640x128xf32, #tpu.memory_space<hbm>>
      tpu.wait_dma2 semaphore(%run_scoped3A_76 : memref<!tpu.dma_semaphore, #tpu.memory_space<semaphore_mem>>) src(%dma_wait3A_82 : memref<640x128xf32, #tpu.memory_space<hbm>>) dst(%dma_wait3A_80 : memref<640x128xf32, #tpu.memory_space<vmem_shared>>)
      tpu.yield
    }) : () -> ()
    %barrier3A = arith.constant 0 : index
    tpu.barrier barrier_id(%barrier3A)
    %scan3A = arith.constant 0 : i32
    %scan3A_9 = arith.constant 79 : i32
    %scan3A_10 = arith.addi %scan3A, %scan3A_9 : i32
    %scan3A_11 = arith.constant 1 : i32
    scf.for %scan3A_76 = %scan3A to %scan3A_10 step %scan3A_11  : i32 {
      %mul3A_77 = arith.constant 1 : i32
      %mul3A_78 = arith.muli %scan3A_76, %mul3A_77 : i32
      %add3A_79 = arith.constant 0 : i32
      %add3A_80 = arith.addi %add3A_79, %mul3A_78 : i32
      %mul3A_81 = arith.constant 128 : i32
      %mul3A_82 = arith.muli %add3A_80, %mul3A_81 : i32
      %add3A_83 = arith.addi %add3A, %mul3A_82 : i32
      "tpu.region"() ({
        %run_scoped3A_88 = tpu.sem_alloc : memref<!tpu.dma_semaphore, #tpu.memory_space<semaphore_mem>>
        %dma_start3A_89 = tpu.memref_slice %arg2[%add3A_83] : memref<323584xi32, #tpu.memory_space<hbm>> -> memref<128xi32, #tpu.memory_space<hbm>>
        %dma_start3A_90 = tpu.memref_slice %arg2[%add3A_83] : memref<323584xi32, #tpu.memory_space<hbm>> -> memref<128xi32, #tpu.memory_space<hbm>>
        tpu.enqueue_dma source(%dma_start3A_90 : memref<128xi32, #tpu.memory_space<hbm>>) target(%arg6 : memref<128xi32, #tpu.memory_space<vmem>>) target_semaphore(%run_scoped3A_88 : memref<!tpu.dma_semaphore, #tpu.memory_space<semaphore_mem>>)
        %dma_wait3A_91 = tpu.memref_slice %arg2[%add3A_83] : memref<323584xi32, #tpu.memory_space<hbm>> -> memref<128xi32, #tpu.memory_space<hbm>>
        %dma_wait3A_92 = tpu.memref_slice %arg2[%add3A_83] : memref<323584xi32, #tpu.memory_space<hbm>> -> memref<128xi32, #tpu.memory_space<hbm>>
        tpu.wait_dma2 semaphore(%run_scoped3A_88 : memref<!tpu.dma_semaphore, #tpu.memory_space<semaphore_mem>>) src(%dma_wait3A_92 : memref<128xi32, #tpu.memory_space<hbm>>) dst(%arg6 : memref<128xi32, #tpu.memory_space<vmem>>)
        tpu.yield
      }) : () -> ()
      "tpu.region"() ({
        %run_scoped3A_88 = tpu.sem_alloc : memref<!tpu.dma_semaphore, #tpu.memory_space<semaphore_mem>>
        %dma_start3A_89 = tpu.memref_slice %arg3[%add3A_83] : memref<323584xi32, #tpu.memory_space<hbm>> -> memref<128xi32, #tpu.memory_space<hbm>>
        %dma_start3A_90 = tpu.memref_slice %arg3[%add3A_83] : memref<323584xi32, #tpu.memory_space<hbm>> -> memref<128xi32, #tpu.memory_space<hbm>>
        tpu.enqueue_dma source(%dma_start3A_90 : memref<128xi32, #tpu.memory_space<hbm>>) target(%arg7 : memref<128xi32, #tpu.memory_space<vmem>>) target_semaphore(%run_scoped3A_88 : memref<!tpu.dma_semaphore, #tpu.memory_space<semaphore_mem>>)
        %dma_wait3A_91 = tpu.memref_slice %arg3[%add3A_83] : memref<323584xi32, #tpu.memory_space<hbm>> -> memref<128xi32, #tpu.memory_space<hbm>>
        %dma_wait3A_92 = tpu.memref_slice %arg3[%add3A_83] : memref<323584xi32, #tpu.memory_space<hbm>> -> memref<128xi32, #tpu.memory_space<hbm>>
        tpu.wait_dma2 semaphore(%run_scoped3A_88 : memref<!tpu.dma_semaphore, #tpu.memory_space<semaphore_mem>>) src(%dma_wait3A_92 : memref<128xi32, #tpu.memory_space<hbm>>) dst(%arg7 : memref<128xi32, #tpu.memory_space<vmem>>)
        tpu.yield
      }) : () -> ()
      %dma_start3A = arith.constant 0 : i32
      %dma_start3A_84 = arith.constant 0 : i32
      %dma_start3A_85 = tpu.memref_slice %arg4[%dma_start3A, %dma_start3A_84] : memref<40960x128xf32, #tpu.memory_space<hbm>> -> memref<40960x128xf32, #tpu.memory_space<hbm>>
      tpu.enqueue_indirect_dma source(%dma_start3A_85 : memref<40960x128xf32, #tpu.memory_space<hbm>>) target(%arg9 : memref<128x128xf32, #tpu.memory_space<vmem>>) offsets(%arg6 : memref<128xi32, #tpu.memory_space<vmem>>) semaphore(%arg11 : memref<!tpu.dma_semaphore, #tpu.memory_space<semaphore_mem>>)
      %dma_wait3A = arith.constant 0 : i32
      %dma_wait3A_86 = arith.constant 0 : i32
      %dma_wait3A_87 = tpu.memref_slice %arg4[%dma_wait3A, %dma_wait3A_86] : memref<40960x128xf32, #tpu.memory_space<hbm>> -> memref<40960x128xf32, #tpu.memory_space<hbm>>
      tpu.wait_indirect_dma semaphore(%arg11 : memref<!tpu.dma_semaphore, #tpu.memory_space<semaphore_mem>>) src(%dma_wait3A_87 : memref<40960x128xf32, #tpu.memory_space<hbm>>) dst(%arg9 : memref<128x128xf32, #tpu.memory_space<vmem>>)
      "tpu.region"() ({
        %run_scoped3A_88 = tpu.sem_alloc : memref<!tpu.dma_semaphore, #tpu.memory_space<semaphore_mem>>
        %dma_start3A_89 = arith.constant 0 : i32
        %dma_start3A_90 = arith.constant 0 : i32
        %dma_start3A_91 = tpu.memref_slice %arg10[%dma_start3A_89, %dma_start3A_90] : memref<10240x128xf32, #tpu.memory_space<vmem_shared>> -> memref<10240x128xf32, #tpu.memory_space<vmem_shared>>
        tpu.enqueue_indirect_dma source(%arg9 : memref<128x128xf32, #tpu.memory_space<vmem>>) target(%dma_start3A_91 : memref<10240x128xf32, #tpu.memory_space<vmem_shared>>) offsets(%arg7 : memref<128xi32, #tpu.memory_space<vmem>>) semaphore(%run_scoped3A_88 : memref<!tpu.dma_semaphore, #tpu.memory_space<semaphore_mem>>) {add = true}
        %dma_wait3A_92 = arith.constant 0 : i32
        %dma_wait3A_93 = arith.constant 0 : i32
        %dma_wait3A_94 = tpu.memref_slice %arg10[%dma_wait3A_92, %dma_wait3A_93] : memref<10240x128xf32, #tpu.memory_space<vmem_shared>> -> memref<10240x128xf32, #tpu.memory_space<vmem_shared>>
        tpu.wait_indirect_dma semaphore(%run_scoped3A_88 : memref<!tpu.dma_semaphore, #tpu.memory_space<semaphore_mem>>) src(%arg9 : memref<128x128xf32, #tpu.memory_space<vmem>>) dst(%dma_wait3A_94 : memref<10240x128xf32, #tpu.memory_space<vmem_shared>>)
        tpu.yield
      }) : () -> ()
    }
    %scan3A_12 = arith.constant 79 : i32
    %barrier3A_13 = arith.constant 0 : index
    tpu.barrier barrier_id(%barrier3A_13)
    %mul3A_14 = arith.constant 640 : i32
    %mul3A_15 = arith.muli %arg1, %mul3A_14 : i32
    %mul3A_16 = arith.constant 640 : i32
    %mul3A_17 = arith.muli %arg1, %mul3A_16 : i32
    %run_scoped3A = arith.constant 0 : i32
    "tpu.region"() ({
      %run_scoped3A_76 = tpu.sem_alloc : memref<!tpu.dma_semaphore, #tpu.memory_space<semaphore_mem>>
      %dma_start3A = arith.constant 0 : i32
      %dma_start3A_77 = tpu.memref_slice %arg5[%arg0, %run_scoped3A, %mul3A_17, %dma_start3A] : memref<2x4x10240x128xf32, #tpu.memory_space<hbm>> -> memref<1x1x640x128xf32, #tpu.memory_space<hbm>>
      %dma_start3A_78 = tpu.memref_squeeze %dma_start3A_77 : memref<1x1x640x128xf32, #tpu.memory_space<hbm>> -> memref<640x128xf32, #tpu.memory_space<hbm>>
      %dma_start3A_79 = arith.constant 0 : i32
      %dma_start3A_80 = tpu.memref_slice %arg10[%mul3A_15, %dma_start3A_79] : memref<10240x128xf32, #tpu.memory_space<vmem_shared>> -> memref<640x128xf32, #tpu.memory_space<vmem_shared>>
      tpu.enqueue_dma source(%dma_start3A_80 : memref<640x128xf32, #tpu.memory_space<vmem_shared>>) target(%dma_start3A_78 : memref<640x128xf32, #tpu.memory_space<hbm>>) target_semaphore(%run_scoped3A_76 : memref<!tpu.dma_semaphore, #tpu.memory_space<semaphore_mem>>)
      %dma_wait3A = arith.constant 0 : i32
      %dma_wait3A_81 = tpu.memref_slice %arg5[%arg0, %run_scoped3A, %mul3A_17, %dma_wait3A] : memref<2x4x10240x128xf32, #tpu.memory_space<hbm>> -> memref<1x1x640x128xf32, #tpu.memory_space<hbm>>
      %dma_wait3A_82 = tpu.memref_squeeze %dma_wait3A_81 : memref<1x1x640x128xf32, #tpu.memory_space<hbm>> -> memref<640x128xf32, #tpu.memory_space<hbm>>
      %dma_wait3A_83 = arith.constant 0 : i32
      %dma_wait3A_84 = tpu.memref_slice %arg10[%mul3A_15, %dma_wait3A_83] : memref<10240x128xf32, #tpu.memory_space<vmem_shared>> -> memref<640x128xf32, #tpu.memory_space<vmem_shared>>
      tpu.wait_dma2 semaphore(%run_scoped3A_76 : memref<!tpu.dma_semaphore, #tpu.memory_space<semaphore_mem>>) src(%dma_wait3A_84 : memref<640x128xf32, #tpu.memory_space<vmem_shared>>) dst(%dma_wait3A_82 : memref<640x128xf32, #tpu.memory_space<hbm>>)
      tpu.yield
    }) : () -> ()
    %barrier3A_18 = arith.constant 0 : index
    tpu.barrier barrier_id(%barrier3A_18)
    %mul3A_19 = arith.constant 640 : i32
    %mul3A_20 = arith.muli %arg1, %mul3A_19 : i32
    %add3A_21 = arith.constant 10240 : i32
    %add3A_22 = arith.addi %add3A_21, %mul3A_20 : i32
    %mul3A_23 = arith.constant 640 : i32
    %mul3A_24 = arith.muli %arg1, %mul3A_23 : i32
    "tpu.region"() ({
      %run_scoped3A_76 = tpu.sem_alloc : memref<!tpu.dma_semaphore, #tpu.memory_space<semaphore_mem>>
      %dma_start3A = arith.constant 0 : i32
      %dma_start3A_77 = tpu.memref_slice %arg10[%mul3A_24, %dma_start3A] : memref<10240x128xf32, #tpu.memory_space<vmem_shared>> -> memref<640x128xf32, #tpu.memory_space<vmem_shared>>
      %dma_start3A_78 = arith.constant 0 : i32
      %dma_start3A_79 = tpu.memref_slice %arg4[%add3A_22, %dma_start3A_78] : memref<40960x128xf32, #tpu.memory_space<hbm>> -> memref<640x128xf32, #tpu.memory_space<hbm>>
      tpu.enqueue_dma source(%dma_start3A_79 : memref<640x128xf32, #tpu.memory_space<hbm>>) target(%dma_start3A_77 : memref<640x128xf32, #tpu.memory_space<vmem_shared>>) target_semaphore(%run_scoped3A_76 : memref<!tpu.dma_semaphore, #tpu.memory_space<semaphore_mem>>)
      %dma_wait3A = arith.constant 0 : i32
      %dma_wait3A_80 = tpu.memref_slice %arg10[%mul3A_24, %dma_wait3A] : memref<10240x128xf32, #tpu.memory_space<vmem_shared>> -> memref<640x128xf32, #tpu.memory_space<vmem_shared>>
      %dma_wait3A_81 = arith.constant 0 : i32
      %dma_wait3A_82 = tpu.memref_slice %arg4[%add3A_22, %dma_wait3A_81] : memref<40960x128xf32, #tpu.memory_space<hbm>> -> memref<640x128xf32, #tpu.memory_space<hbm>>
      tpu.wait_dma2 semaphore(%run_scoped3A_76 : memref<!tpu.dma_semaphore, #tpu.memory_space<semaphore_mem>>) src(%dma_wait3A_82 : memref<640x128xf32, #tpu.memory_space<hbm>>) dst(%dma_wait3A_80 : memref<640x128xf32, #tpu.memory_space<vmem_shared>>)
      tpu.yield
    }) : () -> ()
    %barrier3A_25 = arith.constant 0 : index
    tpu.barrier barrier_id(%barrier3A_25)
    %scan3A_26 = arith.constant 0 : i32
    %scan3A_27 = arith.constant 79 : i32
    %scan3A_28 = arith.addi %scan3A_26, %scan3A_27 : i32
    %scan3A_29 = arith.constant 1 : i32
    scf.for %scan3A_76 = %scan3A_26 to %scan3A_28 step %scan3A_29  : i32 {
      %mul3A_77 = arith.constant 1 : i32
      %mul3A_78 = arith.muli %scan3A_76, %mul3A_77 : i32
      %add3A_79 = arith.constant 0 : i32
      %add3A_80 = arith.addi %add3A_79, %mul3A_78 : i32
      %mul3A_81 = arith.constant 128 : i32
      %mul3A_82 = arith.muli %add3A_80, %mul3A_81 : i32
      %add3A_83 = arith.addi %add3A, %mul3A_82 : i32
      "tpu.region"() ({
        %run_scoped3A_165 = tpu.sem_alloc : memref<!tpu.dma_semaphore, #tpu.memory_space<semaphore_mem>>
        %dma_start3A_166 = tpu.memref_slice %arg2[%add3A_83] : memref<323584xi32, #tpu.memory_space<hbm>> -> memref<128xi32, #tpu.memory_space<hbm>>
        %dma_start3A_167 = tpu.memref_slice %arg2[%add3A_83] : memref<323584xi32, #tpu.memory_space<hbm>> -> memref<128xi32, #tpu.memory_space<hbm>>
        tpu.enqueue_dma source(%dma_start3A_167 : memref<128xi32, #tpu.memory_space<hbm>>) target(%arg6 : memref<128xi32, #tpu.memory_space<vmem>>) target_semaphore(%run_scoped3A_165 : memref<!tpu.dma_semaphore, #tpu.memory_space<semaphore_mem>>)
        %dma_wait3A_168 = tpu.memref_slice %arg2[%add3A_83] : memref<323584xi32, #tpu.memory_space<hbm>> -> memref<128xi32, #tpu.memory_space<hbm>>
        %dma_wait3A_169 = tpu.memref_slice %arg2[%add3A_83] : memref<323584xi32, #tpu.memory_space<hbm>> -> memref<128xi32, #tpu.memory_space<hbm>>
        tpu.wait_dma2 semaphore(%run_scoped3A_165 : memref<!tpu.dma_semaphore, #tpu.memory_space<semaphore_mem>>) src(%dma_wait3A_169 : memref<128xi32, #tpu.memory_space<hbm>>) dst(%arg6 : memref<128xi32, #tpu.memory_space<vmem>>)
        tpu.yield
      }) : () -> ()
      "tpu.region"() ({
        %run_scoped3A_165 = tpu.sem_alloc : memref<!tpu.dma_semaphore, #tpu.memory_space<semaphore_mem>>
        %dma_start3A_166 = tpu.memref_slice %arg3[%add3A_83] : memref<323584xi32, #tpu.memory_space<hbm>> -> memref<128xi32, #tpu.memory_space<hbm>>
        %dma_start3A_167 = tpu.memref_slice %arg3[%add3A_83] : memref<323584xi32, #tpu.memory_space<hbm>> -> memref<128xi32, #tpu.memory_space<hbm>>
        tpu.enqueue_dma source(%dma_start3A_167 : memref<128xi32, #tpu.memory_space<hbm>>) target(%arg7 : memref<128xi32, #tpu.memory_space<vmem>>) target_semaphore(%run_scoped3A_165 : memref<!tpu.dma_semaphore, #tpu.memory_space<semaphore_mem>>)
        %dma_wait3A_168 = tpu.memref_slice %arg3[%add3A_83] : memref<323584xi32, #tpu.memory_space<hbm>> -> memref<128xi32, #tpu.memory_space<hbm>>
        %dma_wait3A_169 = tpu.memref_slice %arg3[%add3A_83] : memref<323584xi32, #tpu.memory_space<hbm>> -> memref<128xi32, #tpu.memory_space<hbm>>
        tpu.wait_dma2 semaphore(%run_scoped3A_165 : memref<!tpu.dma_semaphore, #tpu.memory_space<semaphore_mem>>) src(%dma_wait3A_169 : memref<128xi32, #tpu.memory_space<hbm>>) dst(%arg7 : memref<128xi32, #tpu.memory_space<vmem>>)
        tpu.yield
      }) : () -> ()
      %get3A = arith.constant 0 : index
      %get3A_84 = tpu.vector_load %arg6[%get3A] {strides = array<i32>} : memref<128xi32, #tpu.memory_space<vmem>>, vector<16xi32>,
      %get3A_85 = vector.shape_cast %get3A_84 : vector<16xi32> to vector<16xi32>
      %broadcast_in_dim3A = arith.constant 10240 : i32
      %broadcast_in_dim3A_86 = vector.broadcast %broadcast_in_dim3A : i32 to vector<16xi32>
      %add3A_87 = arith.addi %get3A_85, %broadcast_in_dim3A_86 : vector<16xi32>
      %swap3A = arith.constant 0 : index
      %swap3A_88 = tpu.vector_load %arg8[%swap3A] {strides = array<i32>} : memref<128xi32, #tpu.memory_space<vmem>>, vector<16xi32>,
      %swap3A_89 = vector.shape_cast %swap3A_88 : vector<16xi32> to vector<16xi32>
      %swap3A_90 = vector.shape_cast %add3A_87 : vector<16xi32> to vector<16xi32>
      tpu.vector_store %arg8[%swap3A], %swap3A_90 {strides = array<i32>} : memref<128xi32, #tpu.memory_space<vmem>>, vector<16xi32>,
      %get3A_91 = arith.constant 16 : index
      %get3A_92 = tpu.vector_load %arg6[%get3A_91] {strides = array<i32>} : memref<128xi32, #tpu.memory_space<vmem>>, vector<16xi32>,
      %get3A_93 = vector.shape_cast %get3A_92 : vector<16xi32> to vector<16xi32>
      %broadcast_in_dim3A_94 = arith.constant 10240 : i32
      %broadcast_in_dim3A_95 = vector.broadcast %broadcast_in_dim3A_94 : i32 to vector<16xi32>
      %add3A_96 = arith.addi %get3A_93, %broadcast_in_dim3A_95 : vector<16xi32>
      %swap3A_97 = arith.constant 16 : index
      %swap3A_98 = tpu.vector_load %arg8[%swap3A_97] {strides = array<i32>} : memref<128xi32, #tpu.memory_space<vmem>>, vector<16xi32>,
      %swap3A_99 = vector.shape_cast %swap3A_98 : vector<16xi32> to vector<16xi32>
      %swap3A_100 = vector.shape_cast %add3A_96 : vector<16xi32> to vector<16xi32>
      tpu.vector_store %arg8[%swap3A_97], %swap3A_100 {strides = array<i32>} : memref<128xi32, #tpu.memory_space<vmem>>, vector<16xi32>,
      %get3A_101 = arith.constant 32 : index
      %get3A_102 = tpu.vector_load %arg6[%get3A_101] {strides = array<i32>} : memref<128xi32, #tpu.memory_space<vmem>>, vector<16xi32>,
      %get3A_103 = vector.shape_cast %get3A_102 : vector<16xi32> to vector<16xi32>
      %broadcast_in_dim3A_104 = arith.constant 10240 : i32
      %broadcast_in_dim3A_105 = vector.broadcast %broadcast_in_dim3A_104 : i32 to vector<16xi32>
      %add3A_106 = arith.addi %get3A_103, %broadcast_in_dim3A_105 : vector<16xi32>
      %swap3A_107 = arith.constant 32 : index
      %swap3A_108 = tpu.vector_load %arg8[%swap3A_107] {strides = array<i32>} : memref<128xi32, #tpu.memory_space<vmem>>, vector<16xi32>,
      %swap3A_109 = vector.shape_cast %swap3A_108 : vector<16xi32> to vector<16xi32>
      %swap3A_110 = vector.shape_cast %add3A_106 : vector<16xi32> to vector<16xi32>
      tpu.vector_store %arg8[%swap3A_107], %swap3A_110 {strides = array<i32>} : memref<128xi32, #tpu.memory_space<vmem>>, vector<16xi32>,
      %get3A_111 = arith.constant 48 : index
      %get3A_112 = tpu.vector_load %arg6[%get3A_111] {strides = array<i32>} : memref<128xi32, #tpu.memory_space<vmem>>, vector<16xi32>,
      %get3A_113 = vector.shape_cast %get3A_112 : vector<16xi32> to vector<16xi32>
      %broadcast_in_dim3A_114 = arith.constant 10240 : i32
      %broadcast_in_dim3A_115 = vector.broadcast %broadcast_in_dim3A_114 : i32 to vector<16xi32>
      %add3A_116 = arith.addi %get3A_113, %broadcast_in_dim3A_115 : vector<16xi32>
      %swap3A_117 = arith.constant 48 : index
      %swap3A_118 = tpu.vector_load %arg8[%swap3A_117] {strides = array<i32>} : memref<128xi32, #tpu.memory_space<vmem>>, vector<16xi32>,
      %swap3A_119 = vector.shape_cast %swap3A_118 : vector<16xi32> to vector<16xi32>
      %swap3A_120 = vector.shape_cast %add3A_116 : vector<16xi32> to vector<16xi32>
      tpu.vector_store %arg8[%swap3A_117], %swap3A_120 {strides = array<i32>} : memref<128xi32, #tpu.memory_space<vmem>>, vector<16xi32>,
      %get3A_121 = arith.constant 64 : index
      %get3A_122 = tpu.vector_load %arg6[%get3A_121] {strides = array<i32>} : memref<128xi32, #tpu.memory_space<vmem>>, vector<16xi32>,
      %get3A_123 = vector.shape_cast %get3A_122 : vector<16xi32> to vector<16xi32>
      %broadcast_in_dim3A_124 = arith.constant 10240 : i32
      %broadcast_in_dim3A_125 = vector.broadcast %broadcast_in_dim3A_124 : i32 to vector<16xi32>
      %add3A_126 = arith.addi %get3A_123, %broadcast_in_dim3A_125 : vector<16xi32>
      %swap3A_127 = arith.constant 64 : index
      %swap3A_128 = tpu.vector_load %arg8[%swap3A_127] {strides = array<i32>} : memref<128xi32, #tpu.memory_space<vmem>>, vector<16xi32>,
      %swap3A_129 = vector.shape_cast %swap3A_128 : vector<16xi32> to vector<16xi32>
      %swap3A_130 = vector.shape_cast %add3A_126 : vector<16xi32> to vector<16xi32>
      tpu.vector_store %arg8[%swap3A_127], %swap3A_130 {strides = array<i32>} : memref<128xi32, #tpu.memory_space<vmem>>, vector<16xi32>,
      %get3A_131 = arith.constant 80 : index
      %get3A_132 = tpu.vector_load %arg6[%get3A_131] {strides = array<i32>} : memref<128xi32, #tpu.memory_space<vmem>>, vector<16xi32>,
      %get3A_133 = vector.shape_cast %get3A_132 : vector<16xi32> to vector<16xi32>
      %broadcast_in_dim3A_134 = arith.constant 10240 : i32
      %broadcast_in_dim3A_135 = vector.broadcast %broadcast_in_dim3A_134 : i32 to vector<16xi32>
      %add3A_136 = arith.addi %get3A_133, %broadcast_in_dim3A_135 : vector<16xi32>
      %swap3A_137 = arith.constant 80 : index
      %swap3A_138 = tpu.vector_load %arg8[%swap3A_137] {strides = array<i32>} : memref<128xi32, #tpu.memory_space<vmem>>, vector<16xi32>,
      %swap3A_139 = vector.shape_cast %swap3A_138 : vector<16xi32> to vector<16xi32>
      %swap3A_140 = vector.shape_cast %add3A_136 : vector<16xi32> to vector<16xi32>
      tpu.vector_store %arg8[%swap3A_137], %swap3A_140 {strides = array<i32>} : memref<128xi32, #tpu.memory_space<vmem>>, vector<16xi32>,
      %get3A_141 = arith.constant 96 : index
      %get3A_142 = tpu.vector_load %arg6[%get3A_141] {strides = array<i32>} : memref<128xi32, #tpu.memory_space<vmem>>, vector<16xi32>,
      %get3A_143 = vector.shape_cast %get3A_142 : vector<16xi32> to vector<16xi32>
      %broadcast_in_dim3A_144 = arith.constant 10240 : i32
      %broadcast_in_dim3A_145 = vector.broadcast %broadcast_in_dim3A_144 : i32 to vector<16xi32>
      %add3A_146 = arith.addi %get3A_143, %broadcast_in_dim3A_145 : vector<16xi32>
      %swap3A_147 = arith.constant 96 : index
      %swap3A_148 = tpu.vector_load %arg8[%swap3A_147] {strides = array<i32>} : memref<128xi32, #tpu.memory_space<vmem>>, vector<16xi32>,
      %swap3A_149 = vector.shape_cast %swap3A_148 : vector<16xi32> to vector<16xi32>
      %swap3A_150 = vector.shape_cast %add3A_146 : vector<16xi32> to vector<16xi32>
      tpu.vector_store %arg8[%swap3A_147], %swap3A_150 {strides = array<i32>} : memref<128xi32, #tpu.memory_space<vmem>>, vector<16xi32>,
      %get3A_151 = arith.constant 112 : index
      %get3A_152 = tpu.vector_load %arg6[%get3A_151] {strides = array<i32>} : memref<128xi32, #tpu.memory_space<vmem>>, vector<16xi32>,
      %get3A_153 = vector.shape_cast %get3A_152 : vector<16xi32> to vector<16xi32>
      %broadcast_in_dim3A_154 = arith.constant 10240 : i32
      %broadcast_in_dim3A_155 = vector.broadcast %broadcast_in_dim3A_154 : i32 to vector<16xi32>
      %add3A_156 = arith.addi %get3A_153, %broadcast_in_dim3A_155 : vector<16xi32>
      %swap3A_157 = arith.constant 112 : index
      %swap3A_158 = tpu.vector_load %arg8[%swap3A_157] {strides = array<i32>} : memref<128xi32, #tpu.memory_space<vmem>>, vector<16xi32>,
      %swap3A_159 = vector.shape_cast %swap3A_158 : vector<16xi32> to vector<16xi32>
      %swap3A_160 = vector.shape_cast %add3A_156 : vector<16xi32> to vector<16xi32>
      tpu.vector_store %arg8[%swap3A_157], %swap3A_160 {strides = array<i32>} : memref<128xi32, #tpu.memory_space<vmem>>, vector<16xi32>,
      %dma_start3A = arith.constant 0 : i32
      %dma_start3A_161 = arith.constant 0 : i32
      %dma_start3A_162 = tpu.memref_slice %arg4[%dma_start3A, %dma_start3A_161] : memref<40960x128xf32, #tpu.memory_space<hbm>> -> memref<40960x128xf32, #tpu.memory_space<hbm>>
      tpu.enqueue_indirect_dma source(%dma_start3A_162 : memref<40960x128xf32, #tpu.memory_space<hbm>>) target(%arg9 : memref<128x128xf32, #tpu.memory_space<vmem>>) offsets(%arg8 : memref<128xi32, #tpu.memory_space<vmem>>) semaphore(%arg11 : memref<!tpu.dma_semaphore, #tpu.memory_space<semaphore_mem>>)
      %dma_wait3A = arith.constant 0 : i32
      %dma_wait3A_163 = arith.constant 0 : i32
      %dma_wait3A_164 = tpu.memref_slice %arg4[%dma_wait3A, %dma_wait3A_163] : memref<40960x128xf32, #tpu.memory_space<hbm>> -> memref<40960x128xf32, #tpu.memory_space<hbm>>
      tpu.wait_indirect_dma semaphore(%arg11 : memref<!tpu.dma_semaphore, #tpu.memory_space<semaphore_mem>>) src(%dma_wait3A_164 : memref<40960x128xf32, #tpu.memory_space<hbm>>) dst(%arg9 : memref<128x128xf32, #tpu.memory_space<vmem>>)
      "tpu.region"() ({
        %run_scoped3A_165 = tpu.sem_alloc : memref<!tpu.dma_semaphore, #tpu.memory_space<semaphore_mem>>
        %dma_start3A_166 = arith.constant 0 : i32
        %dma_start3A_167 = arith.constant 0 : i32
        %dma_start3A_168 = tpu.memref_slice %arg10[%dma_start3A_166, %dma_start3A_167] : memref<10240x128xf32, #tpu.memory_space<vmem_shared>> -> memref<10240x128xf32, #tpu.memory_space<vmem_shared>>
        tpu.enqueue_indirect_dma source(%arg9 : memref<128x128xf32, #tpu.memory_space<vmem>>) target(%dma_start3A_168 : memref<10240x128xf32, #tpu.memory_space<vmem_shared>>) offsets(%arg7 : memref<128xi32, #tpu.memory_space<vmem>>) semaphore(%run_scoped3A_165 : memref<!tpu.dma_semaphore, #tpu.memory_space<semaphore_mem>>) {add = true}
        %dma_wait3A_169 = arith.constant 0 : i32
        %dma_wait3A_170 = arith.constant 0 : i32
        %dma_wait3A_171 = tpu.memref_slice %arg10[%dma_wait3A_169, %dma_wait3A_170] : memref<10240x128xf32, #tpu.memory_space<vmem_shared>> -> memref<10240x128xf32, #tpu.memory_space<vmem_shared>>
        tpu.wait_indirect_dma semaphore(%run_scoped3A_165 : memref<!tpu.dma_semaphore, #tpu.memory_space<semaphore_mem>>) src(%arg9 : memref<128x128xf32, #tpu.memory_space<vmem>>) dst(%dma_wait3A_171 : memref<10240x128xf32, #tpu.memory_space<vmem_shared>>)
        tpu.yield
      }) : () -> ()
    }
    %scan3A_30 = arith.constant 79 : i32
    %barrier3A_31 = arith.constant 0 : index
    tpu.barrier barrier_id(%barrier3A_31)
    %mul3A_32 = arith.constant 640 : i32
    %mul3A_33 = arith.muli %arg1, %mul3A_32 : i32
    %mul3A_34 = arith.constant 640 : i32
    %mul3A_35 = arith.muli %arg1, %mul3A_34 : i32
    %run_scoped3A_36 = arith.constant 1 : i32
    "tpu.region"() ({
      %run_scoped3A_76 = tpu.sem_alloc : memref<!tpu.dma_semaphore, #tpu.memory_space<semaphore_mem>>
      %dma_start3A = arith.constant 0 : i32
      %dma_start3A_77 = tpu.memref_slice %arg5[%arg0, %run_scoped3A_36, %mul3A_35, %dma_start3A] : memref<2x4x10240x128xf32, #tpu.memory_space<hbm>> -> memref<1x1x640x128xf32, #tpu.memory_space<hbm>>
      %dma_start3A_78 = tpu.memref_squeeze %dma_start3A_77 : memref<1x1x640x128xf32, #tpu.memory_space<hbm>> -> memref<640x128xf32, #tpu.memory_space<hbm>>
      %dma_start3A_79 = arith.constant 0 : i32
      %dma_start3A_80 = tpu.memref_slice %arg10[%mul3A_33, %dma_start3A_79] : memref<10240x128xf32, #tpu.memory_space<vmem_shared>> -> memref<640x128xf32, #tpu.memory_space<vmem_shared>>
      tpu.enqueue_dma source(%dma_start3A_80 : memref<640x128xf32, #tpu.memory_space<vmem_shared>>) target(%dma_start3A_78 : memref<640x128xf32, #tpu.memory_space<hbm>>) target_semaphore(%run_scoped3A_76 : memref<!tpu.dma_semaphore, #tpu.memory_space<semaphore_mem>>)
      %dma_wait3A = arith.constant 0 : i32
      %dma_wait3A_81 = tpu.memref_slice %arg5[%arg0, %run_scoped3A_36, %mul3A_35, %dma_wait3A] : memref<2x4x10240x128xf32, #tpu.memory_space<hbm>> -> memref<1x1x640x128xf32, #tpu.memory_space<hbm>>
      %dma_wait3A_82 = tpu.memref_squeeze %dma_wait3A_81 : memref<1x1x640x128xf32, #tpu.memory_space<hbm>> -> memref<640x128xf32, #tpu.memory_space<hbm>>
      %dma_wait3A_83 = arith.constant 0 : i32
      %dma_wait3A_84 = tpu.memref_slice %arg10[%mul3A_33, %dma_wait3A_83] : memref<10240x128xf32, #tpu.memory_space<vmem_shared>> -> memref<640x128xf32, #tpu.memory_space<vmem_shared>>
      tpu.wait_dma2 semaphore(%run_scoped3A_76 : memref<!tpu.dma_semaphore, #tpu.memory_space<semaphore_mem>>) src(%dma_wait3A_84 : memref<640x128xf32, #tpu.memory_space<vmem_shared>>) dst(%dma_wait3A_82 : memref<640x128xf32, #tpu.memory_space<hbm>>)
      tpu.yield
    }) : () -> ()
    %barrier3A_37 = arith.constant 0 : index
    tpu.barrier barrier_id(%barrier3A_37)
    %mul3A_38 = arith.constant 640 : i32
    %mul3A_39 = arith.muli %arg1, %mul3A_38 : i32
    %add3A_40 = arith.constant 20480 : i32
    %add3A_41 = arith.addi %add3A_40, %mul3A_39 : i32
    %mul3A_42 = arith.constant 640 : i32
    %mul3A_43 = arith.muli %arg1, %mul3A_42 : i32
    "tpu.region"() ({
      %run_scoped3A_76 = tpu.sem_alloc : memref<!tpu.dma_semaphore, #tpu.memory_space<semaphore_mem>>
      %dma_start3A = arith.constant 0 : i32
      %dma_start3A_77 = tpu.memref_slice %arg10[%mul3A_43, %dma_start3A] : memref<10240x128xf32, #tpu.memory_space<vmem_shared>> -> memref<640x128xf32, #tpu.memory_space<vmem_shared>>
      %dma_start3A_78 = arith.constant 0 : i32
      %dma_start3A_79 = tpu.memref_slice %arg4[%add3A_41, %dma_start3A_78] : memref<40960x128xf32, #tpu.memory_space<hbm>> -> memref<640x128xf32, #tpu.memory_space<hbm>>
      tpu.enqueue_dma source(%dma_start3A_79 : memref<640x128xf32, #tpu.memory_space<hbm>>) target(%dma_start3A_77 : memref<640x128xf32, #tpu.memory_space<vmem_shared>>) target_semaphore(%run_scoped3A_76 : memref<!tpu.dma_semaphore, #tpu.memory_space<semaphore_mem>>)
      %dma_wait3A = arith.constant 0 : i32
      %dma_wait3A_80 = tpu.memref_slice %arg10[%mul3A_43, %dma_wait3A] : memref<10240x128xf32, #tpu.memory_space<vmem_shared>> -> memref<640x128xf32, #tpu.memory_space<vmem_shared>>
      %dma_wait3A_81 = arith.constant 0 : i32
      %dma_wait3A_82 = tpu.memref_slice %arg4[%add3A_41, %dma_wait3A_81] : memref<40960x128xf32, #tpu.memory_space<hbm>> -> memref<640x128xf32, #tpu.memory_space<hbm>>
      tpu.wait_dma2 semaphore(%run_scoped3A_76 : memref<!tpu.dma_semaphore, #tpu.memory_space<semaphore_mem>>) src(%dma_wait3A_82 : memref<640x128xf32, #tpu.memory_space<hbm>>) dst(%dma_wait3A_80 : memref<640x128xf32, #tpu.memory_space<vmem_shared>>)
      tpu.yield
    }) : () -> ()
    %barrier3A_44 = arith.constant 0 : index
    tpu.barrier barrier_id(%barrier3A_44)
    %scan3A_45 = arith.constant 0 : i32
    %scan3A_46 = arith.constant 79 : i32
    %scan3A_47 = arith.addi %scan3A_45, %scan3A_46 : i32
    %scan3A_48 = arith.constant 1 : i32
    scf.for %scan3A_76 = %scan3A_45 to %scan3A_47 step %scan3A_48  : i32 {
      %mul3A_77 = arith.constant 1 : i32
      %mul3A_78 = arith.muli %scan3A_76, %mul3A_77 : i32
      %add3A_79 = arith.constant 0 : i32
      %add3A_80 = arith.addi %add3A_79, %mul3A_78 : i32
      %mul3A_81 = arith.constant 128 : i32
      %mul3A_82 = arith.muli %add3A_80, %mul3A_81 : i32
      %add3A_83 = arith.addi %add3A, %mul3A_82 : i32
      "tpu.region"() ({
        %run_scoped3A_165 = tpu.sem_alloc : memref<!tpu.dma_semaphore, #tpu.memory_space<semaphore_mem>>
        %dma_start3A_166 = tpu.memref_slice %arg2[%add3A_83] : memref<323584xi32, #tpu.memory_space<hbm>> -> memref<128xi32, #tpu.memory_space<hbm>>
        %dma_start3A_167 = tpu.memref_slice %arg2[%add3A_83] : memref<323584xi32, #tpu.memory_space<hbm>> -> memref<128xi32, #tpu.memory_space<hbm>>
        tpu.enqueue_dma source(%dma_start3A_167 : memref<128xi32, #tpu.memory_space<hbm>>) target(%arg6 : memref<128xi32, #tpu.memory_space<vmem>>) target_semaphore(%run_scoped3A_165 : memref<!tpu.dma_semaphore, #tpu.memory_space<semaphore_mem>>)
        %dma_wait3A_168 = tpu.memref_slice %arg2[%add3A_83] : memref<323584xi32, #tpu.memory_space<hbm>> -> memref<128xi32, #tpu.memory_space<hbm>>
        %dma_wait3A_169 = tpu.memref_slice %arg2[%add3A_83] : memref<323584xi32, #tpu.memory_space<hbm>> -> memref<128xi32, #tpu.memory_space<hbm>>
        tpu.wait_dma2 semaphore(%run_scoped3A_165 : memref<!tpu.dma_semaphore, #tpu.memory_space<semaphore_mem>>) src(%dma_wait3A_169 : memref<128xi32, #tpu.memory_space<hbm>>) dst(%arg6 : memref<128xi32, #tpu.memory_space<vmem>>)
        tpu.yield
      }) : () -> ()
      "tpu.region"() ({
        %run_scoped3A_165 = tpu.sem_alloc : memref<!tpu.dma_semaphore, #tpu.memory_space<semaphore_mem>>
        %dma_start3A_166 = tpu.memref_slice %arg3[%add3A_83] : memref<323584xi32, #tpu.memory_space<hbm>> -> memref<128xi32, #tpu.memory_space<hbm>>
        %dma_start3A_167 = tpu.memref_slice %arg3[%add3A_83] : memref<323584xi32, #tpu.memory_space<hbm>> -> memref<128xi32, #tpu.memory_space<hbm>>
        tpu.enqueue_dma source(%dma_start3A_167 : memref<128xi32, #tpu.memory_space<hbm>>) target(%arg7 : memref<128xi32, #tpu.memory_space<vmem>>) target_semaphore(%run_scoped3A_165 : memref<!tpu.dma_semaphore, #tpu.memory_space<semaphore_mem>>)
        %dma_wait3A_168 = tpu.memref_slice %arg3[%add3A_83] : memref<323584xi32, #tpu.memory_space<hbm>> -> memref<128xi32, #tpu.memory_space<hbm>>
        %dma_wait3A_169 = tpu.memref_slice %arg3[%add3A_83] : memref<323584xi32, #tpu.memory_space<hbm>> -> memref<128xi32, #tpu.memory_space<hbm>>
        tpu.wait_dma2 semaphore(%run_scoped3A_165 : memref<!tpu.dma_semaphore, #tpu.memory_space<semaphore_mem>>) src(%dma_wait3A_169 : memref<128xi32, #tpu.memory_space<hbm>>) dst(%arg7 : memref<128xi32, #tpu.memory_space<vmem>>)
        tpu.yield
      }) : () -> ()
      %get3A = arith.constant 0 : index
      %get3A_84 = tpu.vector_load %arg6[%get3A] {strides = array<i32>} : memref<128xi32, #tpu.memory_space<vmem>>, vector<16xi32>,
      %get3A_85 = vector.shape_cast %get3A_84 : vector<16xi32> to vector<16xi32>
      %broadcast_in_dim3A = arith.constant 20480 : i32
      %broadcast_in_dim3A_86 = vector.broadcast %broadcast_in_dim3A : i32 to vector<16xi32>
      %add3A_87 = arith.addi %get3A_85, %broadcast_in_dim3A_86 : vector<16xi32>
      %swap3A = arith.constant 0 : index
      %swap3A_88 = tpu.vector_load %arg8[%swap3A] {strides = array<i32>} : memref<128xi32, #tpu.memory_space<vmem>>, vector<16xi32>,
      %swap3A_89 = vector.shape_cast %swap3A_88 : vector<16xi32> to vector<16xi32>
      %swap3A_90 = vector.shape_cast %add3A_87 : vector<16xi32> to vector<16xi32>
      tpu.vector_store %arg8[%swap3A], %swap3A_90 {strides = array<i32>} : memref<128xi32, #tpu.memory_space<vmem>>, vector<16xi32>,
      %get3A_91 = arith.constant 16 : index
      %get3A_92 = tpu.vector_load %arg6[%get3A_91] {strides = array<i32>} : memref<128xi32, #tpu.memory_space<vmem>>, vector<16xi32>,
      %get3A_93 = vector.shape_cast %get3A_92 : vector<16xi32> to vector<16xi32>
      %broadcast_in_dim3A_94 = arith.constant 20480 : i32
      %broadcast_in_dim3A_95 = vector.broadcast %broadcast_in_dim3A_94 : i32 to vector<16xi32>
      %add3A_96 = arith.addi %get3A_93, %broadcast_in_dim3A_95 : vector<16xi32>
      %swap3A_97 = arith.constant 16 : index
      %swap3A_98 = tpu.vector_load %arg8[%swap3A_97] {strides = array<i32>} : memref<128xi32, #tpu.memory_space<vmem>>, vector<16xi32>,
      %swap3A_99 = vector.shape_cast %swap3A_98 : vector<16xi32> to vector<16xi32>
      %swap3A_100 = vector.shape_cast %add3A_96 : vector<16xi32> to vector<16xi32>
      tpu.vector_store %arg8[%swap3A_97], %swap3A_100 {strides = array<i32>} : memref<128xi32, #tpu.memory_space<vmem>>, vector<16xi32>,
      %get3A_101 = arith.constant 32 : index
      %get3A_102 = tpu.vector_load %arg6[%get3A_101] {strides = array<i32>} : memref<128xi32, #tpu.memory_space<vmem>>, vector<16xi32>,
      %get3A_103 = vector.shape_cast %get3A_102 : vector<16xi32> to vector<16xi32>
      %broadcast_in_dim3A_104 = arith.constant 20480 : i32
      %broadcast_in_dim3A_105 = vector.broadcast %broadcast_in_dim3A_104 : i32 to vector<16xi32>
      %add3A_106 = arith.addi %get3A_103, %broadcast_in_dim3A_105 : vector<16xi32>
      %swap3A_107 = arith.constant 32 : index
      %swap3A_108 = tpu.vector_load %arg8[%swap3A_107] {strides = array<i32>} : memref<128xi32, #tpu.memory_space<vmem>>, vector<16xi32>,
      %swap3A_109 = vector.shape_cast %swap3A_108 : vector<16xi32> to vector<16xi32>
      %swap3A_110 = vector.shape_cast %add3A_106 : vector<16xi32> to vector<16xi32>
      tpu.vector_store %arg8[%swap3A_107], %swap3A_110 {strides = array<i32>} : memref<128xi32, #tpu.memory_space<vmem>>, vector<16xi32>,
      %get3A_111 = arith.constant 48 : index
      %get3A_112 = tpu.vector_load %arg6[%get3A_111] {strides = array<i32>} : memref<128xi32, #tpu.memory_space<vmem>>, vector<16xi32>,
      %get3A_113 = vector.shape_cast %get3A_112 : vector<16xi32> to vector<16xi32>
      %broadcast_in_dim3A_114 = arith.constant 20480 : i32
      %broadcast_in_dim3A_115 = vector.broadcast %broadcast_in_dim3A_114 : i32 to vector<16xi32>
      %add3A_116 = arith.addi %get3A_113, %broadcast_in_dim3A_115 : vector<16xi32>
      %swap3A_117 = arith.constant 48 : index
      %swap3A_118 = tpu.vector_load %arg8[%swap3A_117] {strides = array<i32>} : memref<128xi32, #tpu.memory_space<vmem>>, vector<16xi32>,
      %swap3A_119 = vector.shape_cast %swap3A_118 : vector<16xi32> to vector<16xi32>
      %swap3A_120 = vector.shape_cast %add3A_116 : vector<16xi32> to vector<16xi32>
      tpu.vector_store %arg8[%swap3A_117], %swap3A_120 {strides = array<i32>} : memref<128xi32, #tpu.memory_space<vmem>>, vector<16xi32>,
      %get3A_121 = arith.constant 64 : index
      %get3A_122 = tpu.vector_load %arg6[%get3A_121] {strides = array<i32>} : memref<128xi32, #tpu.memory_space<vmem>>, vector<16xi32>,
      %get3A_123 = vector.shape_cast %get3A_122 : vector<16xi32> to vector<16xi32>
      %broadcast_in_dim3A_124 = arith.constant 20480 : i32
      %broadcast_in_dim3A_125 = vector.broadcast %broadcast_in_dim3A_124 : i32 to vector<16xi32>
      %add3A_126 = arith.addi %get3A_123, %broadcast_in_dim3A_125 : vector<16xi32>
      %swap3A_127 = arith.constant 64 : index
      %swap3A_128 = tpu.vector_load %arg8[%swap3A_127] {strides = array<i32>} : memref<128xi32, #tpu.memory_space<vmem>>, vector<16xi32>,
      %swap3A_129 = vector.shape_cast %swap3A_128 : vector<16xi32> to vector<16xi32>
      %swap3A_130 = vector.shape_cast %add3A_126 : vector<16xi32> to vector<16xi32>
      tpu.vector_store %arg8[%swap3A_127], %swap3A_130 {strides = array<i32>} : memref<128xi32, #tpu.memory_space<vmem>>, vector<16xi32>,
      %get3A_131 = arith.constant 80 : index
      %get3A_132 = tpu.vector_load %arg6[%get3A_131] {strides = array<i32>} : memref<128xi32, #tpu.memory_space<vmem>>, vector<16xi32>,
      %get3A_133 = vector.shape_cast %get3A_132 : vector<16xi32> to vector<16xi32>
      %broadcast_in_dim3A_134 = arith.constant 20480 : i32
      %broadcast_in_dim3A_135 = vector.broadcast %broadcast_in_dim3A_134 : i32 to vector<16xi32>
      %add3A_136 = arith.addi %get3A_133, %broadcast_in_dim3A_135 : vector<16xi32>
      %swap3A_137 = arith.constant 80 : index
      %swap3A_138 = tpu.vector_load %arg8[%swap3A_137] {strides = array<i32>} : memref<128xi32, #tpu.memory_space<vmem>>, vector<16xi32>,
      %swap3A_139 = vector.shape_cast %swap3A_138 : vector<16xi32> to vector<16xi32>
      %swap3A_140 = vector.shape_cast %add3A_136 : vector<16xi32> to vector<16xi32>
      tpu.vector_store %arg8[%swap3A_137], %swap3A_140 {strides = array<i32>} : memref<128xi32, #tpu.memory_space<vmem>>, vector<16xi32>,
      %get3A_141 = arith.constant 96 : index
      %get3A_142 = tpu.vector_load %arg6[%get3A_141] {strides = array<i32>} : memref<128xi32, #tpu.memory_space<vmem>>, vector<16xi32>,
      %get3A_143 = vector.shape_cast %get3A_142 : vector<16xi32> to vector<16xi32>
      %broadcast_in_dim3A_144 = arith.constant 20480 : i32
      %broadcast_in_dim3A_145 = vector.broadcast %broadcast_in_dim3A_144 : i32 to vector<16xi32>
      %add3A_146 = arith.addi %get3A_143, %broadcast_in_dim3A_145 : vector<16xi32>
      %swap3A_147 = arith.constant 96 : index
      %swap3A_148 = tpu.vector_load %arg8[%swap3A_147] {strides = array<i32>} : memref<128xi32, #tpu.memory_space<vmem>>, vector<16xi32>,
      %swap3A_149 = vector.shape_cast %swap3A_148 : vector<16xi32> to vector<16xi32>
      %swap3A_150 = vector.shape_cast %add3A_146 : vector<16xi32> to vector<16xi32>
      tpu.vector_store %arg8[%swap3A_147], %swap3A_150 {strides = array<i32>} : memref<128xi32, #tpu.memory_space<vmem>>, vector<16xi32>,
      %get3A_151 = arith.constant 112 : index
      %get3A_152 = tpu.vector_load %arg6[%get3A_151] {strides = array<i32>} : memref<128xi32, #tpu.memory_space<vmem>>, vector<16xi32>,
      %get3A_153 = vector.shape_cast %get3A_152 : vector<16xi32> to vector<16xi32>
      %broadcast_in_dim3A_154 = arith.constant 20480 : i32
      %broadcast_in_dim3A_155 = vector.broadcast %broadcast_in_dim3A_154 : i32 to vector<16xi32>
      %add3A_156 = arith.addi %get3A_153, %broadcast_in_dim3A_155 : vector<16xi32>
      %swap3A_157 = arith.constant 112 : index
      %swap3A_158 = tpu.vector_load %arg8[%swap3A_157] {strides = array<i32>} : memref<128xi32, #tpu.memory_space<vmem>>, vector<16xi32>,
      %swap3A_159 = vector.shape_cast %swap3A_158 : vector<16xi32> to vector<16xi32>
      %swap3A_160 = vector.shape_cast %add3A_156 : vector<16xi32> to vector<16xi32>
      tpu.vector_store %arg8[%swap3A_157], %swap3A_160 {strides = array<i32>} : memref<128xi32, #tpu.memory_space<vmem>>, vector<16xi32>,
      %dma_start3A = arith.constant 0 : i32
      %dma_start3A_161 = arith.constant 0 : i32
      %dma_start3A_162 = tpu.memref_slice %arg4[%dma_start3A, %dma_start3A_161] : memref<40960x128xf32, #tpu.memory_space<hbm>> -> memref<40960x128xf32, #tpu.memory_space<hbm>>
      tpu.enqueue_indirect_dma source(%dma_start3A_162 : memref<40960x128xf32, #tpu.memory_space<hbm>>) target(%arg9 : memref<128x128xf32, #tpu.memory_space<vmem>>) offsets(%arg8 : memref<128xi32, #tpu.memory_space<vmem>>) semaphore(%arg11 : memref<!tpu.dma_semaphore, #tpu.memory_space<semaphore_mem>>)
      %dma_wait3A = arith.constant 0 : i32
      %dma_wait3A_163 = arith.constant 0 : i32
      %dma_wait3A_164 = tpu.memref_slice %arg4[%dma_wait3A, %dma_wait3A_163] : memref<40960x128xf32, #tpu.memory_space<hbm>> -> memref<40960x128xf32, #tpu.memory_space<hbm>>
      tpu.wait_indirect_dma semaphore(%arg11 : memref<!tpu.dma_semaphore, #tpu.memory_space<semaphore_mem>>) src(%dma_wait3A_164 : memref<40960x128xf32, #tpu.memory_space<hbm>>) dst(%arg9 : memref<128x128xf32, #tpu.memory_space<vmem>>)
      "tpu.region"() ({
        %run_scoped3A_165 = tpu.sem_alloc : memref<!tpu.dma_semaphore, #tpu.memory_space<semaphore_mem>>
        %dma_start3A_166 = arith.constant 0 : i32
        %dma_start3A_167 = arith.constant 0 : i32
        %dma_start3A_168 = tpu.memref_slice %arg10[%dma_start3A_166, %dma_start3A_167] : memref<10240x128xf32, #tpu.memory_space<vmem_shared>> -> memref<10240x128xf32, #tpu.memory_space<vmem_shared>>
        tpu.enqueue_indirect_dma source(%arg9 : memref<128x128xf32, #tpu.memory_space<vmem>>) target(%dma_start3A_168 : memref<10240x128xf32, #tpu.memory_space<vmem_shared>>) offsets(%arg7 : memref<128xi32, #tpu.memory_space<vmem>>) semaphore(%run_scoped3A_165 : memref<!tpu.dma_semaphore, #tpu.memory_space<semaphore_mem>>) {add = true}
        %dma_wait3A_169 = arith.constant 0 : i32
        %dma_wait3A_170 = arith.constant 0 : i32
        %dma_wait3A_171 = tpu.memref_slice %arg10[%dma_wait3A_169, %dma_wait3A_170] : memref<10240x128xf32, #tpu.memory_space<vmem_shared>> -> memref<10240x128xf32, #tpu.memory_space<vmem_shared>>
        tpu.wait_indirect_dma semaphore(%run_scoped3A_165 : memref<!tpu.dma_semaphore, #tpu.memory_space<semaphore_mem>>) src(%arg9 : memref<128x128xf32, #tpu.memory_space<vmem>>) dst(%dma_wait3A_171 : memref<10240x128xf32, #tpu.memory_space<vmem_shared>>)
        tpu.yield
      }) : () -> ()
    }
    %scan3A_49 = arith.constant 79 : i32
    %barrier3A_50 = arith.constant 0 : index
    tpu.barrier barrier_id(%barrier3A_50)
    %mul3A_51 = arith.constant 640 : i32
    %mul3A_52 = arith.muli %arg1, %mul3A_51 : i32
    %mul3A_53 = arith.constant 640 : i32
    %mul3A_54 = arith.muli %arg1, %mul3A_53 : i32
    %run_scoped3A_55 = arith.constant 2 : i32
    "tpu.region"() ({
      %run_scoped3A_76 = tpu.sem_alloc : memref<!tpu.dma_semaphore, #tpu.memory_space<semaphore_mem>>
      %dma_start3A = arith.constant 0 : i32
      %dma_start3A_77 = tpu.memref_slice %arg5[%arg0, %run_scoped3A_55, %mul3A_54, %dma_start3A] : memref<2x4x10240x128xf32, #tpu.memory_space<hbm>> -> memref<1x1x640x128xf32, #tpu.memory_space<hbm>>
      %dma_start3A_78 = tpu.memref_squeeze %dma_start3A_77 : memref<1x1x640x128xf32, #tpu.memory_space<hbm>> -> memref<640x128xf32, #tpu.memory_space<hbm>>
      %dma_start3A_79 = arith.constant 0 : i32
      %dma_start3A_80 = tpu.memref_slice %arg10[%mul3A_52, %dma_start3A_79] : memref<10240x128xf32, #tpu.memory_space<vmem_shared>> -> memref<640x128xf32, #tpu.memory_space<vmem_shared>>
      tpu.enqueue_dma source(%dma_start3A_80 : memref<640x128xf32, #tpu.memory_space<vmem_shared>>) target(%dma_start3A_78 : memref<640x128xf32, #tpu.memory_space<hbm>>) target_semaphore(%run_scoped3A_76 : memref<!tpu.dma_semaphore, #tpu.memory_space<semaphore_mem>>)
      %dma_wait3A = arith.constant 0 : i32
      %dma_wait3A_81 = tpu.memref_slice %arg5[%arg0, %run_scoped3A_55, %mul3A_54, %dma_wait3A] : memref<2x4x10240x128xf32, #tpu.memory_space<hbm>> -> memref<1x1x640x128xf32, #tpu.memory_space<hbm>>
      %dma_wait3A_82 = tpu.memref_squeeze %dma_wait3A_81 : memref<1x1x640x128xf32, #tpu.memory_space<hbm>> -> memref<640x128xf32, #tpu.memory_space<hbm>>
      %dma_wait3A_83 = arith.constant 0 : i32
      %dma_wait3A_84 = tpu.memref_slice %arg10[%mul3A_52, %dma_wait3A_83] : memref<10240x128xf32, #tpu.memory_space<vmem_shared>> -> memref<640x128xf32, #tpu.memory_space<vmem_shared>>
      tpu.wait_dma2 semaphore(%run_scoped3A_76 : memref<!tpu.dma_semaphore, #tpu.memory_space<semaphore_mem>>) src(%dma_wait3A_84 : memref<640x128xf32, #tpu.memory_space<vmem_shared>>) dst(%dma_wait3A_82 : memref<640x128xf32, #tpu.memory_space<hbm>>)
      tpu.yield
    }) : () -> ()
    %barrier3A_56 = arith.constant 0 : index
    tpu.barrier barrier_id(%barrier3A_56)
    %mul3A_57 = arith.constant 640 : i32
    %mul3A_58 = arith.muli %arg1, %mul3A_57 : i32
    %add3A_59 = arith.constant 30720 : i32
    %add3A_60 = arith.addi %add3A_59, %mul3A_58 : i32
    %mul3A_61 = arith.constant 640 : i32
    %mul3A_62 = arith.muli %arg1, %mul3A_61 : i32
    "tpu.region"() ({
      %run_scoped3A_76 = tpu.sem_alloc : memref<!tpu.dma_semaphore, #tpu.memory_space<semaphore_mem>>
      %dma_start3A = arith.constant 0 : i32
      %dma_start3A_77 = tpu.memref_slice %arg10[%mul3A_62, %dma_start3A] : memref<10240x128xf32, #tpu.memory_space<vmem_shared>> -> memref<640x128xf32, #tpu.memory_space<vmem_shared>>
      %dma_start3A_78 = arith.constant 0 : i32
      %dma_start3A_79 = tpu.memref_slice %arg4[%add3A_60, %dma_start3A_78] : memref<40960x128xf32, #tpu.memory_space<hbm>> -> memref<640x128xf32, #tpu.memory_space<hbm>>
      tpu.enqueue_dma source(%dma_start3A_79 : memref<640x128xf32, #tpu.memory_space<hbm>>) target(%dma_start3A_77 : memref<640x128xf32, #tpu.memory_space<vmem_shared>>) target_semaphore(%run_scoped3A_76 : memref<!tpu.dma_semaphore, #tpu.memory_space<semaphore_mem>>)
      %dma_wait3A = arith.constant 0 : i32
      %dma_wait3A_80 = tpu.memref_slice %arg10[%mul3A_62, %dma_wait3A] : memref<10240x128xf32, #tpu.memory_space<vmem_shared>> -> memref<640x128xf32, #tpu.memory_space<vmem_shared>>
      %dma_wait3A_81 = arith.constant 0 : i32
      %dma_wait3A_82 = tpu.memref_slice %arg4[%add3A_60, %dma_wait3A_81] : memref<40960x128xf32, #tpu.memory_space<hbm>> -> memref<640x128xf32, #tpu.memory_space<hbm>>
      tpu.wait_dma2 semaphore(%run_scoped3A_76 : memref<!tpu.dma_semaphore, #tpu.memory_space<semaphore_mem>>) src(%dma_wait3A_82 : memref<640x128xf32, #tpu.memory_space<hbm>>) dst(%dma_wait3A_80 : memref<640x128xf32, #tpu.memory_space<vmem_shared>>)
      tpu.yield
    }) : () -> ()
    %barrier3A_63 = arith.constant 0 : index
    tpu.barrier barrier_id(%barrier3A_63)
    %scan3A_64 = arith.constant 0 : i32
    %scan3A_65 = arith.constant 79 : i32
    %scan3A_66 = arith.addi %scan3A_64, %scan3A_65 : i32
    %scan3A_67 = arith.constant 1 : i32
    scf.for %scan3A_76 = %scan3A_64 to %scan3A_66 step %scan3A_67  : i32 {
      %mul3A_77 = arith.constant 1 : i32
      %mul3A_78 = arith.muli %scan3A_76, %mul3A_77 : i32
      %add3A_79 = arith.constant 0 : i32
      %add3A_80 = arith.addi %add3A_79, %mul3A_78 : i32
      %mul3A_81 = arith.constant 128 : i32
      %mul3A_82 = arith.muli %add3A_80, %mul3A_81 : i32
      %add3A_83 = arith.addi %add3A, %mul3A_82 : i32
      "tpu.region"() ({
        %run_scoped3A_165 = tpu.sem_alloc : memref<!tpu.dma_semaphore, #tpu.memory_space<semaphore_mem>>
        %dma_start3A_166 = tpu.memref_slice %arg2[%add3A_83] : memref<323584xi32, #tpu.memory_space<hbm>> -> memref<128xi32, #tpu.memory_space<hbm>>
        %dma_start3A_167 = tpu.memref_slice %arg2[%add3A_83] : memref<323584xi32, #tpu.memory_space<hbm>> -> memref<128xi32, #tpu.memory_space<hbm>>
        tpu.enqueue_dma source(%dma_start3A_167 : memref<128xi32, #tpu.memory_space<hbm>>) target(%arg6 : memref<128xi32, #tpu.memory_space<vmem>>) target_semaphore(%run_scoped3A_165 : memref<!tpu.dma_semaphore, #tpu.memory_space<semaphore_mem>>)
        %dma_wait3A_168 = tpu.memref_slice %arg2[%add3A_83] : memref<323584xi32, #tpu.memory_space<hbm>> -> memref<128xi32, #tpu.memory_space<hbm>>
        %dma_wait3A_169 = tpu.memref_slice %arg2[%add3A_83] : memref<323584xi32, #tpu.memory_space<hbm>> -> memref<128xi32, #tpu.memory_space<hbm>>
        tpu.wait_dma2 semaphore(%run_scoped3A_165 : memref<!tpu.dma_semaphore, #tpu.memory_space<semaphore_mem>>) src(%dma_wait3A_169 : memref<128xi32, #tpu.memory_space<hbm>>) dst(%arg6 : memref<128xi32, #tpu.memory_space<vmem>>)
        tpu.yield
      }) : () -> ()
      "tpu.region"() ({
        %run_scoped3A_165 = tpu.sem_alloc : memref<!tpu.dma_semaphore, #tpu.memory_space<semaphore_mem>>
        %dma_start3A_166 = tpu.memref_slice %arg3[%add3A_83] : memref<323584xi32, #tpu.memory_space<hbm>> -> memref<128xi32, #tpu.memory_space<hbm>>
        %dma_start3A_167 = tpu.memref_slice %arg3[%add3A_83] : memref<323584xi32, #tpu.memory_space<hbm>> -> memref<128xi32, #tpu.memory_space<hbm>>
        tpu.enqueue_dma source(%dma_start3A_167 : memref<128xi32, #tpu.memory_space<hbm>>) target(%arg7 : memref<128xi32, #tpu.memory_space<vmem>>) target_semaphore(%run_scoped3A_165 : memref<!tpu.dma_semaphore, #tpu.memory_space<semaphore_mem>>)
        %dma_wait3A_168 = tpu.memref_slice %arg3[%add3A_83] : memref<323584xi32, #tpu.memory_space<hbm>> -> memref<128xi32, #tpu.memory_space<hbm>>
        %dma_wait3A_169 = tpu.memref_slice %arg3[%add3A_83] : memref<323584xi32, #tpu.memory_space<hbm>> -> memref<128xi32, #tpu.memory_space<hbm>>
        tpu.wait_dma2 semaphore(%run_scoped3A_165 : memref<!tpu.dma_semaphore, #tpu.memory_space<semaphore_mem>>) src(%dma_wait3A_169 : memref<128xi32, #tpu.memory_space<hbm>>) dst(%arg7 : memref<128xi32, #tpu.memory_space<vmem>>)
        tpu.yield
      }) : () -> ()
      %get3A = arith.constant 0 : index
      %get3A_84 = tpu.vector_load %arg6[%get3A] {strides = array<i32>} : memref<128xi32, #tpu.memory_space<vmem>>, vector<16xi32>,
      %get3A_85 = vector.shape_cast %get3A_84 : vector<16xi32> to vector<16xi32>
      %broadcast_in_dim3A = arith.constant 30720 : i32
      %broadcast_in_dim3A_86 = vector.broadcast %broadcast_in_dim3A : i32 to vector<16xi32>
      %add3A_87 = arith.addi %get3A_85, %broadcast_in_dim3A_86 : vector<16xi32>
      %swap3A = arith.constant 0 : index
      %swap3A_88 = tpu.vector_load %arg8[%swap3A] {strides = array<i32>} : memref<128xi32, #tpu.memory_space<vmem>>, vector<16xi32>,
      %swap3A_89 = vector.shape_cast %swap3A_88 : vector<16xi32> to vector<16xi32>
      %swap3A_90 = vector.shape_cast %add3A_87 : vector<16xi32> to vector<16xi32>
      tpu.vector_store %arg8[%swap3A], %swap3A_90 {strides = array<i32>} : memref<128xi32, #tpu.memory_space<vmem>>, vector<16xi32>,
      %get3A_91 = arith.constant 16 : index
      %get3A_92 = tpu.vector_load %arg6[%get3A_91] {strides = array<i32>} : memref<128xi32, #tpu.memory_space<vmem>>, vector<16xi32>,
      %get3A_93 = vector.shape_cast %get3A_92 : vector<16xi32> to vector<16xi32>
      %broadcast_in_dim3A_94 = arith.constant 30720 : i32
      %broadcast_in_dim3A_95 = vector.broadcast %broadcast_in_dim3A_94 : i32 to vector<16xi32>
      %add3A_96 = arith.addi %get3A_93, %broadcast_in_dim3A_95 : vector<16xi32>
      %swap3A_97 = arith.constant 16 : index
      %swap3A_98 = tpu.vector_load %arg8[%swap3A_97] {strides = array<i32>} : memref<128xi32, #tpu.memory_space<vmem>>, vector<16xi32>,
      %swap3A_99 = vector.shape_cast %swap3A_98 : vector<16xi32> to vector<16xi32>
      %swap3A_100 = vector.shape_cast %add3A_96 : vector<16xi32> to vector<16xi32>
      tpu.vector_store %arg8[%swap3A_97], %swap3A_100 {strides = array<i32>} : memref<128xi32, #tpu.memory_space<vmem>>, vector<16xi32>,
      %get3A_101 = arith.constant 32 : index
      %get3A_102 = tpu.vector_load %arg6[%get3A_101] {strides = array<i32>} : memref<128xi32, #tpu.memory_space<vmem>>, vector<16xi32>,
      %get3A_103 = vector.shape_cast %get3A_102 : vector<16xi32> to vector<16xi32>
      %broadcast_in_dim3A_104 = arith.constant 30720 : i32
      %broadcast_in_dim3A_105 = vector.broadcast %broadcast_in_dim3A_104 : i32 to vector<16xi32>
      %add3A_106 = arith.addi %get3A_103, %broadcast_in_dim3A_105 : vector<16xi32>
      %swap3A_107 = arith.constant 32 : index
      %swap3A_108 = tpu.vector_load %arg8[%swap3A_107] {strides = array<i32>} : memref<128xi32, #tpu.memory_space<vmem>>, vector<16xi32>,
      %swap3A_109 = vector.shape_cast %swap3A_108 : vector<16xi32> to vector<16xi32>
      %swap3A_110 = vector.shape_cast %add3A_106 : vector<16xi32> to vector<16xi32>
      tpu.vector_store %arg8[%swap3A_107], %swap3A_110 {strides = array<i32>} : memref<128xi32, #tpu.memory_space<vmem>>, vector<16xi32>,
      %get3A_111 = arith.constant 48 : index
      %get3A_112 = tpu.vector_load %arg6[%get3A_111] {strides = array<i32>} : memref<128xi32, #tpu.memory_space<vmem>>, vector<16xi32>,
      %get3A_113 = vector.shape_cast %get3A_112 : vector<16xi32> to vector<16xi32>
      %broadcast_in_dim3A_114 = arith.constant 30720 : i32
      %broadcast_in_dim3A_115 = vector.broadcast %broadcast_in_dim3A_114 : i32 to vector<16xi32>
      %add3A_116 = arith.addi %get3A_113, %broadcast_in_dim3A_115 : vector<16xi32>
      %swap3A_117 = arith.constant 48 : index
      %swap3A_118 = tpu.vector_load %arg8[%swap3A_117] {strides = array<i32>} : memref<128xi32, #tpu.memory_space<vmem>>, vector<16xi32>,
      %swap3A_119 = vector.shape_cast %swap3A_118 : vector<16xi32> to vector<16xi32>
      %swap3A_120 = vector.shape_cast %add3A_116 : vector<16xi32> to vector<16xi32>
      tpu.vector_store %arg8[%swap3A_117], %swap3A_120 {strides = array<i32>} : memref<128xi32, #tpu.memory_space<vmem>>, vector<16xi32>,
      %get3A_121 = arith.constant 64 : index
      %get3A_122 = tpu.vector_load %arg6[%get3A_121] {strides = array<i32>} : memref<128xi32, #tpu.memory_space<vmem>>, vector<16xi32>,
      %get3A_123 = vector.shape_cast %get3A_122 : vector<16xi32> to vector<16xi32>
      %broadcast_in_dim3A_124 = arith.constant 30720 : i32
      %broadcast_in_dim3A_125 = vector.broadcast %broadcast_in_dim3A_124 : i32 to vector<16xi32>
      %add3A_126 = arith.addi %get3A_123, %broadcast_in_dim3A_125 : vector<16xi32>
      %swap3A_127 = arith.constant 64 : index
      %swap3A_128 = tpu.vector_load %arg8[%swap3A_127] {strides = array<i32>} : memref<128xi32, #tpu.memory_space<vmem>>, vector<16xi32>,
      %swap3A_129 = vector.shape_cast %swap3A_128 : vector<16xi32> to vector<16xi32>
      %swap3A_130 = vector.shape_cast %add3A_126 : vector<16xi32> to vector<16xi32>
      tpu.vector_store %arg8[%swap3A_127], %swap3A_130 {strides = array<i32>} : memref<128xi32, #tpu.memory_space<vmem>>, vector<16xi32>,
      %get3A_131 = arith.constant 80 : index
      %get3A_132 = tpu.vector_load %arg6[%get3A_131] {strides = array<i32>} : memref<128xi32, #tpu.memory_space<vmem>>, vector<16xi32>,
      %get3A_133 = vector.shape_cast %get3A_132 : vector<16xi32> to vector<16xi32>
      %broadcast_in_dim3A_134 = arith.constant 30720 : i32
      %broadcast_in_dim3A_135 = vector.broadcast %broadcast_in_dim3A_134 : i32 to vector<16xi32>
      %add3A_136 = arith.addi %get3A_133, %broadcast_in_dim3A_135 : vector<16xi32>
      %swap3A_137 = arith.constant 80 : index
      %swap3A_138 = tpu.vector_load %arg8[%swap3A_137] {strides = array<i32>} : memref<128xi32, #tpu.memory_space<vmem>>, vector<16xi32>,
      %swap3A_139 = vector.shape_cast %swap3A_138 : vector<16xi32> to vector<16xi32>
      %swap3A_140 = vector.shape_cast %add3A_136 : vector<16xi32> to vector<16xi32>
      tpu.vector_store %arg8[%swap3A_137], %swap3A_140 {strides = array<i32>} : memref<128xi32, #tpu.memory_space<vmem>>, vector<16xi32>,
      %get3A_141 = arith.constant 96 : index
      %get3A_142 = tpu.vector_load %arg6[%get3A_141] {strides = array<i32>} : memref<128xi32, #tpu.memory_space<vmem>>, vector<16xi32>,
      %get3A_143 = vector.shape_cast %get3A_142 : vector<16xi32> to vector<16xi32>
      %broadcast_in_dim3A_144 = arith.constant 30720 : i32
      %broadcast_in_dim3A_145 = vector.broadcast %broadcast_in_dim3A_144 : i32 to vector<16xi32>
      %add3A_146 = arith.addi %get3A_143, %broadcast_in_dim3A_145 : vector<16xi32>
      %swap3A_147 = arith.constant 96 : index
      %swap3A_148 = tpu.vector_load %arg8[%swap3A_147] {strides = array<i32>} : memref<128xi32, #tpu.memory_space<vmem>>, vector<16xi32>,
      %swap3A_149 = vector.shape_cast %swap3A_148 : vector<16xi32> to vector<16xi32>
      %swap3A_150 = vector.shape_cast %add3A_146 : vector<16xi32> to vector<16xi32>
      tpu.vector_store %arg8[%swap3A_147], %swap3A_150 {strides = array<i32>} : memref<128xi32, #tpu.memory_space<vmem>>, vector<16xi32>,
      %get3A_151 = arith.constant 112 : index
      %get3A_152 = tpu.vector_load %arg6[%get3A_151] {strides = array<i32>} : memref<128xi32, #tpu.memory_space<vmem>>, vector<16xi32>,
      %get3A_153 = vector.shape_cast %get3A_152 : vector<16xi32> to vector<16xi32>
      %broadcast_in_dim3A_154 = arith.constant 30720 : i32
      %broadcast_in_dim3A_155 = vector.broadcast %broadcast_in_dim3A_154 : i32 to vector<16xi32>
      %add3A_156 = arith.addi %get3A_153, %broadcast_in_dim3A_155 : vector<16xi32>
      %swap3A_157 = arith.constant 112 : index
      %swap3A_158 = tpu.vector_load %arg8[%swap3A_157] {strides = array<i32>} : memref<128xi32, #tpu.memory_space<vmem>>, vector<16xi32>,
      %swap3A_159 = vector.shape_cast %swap3A_158 : vector<16xi32> to vector<16xi32>
      %swap3A_160 = vector.shape_cast %add3A_156 : vector<16xi32> to vector<16xi32>
      tpu.vector_store %arg8[%swap3A_157], %swap3A_160 {strides = array<i32>} : memref<128xi32, #tpu.memory_space<vmem>>, vector<16xi32>,
      %dma_start3A = arith.constant 0 : i32
      %dma_start3A_161 = arith.constant 0 : i32
      %dma_start3A_162 = tpu.memref_slice %arg4[%dma_start3A, %dma_start3A_161] : memref<40960x128xf32, #tpu.memory_space<hbm>> -> memref<40960x128xf32, #tpu.memory_space<hbm>>
      tpu.enqueue_indirect_dma source(%dma_start3A_162 : memref<40960x128xf32, #tpu.memory_space<hbm>>) target(%arg9 : memref<128x128xf32, #tpu.memory_space<vmem>>) offsets(%arg8 : memref<128xi32, #tpu.memory_space<vmem>>) semaphore(%arg11 : memref<!tpu.dma_semaphore, #tpu.memory_space<semaphore_mem>>)
      %dma_wait3A = arith.constant 0 : i32
      %dma_wait3A_163 = arith.constant 0 : i32
      %dma_wait3A_164 = tpu.memref_slice %arg4[%dma_wait3A, %dma_wait3A_163] : memref<40960x128xf32, #tpu.memory_space<hbm>> -> memref<40960x128xf32, #tpu.memory_space<hbm>>
      tpu.wait_indirect_dma semaphore(%arg11 : memref<!tpu.dma_semaphore, #tpu.memory_space<semaphore_mem>>) src(%dma_wait3A_164 : memref<40960x128xf32, #tpu.memory_space<hbm>>) dst(%arg9 : memref<128x128xf32, #tpu.memory_space<vmem>>)
      "tpu.region"() ({
        %run_scoped3A_165 = tpu.sem_alloc : memref<!tpu.dma_semaphore, #tpu.memory_space<semaphore_mem>>
        %dma_start3A_166 = arith.constant 0 : i32
        %dma_start3A_167 = arith.constant 0 : i32
        %dma_start3A_168 = tpu.memref_slice %arg10[%dma_start3A_166, %dma_start3A_167] : memref<10240x128xf32, #tpu.memory_space<vmem_shared>> -> memref<10240x128xf32, #tpu.memory_space<vmem_shared>>
        tpu.enqueue_indirect_dma source(%arg9 : memref<128x128xf32, #tpu.memory_space<vmem>>) target(%dma_start3A_168 : memref<10240x128xf32, #tpu.memory_space<vmem_shared>>) offsets(%arg7 : memref<128xi32, #tpu.memory_space<vmem>>) semaphore(%run_scoped3A_165 : memref<!tpu.dma_semaphore, #tpu.memory_space<semaphore_mem>>) {add = true}
        %dma_wait3A_169 = arith.constant 0 : i32
        %dma_wait3A_170 = arith.constant 0 : i32
        %dma_wait3A_171 = tpu.memref_slice %arg10[%dma_wait3A_169, %dma_wait3A_170] : memref<10240x128xf32, #tpu.memory_space<vmem_shared>> -> memref<10240x128xf32, #tpu.memory_space<vmem_shared>>
        tpu.wait_indirect_dma semaphore(%run_scoped3A_165 : memref<!tpu.dma_semaphore, #tpu.memory_space<semaphore_mem>>) src(%arg9 : memref<128x128xf32, #tpu.memory_space<vmem>>) dst(%dma_wait3A_171 : memref<10240x128xf32, #tpu.memory_space<vmem_shared>>)
        tpu.yield
      }) : () -> ()
    }
    %scan3A_68 = arith.constant 79 : i32
    %barrier3A_69 = arith.constant 0 : index
    tpu.barrier barrier_id(%barrier3A_69)
    %mul3A_70 = arith.constant 640 : i32
    %mul3A_71 = arith.muli %arg1, %mul3A_70 : i32
    %mul3A_72 = arith.constant 640 : i32
    %mul3A_73 = arith.muli %arg1, %mul3A_72 : i32
    %run_scoped3A_74 = arith.constant 3 : i32
    "tpu.region"() ({
      %run_scoped3A_76 = tpu.sem_alloc : memref<!tpu.dma_semaphore, #tpu.memory_space<semaphore_mem>>
      %dma_start3A = arith.constant 0 : i32
      %dma_start3A_77 = tpu.memref_slice %arg5[%arg0, %run_scoped3A_74, %mul3A_73, %dma_start3A] : memref<2x4x10240x128xf32, #tpu.memory_space<hbm>> -> memref<1x1x640x128xf32, #tpu.memory_space<hbm>>
      %dma_start3A_78 = tpu.memref_squeeze %dma_start3A_77 : memref<1x1x640x128xf32, #tpu.memory_space<hbm>> -> memref<640x128xf32, #tpu.memory_space<hbm>>
      %dma_start3A_79 = arith.constant 0 : i32
      %dma_start3A_80 = tpu.memref_slice %arg10[%mul3A_71, %dma_start3A_79] : memref<10240x128xf32, #tpu.memory_space<vmem_shared>> -> memref<640x128xf32, #tpu.memory_space<vmem_shared>>
      tpu.enqueue_dma source(%dma_start3A_80 : memref<640x128xf32, #tpu.memory_space<vmem_shared>>) target(%dma_start3A_78 : memref<640x128xf32, #tpu.memory_space<hbm>>) target_semaphore(%run_scoped3A_76 : memref<!tpu.dma_semaphore, #tpu.memory_space<semaphore_mem>>)
      %dma_wait3A = arith.constant 0 : i32
      %dma_wait3A_81 = tpu.memref_slice %arg5[%arg0, %run_scoped3A_74, %mul3A_73, %dma_wait3A] : memref<2x4x10240x128xf32, #tpu.memory_space<hbm>> -> memref<1x1x640x128xf32, #tpu.memory_space<hbm>>
      %dma_wait3A_82 = tpu.memref_squeeze %dma_wait3A_81 : memref<1x1x640x128xf32, #tpu.memory_space<hbm>> -> memref<640x128xf32, #tpu.memory_space<hbm>>
      %dma_wait3A_83 = arith.constant 0 : i32
      %dma_wait3A_84 = tpu.memref_slice %arg10[%mul3A_71, %dma_wait3A_83] : memref<10240x128xf32, #tpu.memory_space<vmem_shared>> -> memref<640x128xf32, #tpu.memory_space<vmem_shared>>
      tpu.wait_dma2 semaphore(%run_scoped3A_76 : memref<!tpu.dma_semaphore, #tpu.memory_space<semaphore_mem>>) src(%dma_wait3A_84 : memref<640x128xf32, #tpu.memory_space<vmem_shared>>) dst(%dma_wait3A_82 : memref<640x128xf32, #tpu.memory_space<hbm>>)
      tpu.yield
    }) : () -> ()
    %barrier3A_75 = arith.constant 0 : index
    tpu.barrier barrier_id(%barrier3A_75)
    return
  }
}

module attributes {stable_mosaic.version = 14 : i64} {
  func.func @_prep_body(%arg0: i32, %arg1: memref<1000x128xf32, #tpu.memory_space<vmem>>, %arg2: memref<128x128xf32, #tpu.memory_space<vmem>>, %arg3: memref<1000x1xf32, #tpu.memory_space<vmem>>, %arg4: memref<1000x1xf32, #tpu.memory_space<vmem>>, %arg5: memref<1x1000x128xf32, #tpu.memory_space<vmem>>, %arg6: memref<1000x1xf32, #tpu.memory_space<vmem>>) attributes {dimension_semantics = [#tpu.dimension_semantics<arbitrary>], iteration_bounds = array<i64: 10>, scalar_prefetch = 0 : i64, scratch_operands = 0 : i64, tpu.core_type = #tpu.core_type<tc>, window_params = [{transform_indices = @transform_0, window_bounds = array<i64: 1000, 128>}, {pipeline_mode = #tpu.pipeline_mode<synchronous>, transform_indices = @transform_1, window_bounds = array<i64: 128, 128>}, {transform_indices = @transform_2, window_bounds = array<i64: 1000, 1>}, {transform_indices = @transform_3, window_bounds = array<i64: 1000, 1>}, {transform_indices = @transform_4, window_bounds = array<i64: 1, 1000, 128>}, {transform_indices = @transform_5, window_bounds = array<i64: 1000, 1>}]} {
    %get3A = arith.constant 0 : index
    %get3A_0 = arith.constant 0 : index
    %get3A_1 = vector.load %arg3[%get3A, %get3A_0] : memref<1000x1xf32, #tpu.memory_space<vmem>>, vector<1000x1xf32>
    %get3A_2 = arith.constant 0 : index
    %get3A_3 = arith.constant 0 : index
    %get3A_4 = vector.load %arg4[%get3A_2, %get3A_3] : memref<1000x1xf32, #tpu.memory_space<vmem>>, vector<1000x1xf32>
    %add3A = arith.addf %get3A_1, %get3A_4 : vector<1000x1xf32>
    %add3A_5 = arith.constant 1.000000e+00 : f32
    %add3A_6 = vector.broadcast %add3A_5 : f32 to vector<1000x1xf32>
    %add3A_7 = arith.addf %add3A, %add3A_6 : vector<1000x1xf32>
    %rsqrt3A = math.rsqrt %add3A_7 : vector<1000x1xf32>
    %get3A_8 = arith.constant 0 : index
    %get3A_9 = arith.constant 0 : index
    %get3A_10 = vector.load %arg1[%get3A_8, %get3A_9] : memref<1000x128xf32, #tpu.memory_space<vmem>>, vector<1000x128xf32>
    %get3A_11 = arith.constant 0 : index
    %get3A_12 = arith.constant 0 : index
    %get3A_13 = vector.load %arg2[%get3A_11, %get3A_12] : memref<128x128xf32, #tpu.memory_space<vmem>>, vector<128x128xf32>
    %dot_general3A = arith.constant dense<0.000000e+00> : vector<1000x128xf32>
    %dot_general3A_14 = tpu.matmul %get3A_10, %get3A_13, %dot_general3A {dimension_numbers = #tpu.dot_dimension_numbers<[1], [0], [0], [1], [0, 0, 1, 1], [], []>, transpose_lhs_hint = false} : vector<1000x128xf32>, vector<128x128xf32>, vector<1000x128xf32> -> vector<1000x128xf32>
    %mul3A = vector.broadcast %rsqrt3A : vector<1000x1xf32> to vector<1000x128xf32>
    %mul3A_15 = arith.mulf %mul3A, %dot_general3A_14 : vector<1000x128xf32>
    %swap3A = arith.constant 0 : index
    %swap3A_16 = arith.constant 0 : index
    %swap3A_17 = arith.constant 0 : index
    %swap3A_18 = vector.load %arg5[%swap3A, %swap3A_16, %swap3A_17] : memref<1x1000x128xf32, #tpu.memory_space<vmem>>, vector<1x1000x128xf32>
    %swap3A_19 = vector.shape_cast %swap3A_18 : vector<1x1000x128xf32> to vector<1000x128xf32>
    %swap3A_20 = vector.shape_cast %mul3A_15 : vector<1000x128xf32> to vector<1x1000x128xf32>
    tpu.vector_store %arg5[%swap3A, %swap3A_16, %swap3A_17], %swap3A_20 {strides = array<i32>} : memref<1x1000x128xf32, #tpu.memory_space<vmem>>, vector<1x1000x128xf32>,
    %swap3A_21 = arith.constant 0 : index
    %swap3A_22 = arith.constant 0 : index
    %swap3A_23 = vector.load %arg6[%swap3A_21, %swap3A_22] : memref<1000x1xf32, #tpu.memory_space<vmem>>, vector<1000x1xf32>
    tpu.vector_store %arg6[%swap3A_21, %swap3A_22], %rsqrt3A {strides = array<i32>} : memref<1000x1xf32, #tpu.memory_space<vmem>>, vector<1000x1xf32>,
    return
  }
  func.func @transform_0(%arg0: i32) -> (i32, i32) {
    %c0_i32 = arith.constant 0 : i32
    %c0_i32_0 = arith.constant 0 : i32
    return %arg0, %c0_i32 : i32, i32
  }
  func.func @transform_1(%arg0: i32) -> (i32, i32) {
    %c0_i32 = arith.constant 0 : i32
    %c0_i32_0 = arith.constant 0 : i32
    %c0_i32_1 = arith.constant 0 : i32
    return %c0_i32, %c0_i32_0 : i32, i32
  }
  func.func @transform_2(%arg0: i32) -> (i32, i32) {
    %c0_i32 = arith.constant 0 : i32
    %c0_i32_0 = arith.constant 0 : i32
    return %arg0, %c0_i32 : i32, i32
  }
  func.func @transform_3(%arg0: i32) -> (i32, i32) {
    %c0_i32 = arith.constant 0 : i32
    %c0_i32_0 = arith.constant 0 : i32
    return %arg0, %c0_i32 : i32, i32
  }
  func.func @transform_4(%arg0: i32) -> (i32, i32, i32) {
    %c0_i32 = arith.constant 0 : i32
    %c0_i32_0 = arith.constant 0 : i32
    %c0_i32_1 = arith.constant 0 : i32
    return %c0_i32, %arg0, %c0_i32_0 : i32, i32, i32
  }
  func.func @transform_5(%arg0: i32) -> (i32, i32) {
    %c0_i32 = arith.constant 0 : i32
    %c0_i32_0 = arith.constant 0 : i32
    return %arg0, %c0_i32 : i32, i32
  }
}

module attributes {stable_mosaic.version = 14 : i64} {
  func.func @body(%arg0: i32, %arg1: memref<2x1x1000x128xf32, #tpu.memory_space<vmem>>, %arg2: memref<1x1000x128xf32, #tpu.memory_space<vmem>>, %arg3: memref<1000x1xf32, #tpu.memory_space<vmem>>, %arg4: memref<128x128xf32, #tpu.memory_space<vmem>>, %arg5: memref<1x128xf32, #tpu.memory_space<vmem>>, %arg6: memref<128x256xf32, #tpu.memory_space<vmem>>, %arg7: memref<128x128xf32, #tpu.memory_space<vmem>>, %arg8: memref<2x1000x128xf32, #tpu.memory_space<vmem>>, %arg9: memref<1000x128xf32, #tpu.memory_space<vmem>>) attributes {dimension_semantics = [#tpu.dimension_semantics<arbitrary>], iteration_bounds = array<i64: 10>, scalar_prefetch = 0 : i64, scratch_operands = 0 : i64, tpu.core_type = #tpu.core_type<tc>, window_params = [{transform_indices = @transform_0, window_bounds = array<i64: 2, 1, 1000, 128>}, {transform_indices = @transform_1, window_bounds = array<i64: 1, 1000, 128>}, {transform_indices = @transform_2, window_bounds = array<i64: 1000, 1>}, {pipeline_mode = #tpu.pipeline_mode<synchronous>, transform_indices = @transform_3, window_bounds = array<i64: 128, 128>}, {pipeline_mode = #tpu.pipeline_mode<synchronous>, transform_indices = @transform_4, window_bounds = array<i64: 1, 128>}, {pipeline_mode = #tpu.pipeline_mode<synchronous>, transform_indices = @transform_5, window_bounds = array<i64: 128, 256>}, {pipeline_mode = #tpu.pipeline_mode<synchronous>, transform_indices = @transform_6, window_bounds = array<i64: 128, 128>}, {transform_indices = @transform_7, window_bounds = array<i64: 2, 1000, 128>}, {transform_indices = @transform_8, window_bounds = array<i64: 1000, 128>}]} {
    %get3A = arith.constant 0 : index
    %get3A_0 = arith.constant 0 : index
    %get3A_1 = vector.load %arg3[%get3A, %get3A_0] : memref<1000x1xf32, #tpu.memory_space<vmem>>, vector<1000x1xf32>
    %get3A_2 = arith.constant 0 : index
    %get3A_3 = arith.constant 0 : index
    %get3A_4 = arith.constant 0 : index
    %get3A_5 = arith.constant 0 : index
    %get3A_6 = vector.load %arg1[%get3A_2, %get3A_3, %get3A_4, %get3A_5] : memref<2x1x1000x128xf32, #tpu.memory_space<vmem>>, vector<2x1x1000x128xf32>
    %get3A_7 = arith.constant 0 : index
    %get3A_8 = arith.constant 0 : index
    %get3A_9 = arith.constant 0 : index
    %get3A_10 = vector.load %arg2[%get3A_7, %get3A_8, %get3A_9] : memref<1x1000x128xf32, #tpu.memory_space<vmem>>, vector<1x1000x128xf32>
    %get3A_11 = arith.constant 0 : index
    %get3A_12 = arith.constant 0 : index
    %get3A_13 = vector.load %arg4[%get3A_11, %get3A_12] : memref<128x128xf32, #tpu.memory_space<vmem>>, vector<128x128xf32>
    %get3A_14 = arith.constant 0 : index
    %get3A_15 = arith.constant 0 : index
    %get3A_16 = vector.load %arg5[%get3A_14, %get3A_15] : memref<1x128xf32, #tpu.memory_space<vmem>>, vector<1x128xf32>
    %slice3A = vector.extract_strided_slice %get3A_6 {offsets = [0, 0, 0, 0], sizes = [1, 1, 1000, 128], strides = [1, 1, 1, 1]} : vector<2x1x1000x128xf32> to vector<1x1x1000x128xf32>
    %squeeze3A = vector.shape_cast %slice3A : vector<1x1x1000x128xf32> to vector<1000x128xf32>
    %slice3A_17 = vector.extract_strided_slice %get3A_6 {offsets = [1, 0, 0, 0], sizes = [1, 1, 1000, 128], strides = [1, 1, 1, 1]} : vector<2x1x1000x128xf32> to vector<1x1x1000x128xf32>
    %squeeze3A_18 = vector.shape_cast %slice3A_17 : vector<1x1x1000x128xf32> to vector<1000x128xf32>
    %add3A = arith.addf %squeeze3A, %squeeze3A_18 : vector<1000x128xf32>
    %squeeze3A_19 = vector.shape_cast %get3A_10 : vector<1x1000x128xf32> to vector<1000x128xf32>
    %sub3A = arith.subf %add3A, %squeeze3A_19 : vector<1000x128xf32>
    %mul3A = vector.broadcast %get3A_1 : vector<1000x1xf32> to vector<1000x128xf32>
    %mul3A_20 = arith.mulf %mul3A, %sub3A : vector<1000x128xf32>
    %dot_general3A = arith.constant dense<0.000000e+00> : vector<1000x128xf32>
    %dot_general3A_21 = tpu.matmul %mul3A_20, %get3A_13, %dot_general3A {dimension_numbers = #tpu.dot_dimension_numbers<[1], [0], [0], [1], [0, 0, 1, 1], [], []>, transpose_lhs_hint = false} : vector<1000x128xf32>, vector<128x128xf32>, vector<1000x128xf32> -> vector<1000x128xf32>
    %add3A_22 = vector.broadcast %get3A_16 : vector<1x128xf32> to vector<1000x128xf32>
    %add3A_23 = arith.addf %add3A_22, %dot_general3A_21 : vector<1000x128xf32>
    %max3A = arith.constant 0.000000e+00 : f32
    %max3A_24 = vector.broadcast %max3A : f32 to vector<1000x128xf32>
    %max3A_25 = arith.maximumf %add3A_23, %max3A_24 : vector<1000x128xf32>
    %get3A_26 = arith.constant 0 : index
    %get3A_27 = arith.constant 0 : index
    %get3A_28 = vector.load %arg7[%get3A_26, %get3A_27] : memref<128x128xf32, #tpu.memory_space<vmem>>, vector<128x128xf32>
    %dot_general3A_29 = arith.constant dense<0.000000e+00> : vector<1000x128xf32>
    %dot_general3A_30 = tpu.matmul %max3A_25, %get3A_28, %dot_general3A_29 {dimension_numbers = #tpu.dot_dimension_numbers<[1], [0], [0], [1], [0, 0, 1, 1], [], []>, transpose_lhs_hint = false} : vector<1000x128xf32>, vector<128x128xf32>, vector<1000x128xf32> -> vector<1000x128xf32>
    %swap3A = arith.constant 0 : index
    %swap3A_31 = arith.constant 0 : index
    %swap3A_32 = vector.load %arg9[%swap3A, %swap3A_31] : memref<1000x128xf32, #tpu.memory_space<vmem>>, vector<1000x128xf32>
    tpu.vector_store %arg9[%swap3A, %swap3A_31], %dot_general3A_30 {strides = array<i32>} : memref<1000x128xf32, #tpu.memory_space<vmem>>, vector<1000x128xf32>,
    %get3A_33 = arith.constant 0 : index
    %get3A_34 = arith.constant 0 : index
    %get3A_35 = vector.load %arg6[%get3A_33, %get3A_34] : memref<128x256xf32, #tpu.memory_space<vmem>>, vector<128x256xf32>
    %dot_general3A_36 = arith.constant dense<0.000000e+00> : vector<1000x256xf32>
    %dot_general3A_37 = tpu.matmul %max3A_25, %get3A_35, %dot_general3A_36 {dimension_numbers = #tpu.dot_dimension_numbers<[1], [0], [0], [1], [0, 0, 1, 1], [], []>, transpose_lhs_hint = false} : vector<1000x128xf32>, vector<128x256xf32>, vector<1000x256xf32> -> vector<1000x256xf32>
    %slice3A_38 = vector.extract_strided_slice %dot_general3A_37 {offsets = [0, 0], sizes = [1000, 128], strides = [1, 1]} : vector<1000x256xf32> to vector<1000x128xf32>
    %mul3A_39 = vector.broadcast %get3A_1 : vector<1000x1xf32> to vector<1000x128xf32>
    %mul3A_40 = arith.mulf %mul3A_39, %slice3A_38 : vector<1000x128xf32>
    %swap3A_41 = arith.constant 0 : index
    %swap3A_42 = arith.constant 0 : index
    %swap3A_43 = arith.constant 0 : index
    %swap3A_44 = vector.load %arg8[%swap3A_41, %swap3A_42, %swap3A_43] : memref<2x1000x128xf32, #tpu.memory_space<vmem>>, vector<1x1000x128xf32>
    %swap3A_45 = vector.shape_cast %swap3A_44 : vector<1x1000x128xf32> to vector<1000x128xf32>
    %swap3A_46 = vector.shape_cast %mul3A_40 : vector<1000x128xf32> to vector<1x1000x128xf32>
    tpu.vector_store %arg8[%swap3A_41, %swap3A_42, %swap3A_43], %swap3A_46 {strides = array<i32>} : memref<2x1000x128xf32, #tpu.memory_space<vmem>>, vector<1x1000x128xf32>,
    %slice3A_47 = vector.extract_strided_slice %dot_general3A_37 {offsets = [0, 128], sizes = [1000, 128], strides = [1, 1]} : vector<1000x256xf32> to vector<1000x128xf32>
    %mul3A_48 = vector.broadcast %get3A_1 : vector<1000x1xf32> to vector<1000x128xf32>
    %mul3A_49 = arith.mulf %mul3A_48, %slice3A_47 : vector<1000x128xf32>
    %swap3A_50 = arith.constant 1 : index
    %swap3A_51 = arith.constant 0 : index
    %swap3A_52 = arith.constant 0 : index
    %swap3A_53 = vector.load %arg8[%swap3A_50, %swap3A_51, %swap3A_52] : memref<2x1000x128xf32, #tpu.memory_space<vmem>>, vector<1x1000x128xf32>
    %swap3A_54 = vector.shape_cast %swap3A_53 : vector<1x1000x128xf32> to vector<1000x128xf32>
    %swap3A_55 = vector.shape_cast %mul3A_49 : vector<1000x128xf32> to vector<1x1000x128xf32>
    tpu.vector_store %arg8[%swap3A_50, %swap3A_51, %swap3A_52], %swap3A_55 {strides = array<i32>} : memref<2x1000x128xf32, #tpu.memory_space<vmem>>, vector<1x1000x128xf32>,
    return
  }
  func.func @transform_0(%arg0: i32) -> (i32, i32, i32, i32) {
    %c0_i32 = arith.constant 0 : i32
    %c0_i32_0 = arith.constant 0 : i32
    %c0_i32_1 = arith.constant 0 : i32
    %c0_i32_2 = arith.constant 0 : i32
    return %c0_i32, %c0_i32_0, %arg0, %c0_i32_1 : i32, i32, i32, i32
  }
  func.func @transform_1(%arg0: i32) -> (i32, i32, i32) {
    %c0_i32 = arith.constant 0 : i32
    %c0_i32_0 = arith.constant 0 : i32
    %c0_i32_1 = arith.constant 0 : i32
    return %c0_i32, %arg0, %c0_i32_0 : i32, i32, i32
  }
  func.func @transform_2(%arg0: i32) -> (i32, i32) {
    %c0_i32 = arith.constant 0 : i32
    %c0_i32_0 = arith.constant 0 : i32
    return %arg0, %c0_i32 : i32, i32
  }
  func.func @transform_3(%arg0: i32) -> (i32, i32) {
    %c0_i32 = arith.constant 0 : i32
    %c0_i32_0 = arith.constant 0 : i32
    %c0_i32_1 = arith.constant 0 : i32
    return %c0_i32, %c0_i32_0 : i32, i32
  }
  func.func @transform_4(%arg0: i32) -> (i32, i32) {
    %c0_i32 = arith.constant 0 : i32
    %c0_i32_0 = arith.constant 0 : i32
    %c0_i32_1 = arith.constant 0 : i32
    return %c0_i32, %c0_i32_0 : i32, i32
  }
  func.func @transform_5(%arg0: i32) -> (i32, i32) {
    %c0_i32 = arith.constant 0 : i32
    %c0_i32_0 = arith.constant 0 : i32
    %c0_i32_1 = arith.constant 0 : i32
    return %c0_i32, %c0_i32_0 : i32, i32
  }
  func.func @transform_6(%arg0: i32) -> (i32, i32) {
    %c0_i32 = arith.constant 0 : i32
    %c0_i32_0 = arith.constant 0 : i32
    %c0_i32_1 = arith.constant 0 : i32
    return %c0_i32, %c0_i32_0 : i32, i32
  }
  func.func @transform_7(%arg0: i32) -> (i32, i32, i32) {
    %c0_i32 = arith.constant 0 : i32
    %c0_i32_0 = arith.constant 0 : i32
    %c0_i32_1 = arith.constant 0 : i32
    return %c0_i32, %arg0, %c0_i32_0 : i32, i32, i32
  }
  func.func @transform_8(%arg0: i32) -> (i32, i32) {
    %c0_i32 = arith.constant 0 : i32
    %c0_i32_0 = arith.constant 0 : i32
    return %arg0, %c0_i32 : i32, i32
  }
}

module attributes {stable_mosaic.version = 14 : i64} {
  func.func @body(%arg0: i32, %arg1: memref<2x2x1000x128xf32, #tpu.memory_space<vmem>>, %arg2: memref<2x1000x128xf32, #tpu.memory_space<vmem>>, %arg3: memref<1000x1xf32, #tpu.memory_space<vmem>>, %arg4: memref<256x256xf32, #tpu.memory_space<vmem>>, %arg5: memref<1x256xf32, #tpu.memory_space<vmem>>, %arg6: memref<256x512xf32, #tpu.memory_space<vmem>>, %arg7: memref<256x128xf32, #tpu.memory_space<vmem>>, %arg8: memref<4x1000x128xf32, #tpu.memory_space<vmem>>, %arg9: memref<1000x128xf32, #tpu.memory_space<vmem>>) attributes {dimension_semantics = [#tpu.dimension_semantics<arbitrary>], iteration_bounds = array<i64: 10>, scalar_prefetch = 0 : i64, scratch_operands = 0 : i64, tpu.core_type = #tpu.core_type<tc>, window_params = [{transform_indices = @transform_0, window_bounds = array<i64: 2, 2, 1000, 128>}, {transform_indices = @transform_1, window_bounds = array<i64: 2, 1000, 128>}, {transform_indices = @transform_2, window_bounds = array<i64: 1000, 1>}, {pipeline_mode = #tpu.pipeline_mode<synchronous>, transform_indices = @transform_3, window_bounds = array<i64: 256, 256>}, {pipeline_mode = #tpu.pipeline_mode<synchronous>, transform_indices = @transform_4, window_bounds = array<i64: 1, 256>}, {pipeline_mode = #tpu.pipeline_mode<synchronous>, transform_indices = @transform_5, window_bounds = array<i64: 256, 512>}, {pipeline_mode = #tpu.pipeline_mode<synchronous>, transform_indices = @transform_6, window_bounds = array<i64: 256, 128>}, {transform_indices = @transform_7, window_bounds = array<i64: 4, 1000, 128>}, {transform_indices = @transform_8, window_bounds = array<i64: 1000, 128>}]} {
    %get3A = arith.constant 0 : index
    %get3A_0 = arith.constant 0 : index
    %get3A_1 = vector.load %arg3[%get3A, %get3A_0] : memref<1000x1xf32, #tpu.memory_space<vmem>>, vector<1000x1xf32>
    %get3A_2 = arith.constant 0 : index
    %get3A_3 = arith.constant 0 : index
    %get3A_4 = arith.constant 0 : index
    %get3A_5 = arith.constant 0 : index
    %get3A_6 = vector.load %arg1[%get3A_2, %get3A_3, %get3A_4, %get3A_5] : memref<2x2x1000x128xf32, #tpu.memory_space<vmem>>, vector<2x2x1000x128xf32>
    %get3A_7 = arith.constant 0 : index
    %get3A_8 = arith.constant 0 : index
    %get3A_9 = arith.constant 0 : index
    %get3A_10 = vector.load %arg2[%get3A_7, %get3A_8, %get3A_9] : memref<2x1000x128xf32, #tpu.memory_space<vmem>>, vector<2x1000x128xf32>
    %get3A_11 = arith.constant 0 : index
    %get3A_12 = arith.constant 0 : index
    %get3A_13 = vector.load %arg4[%get3A_11, %get3A_12] : memref<256x256xf32, #tpu.memory_space<vmem>>, vector<256x256xf32>
    %get3A_14 = arith.constant 0 : index
    %get3A_15 = arith.constant 0 : index
    %get3A_16 = vector.load %arg5[%get3A_14, %get3A_15] : memref<1x256xf32, #tpu.memory_space<vmem>>, vector<1x256xf32>
    %slice3A = vector.extract_strided_slice %get3A_6 {offsets = [0, 0, 0, 0], sizes = [1, 1, 1000, 128], strides = [1, 1, 1, 1]} : vector<2x2x1000x128xf32> to vector<1x1x1000x128xf32>
    %squeeze3A = vector.shape_cast %slice3A : vector<1x1x1000x128xf32> to vector<1000x128xf32>
    %slice3A_17 = vector.extract_strided_slice %get3A_6 {offsets = [1, 0, 0, 0], sizes = [1, 1, 1000, 128], strides = [1, 1, 1, 1]} : vector<2x2x1000x128xf32> to vector<1x1x1000x128xf32>
    %squeeze3A_18 = vector.shape_cast %slice3A_17 : vector<1x1x1000x128xf32> to vector<1000x128xf32>
    %add3A = arith.addf %squeeze3A, %squeeze3A_18 : vector<1000x128xf32>
    %slice3A_19 = vector.extract_strided_slice %get3A_10 {offsets = [0, 0, 0], sizes = [1, 1000, 128], strides = [1, 1, 1]} : vector<2x1000x128xf32> to vector<1x1000x128xf32>
    %squeeze3A_20 = vector.shape_cast %slice3A_19 : vector<1x1000x128xf32> to vector<1000x128xf32>
    %sub3A = arith.subf %add3A, %squeeze3A_20 : vector<1000x128xf32>
    %mul3A = vector.broadcast %get3A_1 : vector<1000x1xf32> to vector<1000x128xf32>
    %mul3A_21 = arith.mulf %mul3A, %sub3A : vector<1000x128xf32>
    %slice3A_22 = vector.extract_strided_slice %get3A_13 {offsets = [0, 0], sizes = [128, 256], strides = [1, 1]} : vector<256x256xf32> to vector<128x256xf32>
    %dot_general3A = arith.constant dense<0.000000e+00> : vector<1000x256xf32>
    %dot_general3A_23 = tpu.matmul %mul3A_21, %slice3A_22, %dot_general3A {dimension_numbers = #tpu.dot_dimension_numbers<[1], [0], [0], [1], [0, 0, 1, 1], [], []>, transpose_lhs_hint = false} : vector<1000x128xf32>, vector<128x256xf32>, vector<1000x256xf32> -> vector<1000x256xf32>
    %add3A_24 = vector.broadcast %get3A_16 : vector<1x256xf32> to vector<1000x256xf32>
    %add3A_25 = arith.addf %add3A_24, %dot_general3A_23 : vector<1000x256xf32>
    %slice3A_26 = vector.extract_strided_slice %get3A_6 {offsets = [0, 1, 0, 0], sizes = [1, 1, 1000, 128], strides = [1, 1, 1, 1]} : vector<2x2x1000x128xf32> to vector<1x1x1000x128xf32>
    %squeeze3A_27 = vector.shape_cast %slice3A_26 : vector<1x1x1000x128xf32> to vector<1000x128xf32>
    %slice3A_28 = vector.extract_strided_slice %get3A_6 {offsets = [1, 1, 0, 0], sizes = [1, 1, 1000, 128], strides = [1, 1, 1, 1]} : vector<2x2x1000x128xf32> to vector<1x1x1000x128xf32>
    %squeeze3A_29 = vector.shape_cast %slice3A_28 : vector<1x1x1000x128xf32> to vector<1000x128xf32>
    %add3A_30 = arith.addf %squeeze3A_27, %squeeze3A_29 : vector<1000x128xf32>
    %slice3A_31 = vector.extract_strided_slice %get3A_10 {offsets = [1, 0, 0], sizes = [1, 1000, 128], strides = [1, 1, 1]} : vector<2x1000x128xf32> to vector<1x1000x128xf32>
    %squeeze3A_32 = vector.shape_cast %slice3A_31 : vector<1x1000x128xf32> to vector<1000x128xf32>
    %sub3A_33 = arith.subf %add3A_30, %squeeze3A_32 : vector<1000x128xf32>
    %mul3A_34 = vector.broadcast %get3A_1 : vector<1000x1xf32> to vector<1000x128xf32>
    %mul3A_35 = arith.mulf %mul3A_34, %sub3A_33 : vector<1000x128xf32>
    %slice3A_36 = vector.extract_strided_slice %get3A_13 {offsets = [128, 0], sizes = [128, 256], strides = [1, 1]} : vector<256x256xf32> to vector<128x256xf32>
    %dot_general3A_37 = arith.constant dense<0.000000e+00> : vector<1000x256xf32>
    %dot_general3A_38 = tpu.matmul %mul3A_35, %slice3A_36, %dot_general3A_37 {dimension_numbers = #tpu.dot_dimension_numbers<[1], [0], [0], [1], [0, 0, 1, 1], [], []>, transpose_lhs_hint = false} : vector<1000x128xf32>, vector<128x256xf32>, vector<1000x256xf32> -> vector<1000x256xf32>
    %add3A_39 = arith.addf %add3A_25, %dot_general3A_38 : vector<1000x256xf32>
    %max3A = arith.constant 0.000000e+00 : f32
    %max3A_40 = vector.broadcast %max3A : f32 to vector<1000x256xf32>
    %max3A_41 = arith.maximumf %add3A_39, %max3A_40 : vector<1000x256xf32>
    %get3A_42 = arith.constant 0 : index
    %get3A_43 = arith.constant 0 : index
    %get3A_44 = vector.load %arg7[%get3A_42, %get3A_43] : memref<256x128xf32, #tpu.memory_space<vmem>>, vector<256x128xf32>
    %dot_general3A_45 = arith.constant dense<0.000000e+00> : vector<1000x128xf32>
    %dot_general3A_46 = tpu.matmul %max3A_41, %get3A_44, %dot_general3A_45 {dimension_numbers = #tpu.dot_dimension_numbers<[1], [0], [0], [1], [0, 0, 1, 1], [], []>, transpose_lhs_hint = false} : vector<1000x256xf32>, vector<256x128xf32>, vector<1000x128xf32> -> vector<1000x128xf32>
    %swap3A = arith.constant 0 : index
    %swap3A_47 = arith.constant 0 : index
    %swap3A_48 = vector.load %arg9[%swap3A, %swap3A_47] : memref<1000x128xf32, #tpu.memory_space<vmem>>, vector<1000x128xf32>
    tpu.vector_store %arg9[%swap3A, %swap3A_47], %dot_general3A_46 {strides = array<i32>} : memref<1000x128xf32, #tpu.memory_space<vmem>>, vector<1000x128xf32>,
    %get3A_49 = arith.constant 0 : index
    %get3A_50 = arith.constant 0 : index
    %get3A_51 = vector.load %arg6[%get3A_49, %get3A_50] : memref<256x512xf32, #tpu.memory_space<vmem>>, vector<256x512xf32>
    %dot_general3A_52 = arith.constant dense<0.000000e+00> : vector<1000x512xf32>
    %dot_general3A_53 = tpu.matmul %max3A_41, %get3A_51, %dot_general3A_52 {dimension_numbers = #tpu.dot_dimension_numbers<[1], [0], [0], [1], [0, 0, 1, 1], [], []>, transpose_lhs_hint = false} : vector<1000x256xf32>, vector<256x512xf32>, vector<1000x512xf32> -> vector<1000x512xf32>
    %slice3A_54 = vector.extract_strided_slice %dot_general3A_53 {offsets = [0, 0], sizes = [1000, 128], strides = [1, 1]} : vector<1000x512xf32> to vector<1000x128xf32>
    %mul3A_55 = vector.broadcast %get3A_1 : vector<1000x1xf32> to vector<1000x128xf32>
    %mul3A_56 = arith.mulf %mul3A_55, %slice3A_54 : vector<1000x128xf32>
    %swap3A_57 = arith.constant 0 : index
    %swap3A_58 = arith.constant 0 : index
    %swap3A_59 = arith.constant 0 : index
    %swap3A_60 = vector.load %arg8[%swap3A_57, %swap3A_58, %swap3A_59] : memref<4x1000x128xf32, #tpu.memory_space<vmem>>, vector<1x1000x128xf32>
    %swap3A_61 = vector.shape_cast %swap3A_60 : vector<1x1000x128xf32> to vector<1000x128xf32>
    %swap3A_62 = vector.shape_cast %mul3A_56 : vector<1000x128xf32> to vector<1x1000x128xf32>
    tpu.vector_store %arg8[%swap3A_57, %swap3A_58, %swap3A_59], %swap3A_62 {strides = array<i32>} : memref<4x1000x128xf32, #tpu.memory_space<vmem>>, vector<1x1000x128xf32>,
    %slice3A_63 = vector.extract_strided_slice %dot_general3A_53 {offsets = [0, 128], sizes = [1000, 128], strides = [1, 1]} : vector<1000x512xf32> to vector<1000x128xf32>
    %mul3A_64 = vector.broadcast %get3A_1 : vector<1000x1xf32> to vector<1000x128xf32>
    %mul3A_65 = arith.mulf %mul3A_64, %slice3A_63 : vector<1000x128xf32>
    %swap3A_66 = arith.constant 1 : index
    %swap3A_67 = arith.constant 0 : index
    %swap3A_68 = arith.constant 0 : index
    %swap3A_69 = vector.load %arg8[%swap3A_66, %swap3A_67, %swap3A_68] : memref<4x1000x128xf32, #tpu.memory_space<vmem>>, vector<1x1000x128xf32>
    %swap3A_70 = vector.shape_cast %swap3A_69 : vector<1x1000x128xf32> to vector<1000x128xf32>
    %swap3A_71 = vector.shape_cast %mul3A_65 : vector<1000x128xf32> to vector<1x1000x128xf32>
    tpu.vector_store %arg8[%swap3A_66, %swap3A_67, %swap3A_68], %swap3A_71 {strides = array<i32>} : memref<4x1000x128xf32, #tpu.memory_space<vmem>>, vector<1x1000x128xf32>,
    %slice3A_72 = vector.extract_strided_slice %dot_general3A_53 {offsets = [0, 256], sizes = [1000, 128], strides = [1, 1]} : vector<1000x512xf32> to vector<1000x128xf32>
    %mul3A_73 = vector.broadcast %get3A_1 : vector<1000x1xf32> to vector<1000x128xf32>
    %mul3A_74 = arith.mulf %mul3A_73, %slice3A_72 : vector<1000x128xf32>
    %swap3A_75 = arith.constant 2 : index
    %swap3A_76 = arith.constant 0 : index
    %swap3A_77 = arith.constant 0 : index
    %swap3A_78 = vector.load %arg8[%swap3A_75, %swap3A_76, %swap3A_77] : memref<4x1000x128xf32, #tpu.memory_space<vmem>>, vector<1x1000x128xf32>
    %swap3A_79 = vector.shape_cast %swap3A_78 : vector<1x1000x128xf32> to vector<1000x128xf32>
    %swap3A_80 = vector.shape_cast %mul3A_74 : vector<1000x128xf32> to vector<1x1000x128xf32>
    tpu.vector_store %arg8[%swap3A_75, %swap3A_76, %swap3A_77], %swap3A_80 {strides = array<i32>} : memref<4x1000x128xf32, #tpu.memory_space<vmem>>, vector<1x1000x128xf32>,
    %slice3A_81 = vector.extract_strided_slice %dot_general3A_53 {offsets = [0, 384], sizes = [1000, 128], strides = [1, 1]} : vector<1000x512xf32> to vector<1000x128xf32>
    %mul3A_82 = vector.broadcast %get3A_1 : vector<1000x1xf32> to vector<1000x128xf32>
    %mul3A_83 = arith.mulf %mul3A_82, %slice3A_81 : vector<1000x128xf32>
    %swap3A_84 = arith.constant 3 : index
    %swap3A_85 = arith.constant 0 : index
    %swap3A_86 = arith.constant 0 : index
    %swap3A_87 = vector.load %arg8[%swap3A_84, %swap3A_85, %swap3A_86] : memref<4x1000x128xf32, #tpu.memory_space<vmem>>, vector<1x1000x128xf32>
    %swap3A_88 = vector.shape_cast %swap3A_87 : vector<1x1000x128xf32> to vector<1000x128xf32>
    %swap3A_89 = vector.shape_cast %mul3A_83 : vector<1000x128xf32> to vector<1x1000x128xf32>
    tpu.vector_store %arg8[%swap3A_84, %swap3A_85, %swap3A_86], %swap3A_89 {strides = array<i32>} : memref<4x1000x128xf32, #tpu.memory_space<vmem>>, vector<1x1000x128xf32>,
    return
  }
  func.func @transform_0(%arg0: i32) -> (i32, i32, i32, i32) {
    %c0_i32 = arith.constant 0 : i32
    %c0_i32_0 = arith.constant 0 : i32
    %c0_i32_1 = arith.constant 0 : i32
    %c0_i32_2 = arith.constant 0 : i32
    return %c0_i32, %c0_i32_0, %arg0, %c0_i32_1 : i32, i32, i32, i32
  }
  func.func @transform_1(%arg0: i32) -> (i32, i32, i32) {
    %c0_i32 = arith.constant 0 : i32
    %c0_i32_0 = arith.constant 0 : i32
    %c0_i32_1 = arith.constant 0 : i32
    return %c0_i32, %arg0, %c0_i32_0 : i32, i32, i32
  }
  func.func @transform_2(%arg0: i32) -> (i32, i32) {
    %c0_i32 = arith.constant 0 : i32
    %c0_i32_0 = arith.constant 0 : i32
    return %arg0, %c0_i32 : i32, i32
  }
  func.func @transform_3(%arg0: i32) -> (i32, i32) {
    %c0_i32 = arith.constant 0 : i32
    %c0_i32_0 = arith.constant 0 : i32
    %c0_i32_1 = arith.constant 0 : i32
    return %c0_i32, %c0_i32_0 : i32, i32
  }
  func.func @transform_4(%arg0: i32) -> (i32, i32) {
    %c0_i32 = arith.constant 0 : i32
    %c0_i32_0 = arith.constant 0 : i32
    %c0_i32_1 = arith.constant 0 : i32
    return %c0_i32, %c0_i32_0 : i32, i32
  }
  func.func @transform_5(%arg0: i32) -> (i32, i32) {
    %c0_i32 = arith.constant 0 : i32
    %c0_i32_0 = arith.constant 0 : i32
    %c0_i32_1 = arith.constant 0 : i32
    return %c0_i32, %c0_i32_0 : i32, i32
  }
  func.func @transform_6(%arg0: i32) -> (i32, i32) {
    %c0_i32 = arith.constant 0 : i32
    %c0_i32_0 = arith.constant 0 : i32
    %c0_i32_1 = arith.constant 0 : i32
    return %c0_i32, %c0_i32_0 : i32, i32
  }
  func.func @transform_7(%arg0: i32) -> (i32, i32, i32) {
    %c0_i32 = arith.constant 0 : i32
    %c0_i32_0 = arith.constant 0 : i32
    %c0_i32_1 = arith.constant 0 : i32
    return %c0_i32, %arg0, %c0_i32_0 : i32, i32, i32
  }
  func.func @transform_8(%arg0: i32) -> (i32, i32) {
    %c0_i32 = arith.constant 0 : i32
    %c0_i32_0 = arith.constant 0 : i32
    return %arg0, %c0_i32 : i32, i32
  }
}

module attributes {stable_mosaic.version = 14 : i64} {
  func.func @_final_body(%arg0: i32, %arg1: memref<2x4x1000x128xf32, #tpu.memory_space<vmem>>, %arg2: memref<4x1000x128xf32, #tpu.memory_space<vmem>>, %arg3: memref<1000x1xf32, #tpu.memory_space<vmem>>, %arg4: memref<512x512xf32, #tpu.memory_space<vmem>>, %arg5: memref<1x512xf32, #tpu.memory_space<vmem>>, %arg6: memref<512x128xf32, #tpu.memory_space<vmem>>, %arg7: memref<1000x128xf32, #tpu.memory_space<vmem>>, %arg8: memref<1000x128xf32, #tpu.memory_space<vmem>>, %arg9: memref<1x128xf32, #tpu.memory_space<vmem>>, %arg10: memref<1000x128xf32, #tpu.memory_space<vmem>>) attributes {dimension_semantics = [#tpu.dimension_semantics<arbitrary>], iteration_bounds = array<i64: 10>, scalar_prefetch = 0 : i64, scratch_operands = 0 : i64, tpu.core_type = #tpu.core_type<tc>, window_params = [{transform_indices = @transform_0, window_bounds = array<i64: 2, 4, 1000, 128>}, {transform_indices = @transform_1, window_bounds = array<i64: 4, 1000, 128>}, {transform_indices = @transform_2, window_bounds = array<i64: 1000, 1>}, {pipeline_mode = #tpu.pipeline_mode<synchronous>, transform_indices = @transform_3, window_bounds = array<i64: 512, 512>}, {pipeline_mode = #tpu.pipeline_mode<synchronous>, transform_indices = @transform_4, window_bounds = array<i64: 1, 512>}, {pipeline_mode = #tpu.pipeline_mode<synchronous>, transform_indices = @transform_5, window_bounds = array<i64: 512, 128>}, {transform_indices = @transform_6, window_bounds = array<i64: 1000, 128>}, {transform_indices = @transform_7, window_bounds = array<i64: 1000, 128>}, {pipeline_mode = #tpu.pipeline_mode<synchronous>, transform_indices = @transform_8, window_bounds = array<i64: 1, 128>}, {transform_indices = @transform_9, window_bounds = array<i64: 1000, 128>}]} {
    %get3A = arith.constant 0 : index
    %get3A_0 = arith.constant 0 : index
    %get3A_1 = arith.constant 0 : index
    %get3A_2 = arith.constant 0 : index
    %get3A_3 = vector.load %arg1[%get3A, %get3A_0, %get3A_1, %get3A_2] : memref<2x4x1000x128xf32, #tpu.memory_space<vmem>>, vector<2x4x1000x128xf32>
    %get3A_4 = arith.constant 0 : index
    %get3A_5 = arith.constant 0 : index
    %get3A_6 = arith.constant 0 : index
    %get3A_7 = vector.load %arg2[%get3A_4, %get3A_5, %get3A_6] : memref<4x1000x128xf32, #tpu.memory_space<vmem>>, vector<4x1000x128xf32>
    %get3A_8 = arith.constant 0 : index
    %get3A_9 = arith.constant 0 : index
    %get3A_10 = vector.load %arg3[%get3A_8, %get3A_9] : memref<1000x1xf32, #tpu.memory_space<vmem>>, vector<1000x1xf32>
    %get3A_11 = arith.constant 0 : index
    %get3A_12 = arith.constant 0 : index
    %get3A_13 = vector.load %arg4[%get3A_11, %get3A_12] : memref<512x512xf32, #tpu.memory_space<vmem>>, vector<512x512xf32>
    %get3A_14 = arith.constant 0 : index
    %get3A_15 = arith.constant 0 : index
    %get3A_16 = vector.load %arg5[%get3A_14, %get3A_15] : memref<1x512xf32, #tpu.memory_space<vmem>>, vector<1x512xf32>
    %slice3A = vector.extract_strided_slice %get3A_3 {offsets = [0, 0, 0, 0], sizes = [1, 1, 1000, 128], strides = [1, 1, 1, 1]} : vector<2x4x1000x128xf32> to vector<1x1x1000x128xf32>
    %squeeze3A = vector.shape_cast %slice3A : vector<1x1x1000x128xf32> to vector<1000x128xf32>
    %slice3A_17 = vector.extract_strided_slice %get3A_3 {offsets = [1, 0, 0, 0], sizes = [1, 1, 1000, 128], strides = [1, 1, 1, 1]} : vector<2x4x1000x128xf32> to vector<1x1x1000x128xf32>
    %squeeze3A_18 = vector.shape_cast %slice3A_17 : vector<1x1x1000x128xf32> to vector<1000x128xf32>
    %add3A = arith.addf %squeeze3A, %squeeze3A_18 : vector<1000x128xf32>
    %slice3A_19 = vector.extract_strided_slice %get3A_7 {offsets = [0, 0, 0], sizes = [1, 1000, 128], strides = [1, 1, 1]} : vector<4x1000x128xf32> to vector<1x1000x128xf32>
    %squeeze3A_20 = vector.shape_cast %slice3A_19 : vector<1x1000x128xf32> to vector<1000x128xf32>
    %sub3A = arith.subf %add3A, %squeeze3A_20 : vector<1000x128xf32>
    %mul3A = vector.broadcast %get3A_10 : vector<1000x1xf32> to vector<1000x128xf32>
    %mul3A_21 = arith.mulf %mul3A, %sub3A : vector<1000x128xf32>
    %slice3A_22 = vector.extract_strided_slice %get3A_13 {offsets = [0, 0], sizes = [128, 512], strides = [1, 1]} : vector<512x512xf32> to vector<128x512xf32>
    %dot_general3A = arith.constant dense<0.000000e+00> : vector<1000x512xf32>
    %dot_general3A_23 = tpu.matmul %mul3A_21, %slice3A_22, %dot_general3A {dimension_numbers = #tpu.dot_dimension_numbers<[1], [0], [0], [1], [0, 0, 1, 1], [], []>, transpose_lhs_hint = false} : vector<1000x128xf32>, vector<128x512xf32>, vector<1000x512xf32> -> vector<1000x512xf32>
    %add3A_24 = vector.broadcast %get3A_16 : vector<1x512xf32> to vector<1000x512xf32>
    %add3A_25 = arith.addf %add3A_24, %dot_general3A_23 : vector<1000x512xf32>
    %slice3A_26 = vector.extract_strided_slice %get3A_3 {offsets = [0, 1, 0, 0], sizes = [1, 1, 1000, 128], strides = [1, 1, 1, 1]} : vector<2x4x1000x128xf32> to vector<1x1x1000x128xf32>
    %squeeze3A_27 = vector.shape_cast %slice3A_26 : vector<1x1x1000x128xf32> to vector<1000x128xf32>
    %slice3A_28 = vector.extract_strided_slice %get3A_3 {offsets = [1, 1, 0, 0], sizes = [1, 1, 1000, 128], strides = [1, 1, 1, 1]} : vector<2x4x1000x128xf32> to vector<1x1x1000x128xf32>
    %squeeze3A_29 = vector.shape_cast %slice3A_28 : vector<1x1x1000x128xf32> to vector<1000x128xf32>
    %add3A_30 = arith.addf %squeeze3A_27, %squeeze3A_29 : vector<1000x128xf32>
    %slice3A_31 = vector.extract_strided_slice %get3A_7 {offsets = [1, 0, 0], sizes = [1, 1000, 128], strides = [1, 1, 1]} : vector<4x1000x128xf32> to vector<1x1000x128xf32>
    %squeeze3A_32 = vector.shape_cast %slice3A_31 : vector<1x1000x128xf32> to vector<1000x128xf32>
    %sub3A_33 = arith.subf %add3A_30, %squeeze3A_32 : vector<1000x128xf32>
    %mul3A_34 = vector.broadcast %get3A_10 : vector<1000x1xf32> to vector<1000x128xf32>
    %mul3A_35 = arith.mulf %mul3A_34, %sub3A_33 : vector<1000x128xf32>
    %slice3A_36 = vector.extract_strided_slice %get3A_13 {offsets = [128, 0], sizes = [128, 512], strides = [1, 1]} : vector<512x512xf32> to vector<128x512xf32>
    %dot_general3A_37 = arith.constant dense<0.000000e+00> : vector<1000x512xf32>
    %dot_general3A_38 = tpu.matmul %mul3A_35, %slice3A_36, %dot_general3A_37 {dimension_numbers = #tpu.dot_dimension_numbers<[1], [0], [0], [1], [0, 0, 1, 1], [], []>, transpose_lhs_hint = false} : vector<1000x128xf32>, vector<128x512xf32>, vector<1000x512xf32> -> vector<1000x512xf32>
    %add3A_39 = arith.addf %add3A_25, %dot_general3A_38 : vector<1000x512xf32>
    %slice3A_40 = vector.extract_strided_slice %get3A_3 {offsets = [0, 2, 0, 0], sizes = [1, 1, 1000, 128], strides = [1, 1, 1, 1]} : vector<2x4x1000x128xf32> to vector<1x1x1000x128xf32>
    %squeeze3A_41 = vector.shape_cast %slice3A_40 : vector<1x1x1000x128xf32> to vector<1000x128xf32>
    %slice3A_42 = vector.extract_strided_slice %get3A_3 {offsets = [1, 2, 0, 0], sizes = [1, 1, 1000, 128], strides = [1, 1, 1, 1]} : vector<2x4x1000x128xf32> to vector<1x1x1000x128xf32>
    %squeeze3A_43 = vector.shape_cast %slice3A_42 : vector<1x1x1000x128xf32> to vector<1000x128xf32>
    %add3A_44 = arith.addf %squeeze3A_41, %squeeze3A_43 : vector<1000x128xf32>
    %slice3A_45 = vector.extract_strided_slice %get3A_7 {offsets = [2, 0, 0], sizes = [1, 1000, 128], strides = [1, 1, 1]} : vector<4x1000x128xf32> to vector<1x1000x128xf32>
    %squeeze3A_46 = vector.shape_cast %slice3A_45 : vector<1x1000x128xf32> to vector<1000x128xf32>
    %sub3A_47 = arith.subf %add3A_44, %squeeze3A_46 : vector<1000x128xf32>
    %mul3A_48 = vector.broadcast %get3A_10 : vector<1000x1xf32> to vector<1000x128xf32>
    %mul3A_49 = arith.mulf %mul3A_48, %sub3A_47 : vector<1000x128xf32>
    %slice3A_50 = vector.extract_strided_slice %get3A_13 {offsets = [256, 0], sizes = [128, 512], strides = [1, 1]} : vector<512x512xf32> to vector<128x512xf32>
    %dot_general3A_51 = arith.constant dense<0.000000e+00> : vector<1000x512xf32>
    %dot_general3A_52 = tpu.matmul %mul3A_49, %slice3A_50, %dot_general3A_51 {dimension_numbers = #tpu.dot_dimension_numbers<[1], [0], [0], [1], [0, 0, 1, 1], [], []>, transpose_lhs_hint = false} : vector<1000x128xf32>, vector<128x512xf32>, vector<1000x512xf32> -> vector<1000x512xf32>
    %add3A_53 = arith.addf %add3A_39, %dot_general3A_52 : vector<1000x512xf32>
    %slice3A_54 = vector.extract_strided_slice %get3A_3 {offsets = [0, 3, 0, 0], sizes = [1, 1, 1000, 128], strides = [1, 1, 1, 1]} : vector<2x4x1000x128xf32> to vector<1x1x1000x128xf32>
    %squeeze3A_55 = vector.shape_cast %slice3A_54 : vector<1x1x1000x128xf32> to vector<1000x128xf32>
    %slice3A_56 = vector.extract_strided_slice %get3A_3 {offsets = [1, 3, 0, 0], sizes = [1, 1, 1000, 128], strides = [1, 1, 1, 1]} : vector<2x4x1000x128xf32> to vector<1x1x1000x128xf32>
    %squeeze3A_57 = vector.shape_cast %slice3A_56 : vector<1x1x1000x128xf32> to vector<1000x128xf32>
    %add3A_58 = arith.addf %squeeze3A_55, %squeeze3A_57 : vector<1000x128xf32>
    %slice3A_59 = vector.extract_strided_slice %get3A_7 {offsets = [3, 0, 0], sizes = [1, 1000, 128], strides = [1, 1, 1]} : vector<4x1000x128xf32> to vector<1x1000x128xf32>
    %squeeze3A_60 = vector.shape_cast %slice3A_59 : vector<1x1000x128xf32> to vector<1000x128xf32>
    %sub3A_61 = arith.subf %add3A_58, %squeeze3A_60 : vector<1000x128xf32>
    %mul3A_62 = vector.broadcast %get3A_10 : vector<1000x1xf32> to vector<1000x128xf32>
    %mul3A_63 = arith.mulf %mul3A_62, %sub3A_61 : vector<1000x128xf32>
    %slice3A_64 = vector.extract_strided_slice %get3A_13 {offsets = [384, 0], sizes = [128, 512], strides = [1, 1]} : vector<512x512xf32> to vector<128x512xf32>
    %dot_general3A_65 = arith.constant dense<0.000000e+00> : vector<1000x512xf32>
    %dot_general3A_66 = tpu.matmul %mul3A_63, %slice3A_64, %dot_general3A_65 {dimension_numbers = #tpu.dot_dimension_numbers<[1], [0], [0], [1], [0, 0, 1, 1], [], []>, transpose_lhs_hint = false} : vector<1000x128xf32>, vector<128x512xf32>, vector<1000x512xf32> -> vector<1000x512xf32>
    %add3A_67 = arith.addf %add3A_53, %dot_general3A_66 : vector<1000x512xf32>
    %max3A = arith.constant 0.000000e+00 : f32
    %max3A_68 = vector.broadcast %max3A : f32 to vector<1000x512xf32>
    %max3A_69 = arith.maximumf %add3A_67, %max3A_68 : vector<1000x512xf32>
    %get3A_70 = arith.constant 0 : index
    %get3A_71 = arith.constant 0 : index
    %get3A_72 = vector.load %arg6[%get3A_70, %get3A_71] : memref<512x128xf32, #tpu.memory_space<vmem>>, vector<512x128xf32>
    %dot_general3A_73 = arith.constant dense<0.000000e+00> : vector<1000x128xf32>
    %dot_general3A_74 = tpu.matmul %max3A_69, %get3A_72, %dot_general3A_73 {dimension_numbers = #tpu.dot_dimension_numbers<[1], [0], [0], [1], [0, 0, 1, 1], [], []>, transpose_lhs_hint = false} : vector<1000x512xf32>, vector<512x128xf32>, vector<1000x128xf32> -> vector<1000x128xf32>
    %get3A_75 = arith.constant 0 : index
    %get3A_76 = arith.constant 0 : index
    %get3A_77 = vector.load %arg7[%get3A_75, %get3A_76] : memref<1000x128xf32, #tpu.memory_space<vmem>>, vector<1000x128xf32>
    %add3A_78 = arith.addf %dot_general3A_74, %get3A_77 : vector<1000x128xf32>
    %get3A_79 = arith.constant 0 : index
    %get3A_80 = arith.constant 0 : index
    %get3A_81 = vector.load %arg8[%get3A_79, %get3A_80] : memref<1000x128xf32, #tpu.memory_space<vmem>>, vector<1000x128xf32>
    %add3A_82 = arith.addf %add3A_78, %get3A_81 : vector<1000x128xf32>
    %get3A_83 = arith.constant 0 : index
    %get3A_84 = arith.constant 0 : index
    %get3A_85 = vector.load %arg9[%get3A_83, %get3A_84] : memref<1x128xf32, #tpu.memory_space<vmem>>, vector<1x128xf32>
    %add3A_86 = vector.broadcast %get3A_85 : vector<1x128xf32> to vector<1000x128xf32>
    %add3A_87 = arith.addf %add3A_82, %add3A_86 : vector<1000x128xf32>
    %swap3A = arith.constant 0 : index
    %swap3A_88 = arith.constant 0 : index
    %swap3A_89 = vector.load %arg10[%swap3A, %swap3A_88] : memref<1000x128xf32, #tpu.memory_space<vmem>>, vector<1000x128xf32>
    tpu.vector_store %arg10[%swap3A, %swap3A_88], %add3A_87 {strides = array<i32>} : memref<1000x128xf32, #tpu.memory_space<vmem>>, vector<1000x128xf32>,
    return
  }
  func.func @transform_0(%arg0: i32) -> (i32, i32, i32, i32) {
    %c0_i32 = arith.constant 0 : i32
    %c0_i32_0 = arith.constant 0 : i32
    %c0_i32_1 = arith.constant 0 : i32
    %c0_i32_2 = arith.constant 0 : i32
    return %c0_i32, %c0_i32_0, %arg0, %c0_i32_1 : i32, i32, i32, i32
  }
  func.func @transform_1(%arg0: i32) -> (i32, i32, i32) {
    %c0_i32 = arith.constant 0 : i32
    %c0_i32_0 = arith.constant 0 : i32
    %c0_i32_1 = arith.constant 0 : i32
    return %c0_i32, %arg0, %c0_i32_0 : i32, i32, i32
  }
  func.func @transform_2(%arg0: i32) -> (i32, i32) {
    %c0_i32 = arith.constant 0 : i32
    %c0_i32_0 = arith.constant 0 : i32
    return %arg0, %c0_i32 : i32, i32
  }
  func.func @transform_3(%arg0: i32) -> (i32, i32) {
    %c0_i32 = arith.constant 0 : i32
    %c0_i32_0 = arith.constant 0 : i32
    %c0_i32_1 = arith.constant 0 : i32
    return %c0_i32, %c0_i32_0 : i32, i32
  }
  func.func @transform_4(%arg0: i32) -> (i32, i32) {
    %c0_i32 = arith.constant 0 : i32
    %c0_i32_0 = arith.constant 0 : i32
    %c0_i32_1 = arith.constant 0 : i32
    return %c0_i32, %c0_i32_0 : i32, i32
  }
  func.func @transform_5(%arg0: i32) -> (i32, i32) {
    %c0_i32 = arith.constant 0 : i32
    %c0_i32_0 = arith.constant 0 : i32
    %c0_i32_1 = arith.constant 0 : i32
    return %c0_i32, %c0_i32_0 : i32, i32
  }
  func.func @transform_6(%arg0: i32) -> (i32, i32) {
    %c0_i32 = arith.constant 0 : i32
    %c0_i32_0 = arith.constant 0 : i32
    return %arg0, %c0_i32 : i32, i32
  }
  func.func @transform_7(%arg0: i32) -> (i32, i32) {
    %c0_i32 = arith.constant 0 : i32
    %c0_i32_0 = arith.constant 0 : i32
    return %arg0, %c0_i32 : i32, i32
  }
  func.func @transform_8(%arg0: i32) -> (i32, i32) {
    %c0_i32 = arith.constant 0 : i32
    %c0_i32_0 = arith.constant 0 : i32
    %c0_i32_1 = arith.constant 0 : i32
    return %c0_i32, %c0_i32_0 : i32, i32
  }
  func.func @transform_9(%arg0: i32) -> (i32, i32) {
    %c0_i32 = arith.constant 0 : i32
    %c0_i32_0 = arith.constant 0 : i32
    return %arg0, %c0_i32 : i32, i32
  }
}

</mosaic_0001>

<sc_bundles>
// kernel: kernel.10.cloned.1.call-start
scs
__scs_entry_jumppad:
0x0: {  	(pc) =	sbr.rel $0x88, $3  }
0x1: {  	(tag) =	ssettag $0x0;
	lr =	simm.s32 $0x1  }
0x2: {  	[smem:$0x3F87] =	sst lr;
	_ =	strace $0xD0000000  }
0x3: {  	_ = 	snop  }
0x4: {  	_ = 	snop  }
0x5: {  	_ = 	snop  }
0x6: {  	_ = 	snop  }
0x7: {  	_ = 	snop  }
__scs_overlays_trampoline_lowered:
0x8: {  	[smem:$0x3F96] =	sst s0  }
0x9: {  	[smem:$0x3F97] =	sst s1  }
0xa: {  	[smem:$0x3F98] =	sst s2  }
0xb: {  	[smem:$0x3F99] =	sst s3  }
0xc: {  	[smem:$0x3F9A] =	sst s4  }
0xd: {  	[smem:$0x3F9B] =	sst s5  }
0xe: {  	[smem:$0x3F9C] =	sst s6  }
0xf: {  	[smem:$0x3F9D] =	sst s7  }
0x10: {  	[smem:$0x3F9E] =	sst s8  }
0x11: {  	[smem:$0x3F9F] =	sst s9;
	s0 =	simm.s32 @!p0 $0x0  }
0x12: {  	s1 =	sld [smem:$0x3F85];
	s0 =	simm.s32 @p0 $0x1  }
0x13: {  	[smem:$0x3FA0] =	sst s0;
	s0 =	simm.s32 @!p1 $0x0  }
0x14: {  	s2 =	sld [smem:$0x3F84];
	s0 =	simm.s32 @p1 $0x1  }
0x15: {  	[smem:$0x3FA1] =	sst s0;
	s0 =	simm.s32 @!p2 $0x0  }
0x16: {  	s3 =	sld [smem:$0x3FDB];
	s0 =	simm.s32 @p2 $0x1  }
0x17: {  	s4 =	simm.s32 $0x1BF5;
	[smem:$0x3FA3] =	sst s0  }
0x18: {  	s0 =	sld [smem:$0x3F86];
	_ =	swait.ge [sflag:s4], $0x0  }
0x19: {  	s7 =	sld [smem:$0x3F87]  }
0x1a: {  	s8 =	sadd.s32 $0xFFFFE003, lr  }
0x1b: {  	s9 =	sadd.s32 $0xFFFFFEF7, lr;
	s5 =	simm.s32 $0xFFFFFFFF;
	p2 =	slt.u32 s8, $0xFFFFF086  }
0x1c: {  	p1 =	slt.u32 s9, $0xF7A;
	s5 =	simm.s32 @!p2 $0x0  }
0x1d: {  	s5 =	simm.s32 @p1 $0x1;
	p0 =	seq.s32 s7, s2  }
0x1e: {  	s7 =	smul.u32 @!p0 $0xF7A, s2;
	p2 =	seq.s32 @!p0 s5, $0x0  }
0x1f: {  	s9 =	smul.u32 $0xF7A, s1;
	s8 =	simm.s32 @!p0 $0x1BF5;
	p2 =	por !p2, p0  }
0x20: {  	[sflag:s8] =	ssyncset.s32 @!p0 $0xFFFFF086;
	s6 =	sadd.s32 @!p0 s3, s7;
	s7 =	simm.s32 @!p0 $0x108  }
0x21: {  	s3 =	sadd.s32 s3, s9;
	s6 =	sadd.s32 @!p0 $0x88, s6;
	s7 =	simm.s32 @p2 $0x1082  }
0x22: {  	[simem:s7], [sflag:s8] =	dma.local @!p0 [hbm:s6], $0xF7A  }
0x23: {  	s9 =	sor.u32 $0xD0000000, s2;
	s6 =	simm.s32 $0x108;
	_ =	swait.ge @!p0 [sflag:s8], $0x0  }
0x24: {  	s3 =	sadd.s32 $0x88, s3;
	s6 =	simm.s32 @!p1 $0x1082;
	[sflag:s4] =	ssyncset.s32 $0xFFFFF086  }
0x25: {  	[simem:s6], [sflag:s4] =	dma.local [hbm:s3], $0xF7A  }
0x26: {  	[smem:$0x3F87] =	sst s1;
	(tag) =	ssettag s2;
	_ =	strace s9  }
0x27: {  	s1 =	sld [smem:$0x3F97]  }
0x28: {  	s2 =	sld [smem:$0x3F98]  }
0x29: {  	s4 =	sld [smem:$0x3F9A]  }
0x2a: {  	p0 =	seq.s32 s5, $0x0;
	s5 =	sld [smem:$0x3F9B]  }
0x2b: {  	s6 =	sld [smem:$0x3F9C]  }
0x2c: {  	s7 =	sld [smem:$0x3F9D]  }
0x2d: {  	s3 =	simm.s32 $0x108;
	s8 =	sld [smem:$0x3F9E]  }
0x2e: {  	s3 =	simm.s32 @!p0 $0x1082;
	s9 =	sld [smem:$0x3F9F]  }
0x2f: {  	lr =	sadd.s32 s0, s3;
	s0 =	sld [smem:$0x3F96]  }
0x30: {  	s3 =	sld [smem:$0x3F99]  }
0x31: {  	[smem:$0x3FA2] =	sst s10  }
0x32: {  	s10 =	sld [smem:$0x3FA0];
	_ =	sdelay $0x3  }
0x33: {  	p0 =	seq.s32 s10, $0x1;
	s10 =	sld [smem:$0x3FA2];
	_ =	sdelay $0x3  }
0x34: {  	[smem:$0x3FA2] =	sst s10  }
0x35: {  	s10 =	sld [smem:$0x3FA1];
	_ =	sdelay $0x3  }
0x36: {  	p1 =	seq.s32 s10, $0x1;
	s10 =	sld [smem:$0x3FA2];
	_ =	sdelay $0x3  }
0x37: {  	[smem:$0x3FA2] =	sst s10  }
0x38: {  	s10 =	sld [smem:$0x3FA3]  }
0x39: {  	_ = 	snop;
	(pc) =	sbr.ind lr, $3  }
0x3a: {  	_ = 	snop  }
0x3b: {  	_ = 	snop  }
0x3c: {  	p2 =	seq.s32 s10, $0x1;
	s10 =	sld [smem:$0x3FA2]  }
0x3d: {  	_ =	shalt  }
0x3e: {  	_ =	shalt  }
0x3f: {  	_ =	shalt  }
0x40: {  	_ =	shalt  }
0x41: {  	_ =	shalt  }
0x42: {  	_ =	shalt  }
0x43: {  	_ =	shalt  }
0x44: {  	_ =	shalt  }
0x45: {  	_ =	shalt  }
0x46: {  	_ =	shalt  }
0x47: {  	_ =	shalt  }
0x48: {  	_ =	shalt  }
0x49: {  	_ =	shalt  }
0x4a: {  	_ =	shalt  }
0x4b: {  	_ =	shalt  }
0x4c: {  	_ =	shalt  }
0x4d: {  	_ =	shalt  }
0x4e: {  	_ =	shalt  }
0x4f: {  	_ =	shalt  }
0x50: {  	_ =	shalt  }
0x51: {  	_ =	shalt  }
0x52: {  	_ =	shalt  }
0x53: {  	_ =	shalt  }
0x54: {  	_ =	shalt  }
0x55: {  	_ =	shalt  }
0x56: {  	_ =	shalt  }
0x57: {  	_ =	shalt  }
0x58: {  	_ =	shalt  }
0x59: {  	_ =	shalt  }
0x5a: {  	_ =	shalt  }
0x5b: {  	_ =	shalt  }
0x5c: {  	_ =	shalt  }
0x5d: {  	_ =	shalt  }
0x5e: {  	_ =	shalt  }
0x5f: {  	_ =	shalt  }
0x60: {  	_ =	shalt  }
0x61: {  	_ =	shalt  }
0x62: {  	_ =	shalt  }
0x63: {  	_ =	shalt  }
0x64: {  	_ =	shalt  }
0x65: {  	_ =	shalt  }
0x66: {  	_ =	shalt  }
0x67: {  	_ =	shalt  }
0x68: {  	_ =	shalt  }
0x69: {  	_ =	shalt  }
0x6a: {  	_ =	shalt  }
0x6b: {  	_ =	shalt  }
0x6c: {  	_ =	shalt  }
0x6d: {  	_ =	shalt  }
0x6e: {  	_ =	shalt  }
0x6f: {  	_ =	shalt  }
0x70: {  	_ =	shalt  }
0x71: {  	_ =	shalt  }
0x72: {  	_ =	shalt  }
0x73: {  	_ =	shalt  }
0x74: {  	_ =	shalt  }
0x75: {  	_ =	shalt  }
0x76: {  	_ =	shalt  }
0x77: {  	_ =	shalt  }
0x78: {  	_ =	shalt  }
0x79: {  	_ =	shalt  }
0x7a: {  	_ =	shalt  }
0x7b: {  	_ =	shalt  }
0x7c: {  	_ =	shalt  }
0x7d: {  	_ =	shalt  }
0x7e: {  	_ =	shalt  }
0x7f: {  	_ =	shalt  }
0x80: {  	_ =	shalt  }
0x81: {  	_ =	shalt  }
0x82: {  	_ =	shalt  }
0x83: {  	_ =	shalt  }
0x84: {  	_ =	shalt  }
0x85: {  	_ =	shalt  }
0x86: {  	_ =	shalt  }
0x87: {  	_ =	shalt  }
.Lfunc_end0:
.L_simem_size_0:
called_computation_lowered:
.L_overlay_start_0:
0x88: {  	s2 =	sld [smem:$0x3FD9]  }
0x89: {  	s3 =	sld [smem:$0x3FFE];
	_ =	sdelay $0x1  }
0x8a: {  	s1 =	srdreg.scid  }
0x8b: {  	s0 =	sand.u32 $0x1, s1  }
0x8c: {  	s17 =	sshll.u32 s0, $0xA;
	s2 =	sadd.s32 s3, s2  }
0x8d: {  	s2 =	sadd.s32 s2, s17  }
0x8e: {  	[smem:$0x3FAE] =	sst s2  }
0x8f: {  	_ = 	snop  }
0x90: {  	s2 =	sld [smem:$0x3FD0];
	(tm) =	ssettm $0x1  }
0x91: {  	s18 =	sld [smem:$0x3FFB];
	_ =	sdelay $0x3  }
0x92: {  	_ =	strace s18  }
0x93: {  	s3 =	sld [smem:$0x3FFC];
	_ =	sdelay $0x3  }
0x94: {  	_ =	strace s3  }
0x95: {  	s3 =	sld [smem:$0x3FFD];
	_ =	sdelay $0x3  }
0x96: {  	_ =	strace s3  }
0x97: {  	_ =	strace $0x8FFFFFFF  }
0x98: {  	s19 =	sld [smem:$0x3FDB];
	_ =	sdelay $0x1  }
0x99: {  	s4 =	simm.s32 $_scs_section_size  }
0x9a: {  	s5 =	simm.s32 $_size__tile_overlayer_lowered;
	s6 =	simm.s32 $_tile_overlayer_lowered  }
0x9b: {  	s22 =	simm.s32 $0x1BFF;
	s21 =	sshll.u32 s6, $0x1;
	s3 =	sadd.s32 s4, s19  }
0x9c: {  	s7 =	simm.s32 $0x0;
	s20 =	sshll.u32 s5, $0x1;
	s5 =	sadd.s32 s21, s3  }
0x9d: {  	[timem:s7], [sflag:s22] =	dma.local [hbm:s5], s20  }
0x9e: {  	_ =	swait.ge [sflag:s22], s20  }
0x9f: {  	s4 =	ssub.s32 $0x0, s20;
	[sflag:s22] =	ssyncset.done $0x0  }
0xa0: {  	[sflag:s22] =	ssyncadd.s32 s4;
	_ =	sdelay $0x1  }
0xa1: {  	s23 =	simm.s32 $0x1B8B  }
0xa2: {  	_ =	swait.ge [sflag:s23], $0x1  }
0xa3: {  	[sflag:s23] =	ssyncset.done $0x0  }
0xa4: {  	s25 =	simm.s32 $0x1B8E;
	s24 =	sld [smem:$0x3FFE];
	[sflag:s23] =	ssyncadd.s32 $0xFFFFFFFF  }
0xa5: {  	s26 =	simm.s32 $execute0_lowered;
	[smem:$0x3FD2] =	sst s25  }
0xa6: {  	s5 =	sshll.u32 s26, $0x1;
	_ =	strace $0x80000046;
	[dreg:$0x1] =	wrdreg $0xFFFFFFFF  }
0xa7: {  	s28 =	simm.s32 $_size_execute0_lowered;
	s3 =	sadd.s32 s3, s5;
	[dreg:$0x0] =	wrdreg $0x0  }
0xa8: {  	s5 =	sshll.u32 s28, $0x1;
	[dreg:$0x2] =	wrdreg s3  }
0xa9: {  	[dreg:$0x3] =	wrdreg s5  }
0xaa: {  	[dreg:$0x4] =	wrdreg $0xC0  }
0xab: {  	_ =	task [dreg:s7], $0x5FFFF  }
0xac: {  	[dreg:$0x1] =	wrdreg $0xFFFFFFFF  }
0xad: {  	[dreg:$0x0] =	wrdreg $0x60  }
0xae: {  	[dreg:$0x2] =	wrdreg s24  }
0xaf: {  	[dreg:$0x3] =	wrdreg s2  }
0xb0: {  	[dreg:$0x4] =	wrdreg $0x3800  }
0xb1: {  	[dreg:$0x5] =	wrdreg $0x9  }
0xb2: {  	_ =	task.clear_ibuf [dreg:s7], $0x6FFFF;
	_ =	strace $0x90000046  }
0xb3: {  	s29 =	simm.s32 $0x9;
	_ =	strace $0x80000048  }
0xb4: {  	_ =	swait.ge [sflag:s29], $0x1  }
0xb5: {  	[sflag:s29] =	ssyncadd.s32 $0xFFFFFFFF  }
0xb6: {  	_ =	strace $0x90000048  }
0xb7: {  	_ =	sfence  }
0xb8: {  	s30 =	sld [smem:$0x0];
	_ =	sdelay $0x2  }
0xb9: {  	s31 =	sshll.u32 s1, $0xD;
	s1 =	sshrl.u32 s1, $0x2  }
0xba: {  	s3 =	sand.u32 $0x4000, s31;
	s1 =	sadd.s32 s1, s30  }
0xbb: {  	s0 =	sor.u32 s3, s0;
	s1 =	sshll.u32 s1, $0x11  }
0xbc: {  	s0 =	sor.u32 s1, s0  }
0xbd: {  	s0 =	sadd.s32 $0x8F2B, s0  }
0xbe: {  	[sflag:s0] =	ssyncadd.remote.s32 $0x1  }
0xbf: {  	_ =	sfence.sel $0xFFFF  }
0xc0: {  	[dreg:$0x0] =	wrdreg $0xFFFFFFFF;
	(pc) =	sbr.abs _section_cstart, $3  }
0xc1: {  	[dreg:$0x1] =	wrdreg $0xFFFFFFFF  }
0xc2: {  	_ =	task.clear_ibuf [dreg:s7], $0x2FFFF;
	_ =	strace $0x9FFFFFFF  }
0xc3: {  	(tm) =	ssettm $0x7FFFFFFF  }
tec
execute0_lowered:
.L_overlay_start_1:
0x0: {  	(tag) =	ssettag $0x1  }
0x1: {  	s4 =	rddreg [dreg:$0x0]  }
0x2: {  	s5 =	rddreg [dreg:$0x1]  }
0x3: {  	s0 =	srdreg.scid;
	s2 =	rddreg [dreg:$0x2]  }
0x4: {  	s1 =	rddreg [dreg:$0x3];
	s3 =	simm.s32 $0x0;
	s6 =	sand.u32 $0x1, s0  }
0x5: {  	s13 =	simm.s32 $0x20;
	s0 =	stileid.u32;
	s7 =	smul.u32 $0x27800, s6  }
0x6: {  	s14 =	simm.s32 $0x10;
	[smem:$0x7FF] =	sst s3;
	s8 =	smul.u32 $0x2780, s0  }
0x7: {  	s15 =	simm.s32 $0x0;
	s29 =	smul.u32 $0xA00, s0;
	_ =	strace $0x80000047  }
0x8: {  	s9 =	smul.u32 $0x500, s0;
	s30 =	ssub.s32 $0x2, s6;
	s11 =	sshll.u32 s0, $0x6  }
0x9: {  	s6 =	sshll.u32 s6, $0x7;
	s10 =	sshrl.u32 s30, $0x1;
	s11 =	sor.u32 $0x1C01, s11  }
0xa: {  	s7 =	sadd.s32 s8, s7;
	s8 =	sshrl.u32 s29, $0x2;
	s6 =	sor.u32 s6, s9  }
0xb: {  	s31 =	ssub.s32 s30, s10;
	s9 =	simm.s32 $0x1;
	s7 =	sshrl.u32 s7, $0x3  }
0xc: {  	s10 =	simm.s32 $0x80;
	s6 =	sshrl.u32 s6, $0x3;
	s7 =	sadd.s32 s7, s4  }
0xd: {  	s4 =	sadd.s32 s8, s2;
	s5 =	sadd.s32 s5, s6;
	s6 =	smax.u32 s31, $0x1  }
0xe: {  	v0 =	vimm.f32 $1.000000000e+00;
	v1 =	vimm.f32 $0.0e+00;
	s8 =	simm.s32 $0x100;
	s7 =	sadd.s32 $0x6E00, s7;
	s12 =	sshrl.u32 s4, $0x3  }
.LBB2_1:
0xf: {  	[tilespmem:$0x80] =	vst v0  }
0x10: {  	[tilespmem:$0x90] =	vst v0  }
0x11: {  	[tilespmem:$0xA0] =	vst v0  }
0x12: {  	[tilespmem:$0xB0] =	vst v0  }
0x13: {  	[tilespmem:$0xC0] =	vst v0  }
0x14: {  	[tilespmem:$0xD0] =	vst v0  }
0x15: {  	[tilespmem:$0xE0] =	vst v0  }
0x16: {  	[tilespmem:$0xF0] =	vst v0  }
0x17: {  	[tilespmem:$0x100] =	vst v1  }
0x18: {  	[tilespmem:$0x110] =	vst v1  }
0x19: {  	[tilespmem:$0x120] =	vst v1  }
0x1a: {  	[tilespmem:$0x130] =	vst v1  }
0x1b: {  	[tilespmem:$0x140] =	vst v1  }
0x1c: {  	[tilespmem:$0x150] =	vst v1  }
0x1d: {  	[tilespmem:$0x160] =	vst v1  }
0x1e: {  	[tilespmem:$0x170] =	vst v1  }
0x1f: {  	[tilespmem:$0x180] =	vst v1  }
0x20: {  	[tilespmem:$0x190] =	vst v1  }
0x21: {  	[tilespmem:$0x1A0] =	vst v1  }
0x22: {  	[tilespmem:$0x1B0] =	vst v1  }
0x23: {  	[tilespmem:$0x1C0] =	vst v1  }
0x24: {  	[tilespmem:$0x1D0] =	vst v1  }
0x25: {  	[tilespmem:$0x1E0] =	vst v1  }
0x26: {  	[tilespmem:$0x1F0] =	vst v1  }
0x27: {  	[tilespmem:$0x200] =	vst v1  }
0x28: {  	[tilespmem:$0x210] =	vst v1  }
0x29: {  	[tilespmem:$0x220] =	vst v1  }
0x2a: {  	[tilespmem:$0x230] =	vst v1  }
0x2b: {  	[tilespmem:$0x240] =	vst v1  }
0x2c: {  	[tilespmem:$0x250] =	vst v1  }
0x2d: {  	[tilespmem:$0x260] =	vst v1  }
0x2e: {  	[tilespmem:$0x270] =	vst v1  }
0x2f: {  	[tilespmem:$0x280] =	vst v1  }
0x30: {  	[tilespmem:$0x290] =	vst v1  }
0x31: {  	[tilespmem:$0x2A0] =	vst v1  }
0x32: {  	[tilespmem:$0x2B0] =	vst v1  }
0x33: {  	[tilespmem:$0x2C0] =	vst v1  }
0x34: {  	[tilespmem:$0x2D0] =	vst v1  }
0x35: {  	[tilespmem:$0x2E0] =	vst v1  }
0x36: {  	[tilespmem:$0x2F0] =	vst v1  }
0x37: {  	[tilespmem:$0x300] =	vst v1  }
0x38: {  	[tilespmem:$0x310] =	vst v1  }
0x39: {  	[tilespmem:$0x320] =	vst v1  }
0x3a: {  	[tilespmem:$0x330] =	vst v1  }
0x3b: {  	[tilespmem:$0x340] =	vst v1  }
0x3c: {  	[tilespmem:$0x350] =	vst v1  }
0x3d: {  	[tilespmem:$0x360] =	vst v1  }
0x3e: {  	[tilespmem:$0x370] =	vst v1  }
0x3f: {  	[spmem:s4] =	stream.linear.scatter [tilespmem:s8], [sflag:$0x1], $0x280, $0x38;
	[tilespmem:$0x600] =	vst v63  }
0x40: {  	_ =	swait.ge [sflag:s9], $0x280  }
0x41: {  	[sflag:s9] =	ssyncset.done $0x0  }
0x42: {  	[sflag:s9] =	ssyncadd.s32 $0xFFFFFD80  }
0x43: {  	s16 =	sadd.s32 $0x0, s7;
	[bflag:$0x0] =	sbarrier.arrive $0xFFFF  }
0x44: {  	[tilespmem:s3], [sflag:$0x1] =	stream.linear.gather [hbm4b:s16+s3], $0x80, $0x38;
	[tilespmem:$0x600] =	vst v63  }
0x45: {  	_ =	swait.ge [sflag:s9], $0x80  }
0x46: {  	[sflag:s9] =	ssyncset.done $0x0  }
0x47: {  	[sflag:s9] =	ssyncadd.s32 $0xFFFFFF80  }
0x48: {  	[spmem:s2] =	stream.indirect.scatter.add.f32 [tilespmem:s10], [sflag:$0x1], $0x1, s3, s10, $0xb8;
	[tilespmem:$0x600] =	vst v63  }
0x49: {  	_ =	swait.ge [sflag:s9], $0x80  }
0x4a: {  	s17 =	simm.s32 $0x20;
	s16 =	simm.s32 $0x10;
	[sflag:s9] =	ssyncset.done $0x0  }
.LBB2_2:
0x4b: {  	s18 =	sadd.s32 s16, s7  }
0x4c: {  	[sflag:s9] =	ssyncadd.s32 $0xFFFFFF80;
	s16 =	smov.u32 s17;
	s19 =	sadd.s32 $0x10, s17  }
0x4d: {  	[tilespmem:s3], [sflag:$0x1] =	stream.linear.gather [hbm4b:s18+s3], $0x80, $0x38;
	[tilespmem:$0x600] =	vst v63  }
0x4e: {  	p0 =	sne.s32 s17, $0x4E0;
	_ =	swait.ge [sflag:s9], $0x80  }
.Ltmp0:
0x4f: {  	[sflag:s9] =	ssyncset.done $0x0;
	(pc) =	sbr.rel @p0 .LBB2_2-.Ltmp0, $4  }
0x50: {  	[sflag:s9] =	ssyncadd.s32 $0xFFFFFF80  }
0x51: {  	[spmem:s2] =	stream.indirect.scatter.add.f32 [tilespmem:s10], [sflag:$0x1], $0x1, s3, s10, $0xb8;
	[tilespmem:$0x600] =	vst v63  }
0x52: {  	_ =	swait.ge [sflag:s9], $0x80  }
0x53: {  	s17 =	smov.u32 s19;
	[sflag:s9] =	ssyncset.done $0x0  }
0x54: {  	s16 =	sadd.s32 s16, s7;
	[sflag:s9] =	ssyncadd.s32 $0xFFFFFF80  }
0x55: {  	[tilespmem:s3], [sflag:$0x1] =	stream.linear.gather [hbm4b:s16+s3], $0x80, $0x38;
	[tilespmem:$0x600] =	vst v63  }
0x56: {  	_ =	swait.ge [sflag:s9], $0x80  }
0x57: {  	[sflag:s9] =	ssyncset.done $0x0  }
0x58: {  	[sflag:s9] =	ssyncadd.s32 $0xFFFFFF80  }
0x59: {  	[spmem:s2] =	stream.indirect.scatter.add.f32 [tilespmem:s10], [sflag:$0x1], $0x1, s3, s10, $0xb8;
	[tilespmem:$0x600] =	vst v63  }
0x5a: {  	_ =	swait.ge [sflag:s9], $0x80  }
0x5b: {  	s15 =	sadd.s32 $0x1, s15;
	[sflag:s9] =	ssyncset.done $0x0  }
0x5c: {  	p0 =	sne.s32 s15, s6;
	[sflag:s9] =	ssyncadd.s32 $0xFFFFFF80  }
.Ltmp1:
0x5d: {  	[bflag:$0x0] =	sbarrier.arrive $0xFFFF;
	(pc) =	sbr.rel @p0 .LBB2_1-.Ltmp1, $4  }
0x5e: {  	[hbm:s5@s13], [sflag:s11] =	dma.strided [spmem:s12@s14], $0x50, s9, $0x10   }
0x5f: {  	_ =	swait.ge [sflag:s9], $0x50  }
0x60: {  	[sflag:s9] =	ssyncset.done $0x0  }
0x61: {  	[sflag:s9] =	ssyncadd.s32 $0xFFFFFFB0  }
0x62: {  	_ =	sfence.sel $0x180000  }
0x63: {  	[bflag:$0x0] =	sbarrier.arrive $0xFFFF  }
0x64: {  	p0 =	sne.s32 s0, $0x0;
	_ =	strace $0x90000047  }
0x65: {  	s0 =	sadd.s32 @!p0 $0x100000, s1;
	[bflag:$0x2] =	sbarrier.arrive $0xFFFF  }
0x66: {  	[sflag:s0] =	ssyncadd.tile.s32 @!p0 $0x1;
	_ =	shalt  }
.Lfunc_end2:
_tile_overlayer_lowered:
.L_overlay_start_2:
0x67: {  	(tag) =	ssettag $0x2  }
0x68: {  	s0 =	rddreg [dreg:$0x0];
	s2 =	stileid.u32  }
0x69: {  	s1 =	rddreg [dreg:$0x1];
	p0 =	sne.s32 s2, $0x0  }
0x6a: {  	s3 =	rddreg [dreg:$0x2];
	[bflag:$0x3] =	sbarrier.arrive $0xFFFF;
	s2 =	simm.s32 @!p0 $0x1C01  }
0x6b: {  	[timem:s3], [sflag:s2] =	dma.local @!p0 [hbm:s0], s1  }
0x6c: {  	s0 =	simm.s32 @!p0 $0x1  }
0x6d: {  	_ =	swait.ge @!p0 [sflag:s0], s1  }
0x6e: {  	s1 =	ssub.s32 @!p0 $0x0, s1;
	[sflag:s0] =	ssyncset.done @!p0 $0x0  }
0x6f: {  	[sflag:s0] =	ssyncadd.s32 @!p0 s1  }
0x70: {  	[bflag:$0x3] =	sbarrier.arrive $0xFFFF  }
0x71: {  	_ =	shalt  }

// kernel: kernel.13.cloned.1.call-start
scs
__scs_entry_jumppad:
0x0: {  	(pc) =	sbr.rel $0x88, $3  }
0x1: {  	(tag) =	ssettag $0x0;
	lr =	simm.s32 $0x1  }
0x2: {  	[smem:$0x3F87] =	sst lr;
	_ =	strace $0xD0000000  }
0x3: {  	_ = 	snop  }
0x4: {  	_ = 	snop  }
0x5: {  	_ = 	snop  }
0x6: {  	_ = 	snop  }
0x7: {  	_ = 	snop  }
__scs_overlays_trampoline_lowered:
0x8: {  	[smem:$0x3F96] =	sst s0  }
0x9: {  	[smem:$0x3F97] =	sst s1  }
0xa: {  	[smem:$0x3F98] =	sst s2  }
0xb: {  	[smem:$0x3F99] =	sst s3  }
0xc: {  	[smem:$0x3F9A] =	sst s4  }
0xd: {  	[smem:$0x3F9B] =	sst s5  }
0xe: {  	[smem:$0x3F9C] =	sst s6  }
0xf: {  	[smem:$0x3F9D] =	sst s7  }
0x10: {  	[smem:$0x3F9E] =	sst s8  }
0x11: {  	[smem:$0x3F9F] =	sst s9;
	s0 =	simm.s32 @!p0 $0x0  }
0x12: {  	s1 =	sld [smem:$0x3F85];
	s0 =	simm.s32 @p0 $0x1  }
0x13: {  	[smem:$0x3FA0] =	sst s0;
	s0 =	simm.s32 @!p1 $0x0  }
0x14: {  	s2 =	sld [smem:$0x3F84];
	s0 =	simm.s32 @p1 $0x1  }
0x15: {  	[smem:$0x3FA1] =	sst s0;
	s0 =	simm.s32 @!p2 $0x0  }
0x16: {  	s3 =	sld [smem:$0x3FDB];
	s0 =	simm.s32 @p2 $0x1  }
0x17: {  	s4 =	simm.s32 $0x1BF5;
	[smem:$0x3FA3] =	sst s0  }
0x18: {  	s0 =	sld [smem:$0x3F86];
	_ =	swait.ge [sflag:s4], $0x0  }
0x19: {  	s7 =	sld [smem:$0x3F87]  }
0x1a: {  	s8 =	sadd.s32 $0xFFFFE003, lr  }
0x1b: {  	s9 =	sadd.s32 $0xFFFFFEF7, lr;
	s5 =	simm.s32 $0xFFFFFFFF;
	p2 =	slt.u32 s8, $0xFFFFF086  }
0x1c: {  	p1 =	slt.u32 s9, $0xF7A;
	s5 =	simm.s32 @!p2 $0x0  }
0x1d: {  	s5 =	simm.s32 @p1 $0x1;
	p0 =	seq.s32 s7, s2  }
0x1e: {  	s7 =	smul.u32 @!p0 $0xF7A, s2;
	p2 =	seq.s32 @!p0 s5, $0x0  }
0x1f: {  	s9 =	smul.u32 $0xF7A, s1;
	s8 =	simm.s32 @!p0 $0x1BF5;
	p2 =	por !p2, p0  }
0x20: {  	[sflag:s8] =	ssyncset.s32 @!p0 $0xFFFFF086;
	s6 =	sadd.s32 @!p0 s3, s7;
	s7 =	simm.s32 @!p0 $0x108  }
0x21: {  	s3 =	sadd.s32 s3, s9;
	s6 =	sadd.s32 @!p0 $0x88, s6;
	s7 =	simm.s32 @p2 $0x1082  }
0x22: {  	[simem:s7], [sflag:s8] =	dma.local @!p0 [hbm:s6], $0xF7A  }
0x23: {  	s9 =	sor.u32 $0xD0000000, s2;
	s6 =	simm.s32 $0x108;
	_ =	swait.ge @!p0 [sflag:s8], $0x0  }
0x24: {  	s3 =	sadd.s32 $0x88, s3;
	s6 =	simm.s32 @!p1 $0x1082;
	[sflag:s4] =	ssyncset.s32 $0xFFFFF086  }
0x25: {  	[simem:s6], [sflag:s4] =	dma.local [hbm:s3], $0xF7A  }
0x26: {  	[smem:$0x3F87] =	sst s1;
	(tag) =	ssettag s2;
	_ =	strace s9  }
0x27: {  	s1 =	sld [smem:$0x3F97]  }
0x28: {  	s2 =	sld [smem:$0x3F98]  }
0x29: {  	s4 =	sld [smem:$0x3F9A]  }
0x2a: {  	p0 =	seq.s32 s5, $0x0;
	s5 =	sld [smem:$0x3F9B]  }
0x2b: {  	s6 =	sld [smem:$0x3F9C]  }
0x2c: {  	s7 =	sld [smem:$0x3F9D]  }
0x2d: {  	s3 =	simm.s32 $0x108;
	s8 =	sld [smem:$0x3F9E]  }
0x2e: {  	s3 =	simm.s32 @!p0 $0x1082;
	s9 =	sld [smem:$0x3F9F]  }
0x2f: {  	lr =	sadd.s32 s0, s3;
	s0 =	sld [smem:$0x3F96]  }
0x30: {  	s3 =	sld [smem:$0x3F99]  }
0x31: {  	[smem:$0x3FA2] =	sst s10  }
0x32: {  	s10 =	sld [smem:$0x3FA0];
	_ =	sdelay $0x3  }
0x33: {  	p0 =	seq.s32 s10, $0x1;
	s10 =	sld [smem:$0x3FA2];
	_ =	sdelay $0x3  }
0x34: {  	[smem:$0x3FA2] =	sst s10  }
0x35: {  	s10 =	sld [smem:$0x3FA1];
	_ =	sdelay $0x3  }
0x36: {  	p1 =	seq.s32 s10, $0x1;
	s10 =	sld [smem:$0x3FA2];
	_ =	sdelay $0x3  }
0x37: {  	[smem:$0x3FA2] =	sst s10  }
0x38: {  	s10 =	sld [smem:$0x3FA3]  }
0x39: {  	_ = 	snop;
	(pc) =	sbr.ind lr, $3  }
0x3a: {  	_ = 	snop  }
0x3b: {  	_ = 	snop  }
0x3c: {  	p2 =	seq.s32 s10, $0x1;
	s10 =	sld [smem:$0x3FA2]  }
0x3d: {  	_ =	shalt  }
0x3e: {  	_ =	shalt  }
0x3f: {  	_ =	shalt  }
0x40: {  	_ =	shalt  }
0x41: {  	_ =	shalt  }
0x42: {  	_ =	shalt  }
0x43: {  	_ =	shalt  }
0x44: {  	_ =	shalt  }
0x45: {  	_ =	shalt  }
0x46: {  	_ =	shalt  }
0x47: {  	_ =	shalt  }
0x48: {  	_ =	shalt  }
0x49: {  	_ =	shalt  }
0x4a: {  	_ =	shalt  }
0x4b: {  	_ =	shalt  }
0x4c: {  	_ =	shalt  }
0x4d: {  	_ =	shalt  }
0x4e: {  	_ =	shalt  }
0x4f: {  	_ =	shalt  }
0x50: {  	_ =	shalt  }
0x51: {  	_ =	shalt  }
0x52: {  	_ =	shalt  }
0x53: {  	_ =	shalt  }
0x54: {  	_ =	shalt  }
0x55: {  	_ =	shalt  }
0x56: {  	_ =	shalt  }
0x57: {  	_ =	shalt  }
0x58: {  	_ =	shalt  }
0x59: {  	_ =	shalt  }
0x5a: {  	_ =	shalt  }
0x5b: {  	_ =	shalt  }
0x5c: {  	_ =	shalt  }
0x5d: {  	_ =	shalt  }
0x5e: {  	_ =	shalt  }
0x5f: {  	_ =	shalt  }
0x60: {  	_ =	shalt  }
0x61: {  	_ =	shalt  }
0x62: {  	_ =	shalt  }
0x63: {  	_ =	shalt  }
0x64: {  	_ =	shalt  }
0x65: {  	_ =	shalt  }
0x66: {  	_ =	shalt  }
0x67: {  	_ =	shalt  }
0x68: {  	_ =	shalt  }
0x69: {  	_ =	shalt  }
0x6a: {  	_ =	shalt  }
0x6b: {  	_ =	shalt  }
0x6c: {  	_ =	shalt  }
0x6d: {  	_ =	shalt  }
0x6e: {  	_ =	shalt  }
0x6f: {  	_ =	shalt  }
0x70: {  	_ =	shalt  }
0x71: {  	_ =	shalt  }
0x72: {  	_ =	shalt  }
0x73: {  	_ =	shalt  }
0x74: {  	_ =	shalt  }
0x75: {  	_ =	shalt  }
0x76: {  	_ =	shalt  }
0x77: {  	_ =	shalt  }
0x78: {  	_ =	shalt  }
0x79: {  	_ =	shalt  }
0x7a: {  	_ =	shalt  }
0x7b: {  	_ =	shalt  }
0x7c: {  	_ =	shalt  }
0x7d: {  	_ =	shalt  }
0x7e: {  	_ =	shalt  }
0x7f: {  	_ =	shalt  }
0x80: {  	_ =	shalt  }
0x81: {  	_ =	shalt  }
0x82: {  	_ =	shalt  }
0x83: {  	_ =	shalt  }
0x84: {  	_ =	shalt  }
0x85: {  	_ =	shalt  }
0x86: {  	_ =	shalt  }
0x87: {  	_ =	shalt  }
.Lfunc_end0:
.L_simem_size_0:
called_computation.1_lowered:
.L_overlay_start_0:
0x88: {  	s2 =	sld [smem:$0x3FD9]  }
0x89: {  	s3 =	sld [smem:$0x3FFE];
	_ =	sdelay $0x1  }
0x8a: {  	s1 =	srdreg.scid  }
0x8b: {  	s0 =	sand.u32 $0x1, s1  }
0x8c: {  	s16 =	sshll.u32 s0, $0xA;
	s2 =	sadd.s32 s3, s2  }
0x8d: {  	s2 =	sadd.s32 s2, s16  }
0x8e: {  	[smem:$0x3FAE] =	sst s2  }
0x8f: {  	_ = 	snop  }
0x90: {  	(tm) =	ssettm $0x1  }
0x91: {  	s17 =	sld [smem:$0x3FFB];
	_ =	sdelay $0x3  }
0x92: {  	_ =	strace s17  }
0x93: {  	s2 =	sld [smem:$0x3FFC];
	_ =	sdelay $0x3  }
0x94: {  	_ =	strace s2  }
0x95: {  	s2 =	sld [smem:$0x3FFD];
	_ =	sdelay $0x3  }
0x96: {  	_ =	strace s2  }
0x97: {  	_ =	strace $0x8FFFFFFF  }
0x98: {  	s18 =	sld [smem:$0x3FDB];
	_ =	sdelay $0x1  }
0x99: {  	s19 =	simm.s32 $_scs_section_size  }
0x9a: {  	s4 =	simm.s32 $_size__tile_overlayer_lowered;
	s5 =	simm.s32 $_tile_overlayer_lowered  }
0x9b: {  	s22 =	simm.s32 $0x1BFF;
	s21 =	sshll.u32 s5, $0x1;
	s2 =	sadd.s32 s19, s18  }
0x9c: {  	s6 =	simm.s32 $0x0;
	s20 =	sshll.u32 s4, $0x1;
	s4 =	sadd.s32 s21, s2  }
0x9d: {  	[timem:s6], [sflag:s22] =	dma.local [hbm:s4], s20  }
0x9e: {  	_ =	swait.ge [sflag:s22], s20  }
0x9f: {  	s3 =	ssub.s32 $0x0, s20;
	[sflag:s22] =	ssyncset.done $0x0  }
0xa0: {  	[sflag:s22] =	ssyncadd.s32 s3;
	_ =	sdelay $0x1  }
0xa1: {  	s23 =	simm.s32 $0x1B8B  }
0xa2: {  	_ =	swait.ge [sflag:s23], $0x1  }
0xa3: {  	[sflag:s23] =	ssyncset.done $0x0  }
0xa4: {  	s25 =	simm.s32 $0x1B8E;
	s24 =	sld [smem:$0x3FFE];
	[sflag:s23] =	ssyncadd.s32 $0xFFFFFFFF  }
0xa5: {  	s26 =	simm.s32 $execute0_lowered;
	[smem:$0x3FD2] =	sst s25  }
0xa6: {  	s4 =	sshll.u32 s26, $0x1;
	_ =	strace $0x80000049;
	[dreg:$0x1] =	wrdreg $0xFFFFFFFF  }
0xa7: {  	s28 =	simm.s32 $_size_execute0_lowered;
	s2 =	sadd.s32 s2, s4;
	[dreg:$0x0] =	wrdreg $0x0  }
0xa8: {  	s4 =	sshll.u32 s28, $0x1;
	[dreg:$0x2] =	wrdreg s2  }
0xa9: {  	[dreg:$0x3] =	wrdreg s4  }
0xaa: {  	[dreg:$0x4] =	wrdreg $0xC0  }
0xab: {  	_ =	task [dreg:s6], $0x5FFFF  }
0xac: {  	[dreg:$0x1] =	wrdreg $0xFFFFFFFF  }
0xad: {  	[dreg:$0x0] =	wrdreg $0x60  }
0xae: {  	[dreg:$0x2] =	wrdreg s24  }
0xaf: {  	[dreg:$0x3] =	wrdreg $0x41000  }
0xb0: {  	[dreg:$0x4] =	wrdreg $0x9  }
0xb1: {  	_ =	task.clear_ibuf [dreg:s6], $0x5FFFF;
	_ =	strace $0x90000049  }
0xb2: {  	s29 =	simm.s32 $0x9;
	_ =	strace $0x8000004B  }
0xb3: {  	_ =	swait.ge [sflag:s29], $0x1  }
0xb4: {  	[sflag:s29] =	ssyncadd.s32 $0xFFFFFFFF  }
0xb5: {  	_ =	strace $0x9000004B  }
0xb6: {  	_ =	sfence  }
0xb7: {  	s30 =	sld [smem:$0x0];
	_ =	sdelay $0x2  }
0xb8: {  	s31 =	sshll.u32 s1, $0xD;
	s1 =	sshrl.u32 s1, $0x2  }
0xb9: {  	s3 =	sand.u32 $0x4000, s31;
	s1 =	sadd.s32 s1, s30  }
0xba: {  	s0 =	sor.u32 s3, s0;
	s1 =	sshll.u32 s1, $0x11  }
0xbb: {  	s0 =	sor.u32 s1, s0  }
0xbc: {  	s0 =	sadd.s32 $0x8F2B, s0  }
0xbd: {  	[sflag:s0] =	ssyncadd.remote.s32 $0x1  }
0xbe: {  	_ =	sfence.sel $0xFFFF  }
0xbf: {  	[dreg:$0x0] =	wrdreg $0xFFFFFFFF;
	(pc) =	sbr.abs _section_cstart, $3  }
0xc0: {  	[dreg:$0x1] =	wrdreg $0xFFFFFFFF  }
0xc1: {  	_ =	task.clear_ibuf [dreg:s6], $0x2FFFF;
	_ =	strace $0x9FFFFFFF  }
0xc2: {  	(tm) =	ssettm $0x7FFFFFFF  }
0xc3: {  	_ =	shalt  }
tec
execute0_lowered:
.L_overlay_start_1:
0x0: {  	(tag) =	ssettag $0x1  }
0x1: {  	s5 =	rddreg [dreg:$0x0]  }
0x2: {  	s0 =	srdreg.scid;
	s2 =	rddreg [dreg:$0x1]  }
0x3: {  	s1 =	rddreg [dreg:$0x2];
	s4 =	sand.u32 $0x1, s0  }
0x4: {  	s0 =	stileid.u32;
	s6 =	smul.u32 $0x27800, s4  }
0x5: {  	s3 =	simm.s32 $0x0;
	s13 =	simm.s32 $0x80;
	s7 =	smul.u32 $0x2780, s0  }
0x6: {  	s14 =	simm.s32 $0x100;
	s15 =	simm.s32 $0x1;
	s24 =	smul.u32 $0x14000, s0  }
0x7: {  	s16 =	simm.s32 $0x0;
	[smem:$0x7FF] =	sst s3;
	s8 =	smul.u32 $0x140000, s4  }
0x8: {  	_ =	strace $0x8000004A;
	s26 =	ssub.s32 $0x2, s4;
	s9 =	smul.u32 $0x50000, s0  }
0x9: {  	s4 =	sadd.s32 $0x1AA00, s5;
	s31 =	sshll.u32 s0, $0x6;
	s11 =	sshrl.u32 s26, $0x1  }
0xa: {  	s6 =	sadd.s32 s7, s6;
	s25 =	sadd.s32 s24, s8;
	s8 =	ssub.s32 s26, s11  }
0xb: {  	s28 =	sshrl.u32 s9, $0x2;
	s30 =	sshrl.u32 s24, $0x3;
	s6 =	sshrl.u32 s6, $0x3  }
0xc: {  	s29 =	sadd.s32 s28, s2;
	s10 =	sadd.s32 s6, s5;
	s6 =	sshrl.u32 s25, $0x3  }
0xd: {  	s8 =	smax.u32 s8, $0x1;
	s11 =	sshrl.u32 s29, $0x3;
	s12 =	sadd.s32 s6, s5  }
0xe: {  	s5 =	sadd.s32 s4, s30;
	s6 =	sor.u32 $0x1C02, s31;
	s9 =	sadd.s32 $0x6E00, s10  }
0xf: {  	s10 =	sadd.s32 $0x10C00, s10;
	s7 =	sadd.s32 $0x42A00, s12;
	s12 =	simm.s32 $0x2  }
.LBB2_1:
0x10: {  	[spmem:s11], [sflag:s6] =	dma.local [hbm:s5], $0x2800  }
0x11: {  	_ =	swait.ge [sflag:s12], $0x2800  }
0x12: {  	[sflag:s12] =	ssyncset.done $0x0  }
0x13: {  	[sflag:s12] =	ssyncadd.s32 $0xFFFFD800  }
0x14: {  	s17 =	sadd.s32 $0x0, s10;
	[bflag:$0x0] =	sbarrier.arrive $0xFFFF  }
0x15: {  	[tilespmem:s3], [sflag:$0x2] =	stream.linear.gather [hbm4b:s17+s3], $0x80, $0x38;
	[tilespmem:$0x18100] =	vst v63  }
0x16: {  	_ =	swait.ge [sflag:s12], $0x80  }
0x17: {  	[sflag:s12] =	ssyncset.done $0x0  }
0x18: {  	s31 =	sadd.s32 $0x0, s9;
	[sflag:s12] =	ssyncadd.s32 $0xFFFFFF80  }
0x19: {  	[tilespmem:s13], [sflag:$0x2] =	stream.linear.gather [hbm4b:s31+s3], $0x80, $0x38;
	[tilespmem:$0x18100] =	vst v63  }
0x1a: {  	_ =	swait.ge [sflag:s12], $0x80  }
0x1b: {  	[sflag:s12] =	ssyncset.done $0x0  }
0x1c: {  	[sflag:s12] =	ssyncadd.s32 $0xFFFFFF80  }
0x1d: {  	[tilespmem:s14], [sflag:$0x1] =	stream.indirect.gather [hbm4b:s4+s13], $0x80, s3, s13, $0xb8;
	[tilespmem:$0x18100] =	vst v63  }
0x1e: {  	_ =	swait.ge [sflag:s15], $0x4000  }
0x1f: {  	[sflag:s15] =	ssyncset.done $0x0  }
0x20: {  	[sflag:s15] =	ssyncadd.s32 $0xFFFFC000  }
0x21: {  	[spmem:s2] =	stream.indirect.scatter.add.f32 [tilespmem:s14], [sflag:$0x2], $0x80, s13, s13, $0xb8;
	[tilespmem:$0x18100] =	vst v63  }
0x22: {  	_ =	swait.ge [sflag:s12], $0x4000  }
0x23: {  	s18 =	simm.s32 $0x20;
	s17 =	simm.s32 $0x10;
	[sflag:s12] =	ssyncset.done $0x0  }
.LBB2_2:
0x24: {  	s19 =	sadd.s32 s17, s10  }
0x25: {  	[sflag:s12] =	ssyncadd.s32 $0xFFFFC000;
	s20 =	smov.u32 s18;
	s21 =	sadd.s32 $0x10, s18  }
0x26: {  	[tilespmem:s3], [sflag:$0x2] =	stream.linear.gather [hbm4b:s19+s3], $0x80, $0x38;
	[tilespmem:$0x18100] =	vst v63  }
0x27: {  	p0 =	sne.s32 s18, $0x4E0;
	_ =	swait.ge [sflag:s12], $0x80  }
0x28: {  	[sflag:s12] =	ssyncset.done $0x0  }
0x29: {  	s18 =	sadd.s32 s17, s9;
	s17 =	smov.u32 s20;
	[sflag:s12] =	ssyncadd.s32 $0xFFFFFF80  }
0x2a: {  	[tilespmem:s13], [sflag:$0x2] =	stream.linear.gather [hbm4b:s18+s3], $0x80, $0x38;
	[tilespmem:$0x18100] =	vst v63  }
0x2b: {  	_ =	swait.ge [sflag:s12], $0x80  }
0x2c: {  	[sflag:s12] =	ssyncset.done $0x0  }
0x2d: {  	[sflag:s12] =	ssyncadd.s32 $0xFFFFFF80  }
0x2e: {  	[tilespmem:s14], [sflag:$0x1] =	stream.indirect.gather [hbm4b:s4+s13], $0x80, s3, s13, $0xb8;
	[tilespmem:$0x18100] =	vst v63  }
0x2f: {  	_ =	swait.ge [sflag:s15], $0x4000  }
.Ltmp0:
0x30: {  	[sflag:s15] =	ssyncset.done $0x0;
	(pc) =	sbr.rel @p0 .LBB2_2-.Ltmp0, $4  }
0x31: {  	[sflag:s15] =	ssyncadd.s32 $0xFFFFC000  }
0x32: {  	[spmem:s2] =	stream.indirect.scatter.add.f32 [tilespmem:s14], [sflag:$0x2], $0x80, s13, s13, $0xb8;
	[tilespmem:$0x18100] =	vst v63  }
0x33: {  	_ =	swait.ge [sflag:s12], $0x4000  }
0x34: {  	s18 =	smov.u32 s21;
	[sflag:s12] =	ssyncset.done $0x0  }
0x35: {  	s18 =	sadd.s32 s17, s10;
	[sflag:s12] =	ssyncadd.s32 $0xFFFFC000  }
0x36: {  	[tilespmem:s3], [sflag:$0x2] =	stream.linear.gather [hbm4b:s18+s3], $0x80, $0x38;
	[tilespmem:$0x18100] =	vst v63  }
0x37: {  	_ =	swait.ge [sflag:s12], $0x80  }
0x38: {  	[sflag:s12] =	ssyncset.done $0x0  }
0x39: {  	s31 =	sadd.s32 s17, s9;
	[sflag:s12] =	ssyncadd.s32 $0xFFFFFF80  }
0x3a: {  	[tilespmem:s13], [sflag:$0x2] =	stream.linear.gather [hbm4b:s31+s3], $0x80, $0x38;
	[tilespmem:$0x18100] =	vst v63  }
0x3b: {  	_ =	swait.ge [sflag:s12], $0x80  }
0x3c: {  	[sflag:s12] =	ssyncset.done $0x0  }
0x3d: {  	[sflag:s12] =	ssyncadd.s32 $0xFFFFFF80  }
0x3e: {  	[tilespmem:s14], [sflag:$0x1] =	stream.indirect.gather [hbm4b:s4+s13], $0x80, s3, s13, $0xb8;
	[tilespmem:$0x18100] =	vst v63  }
0x3f: {  	_ =	swait.ge [sflag:s15], $0x4000  }
0x40: {  	[sflag:s15] =	ssyncset.done $0x0  }
0x41: {  	[sflag:s15] =	ssyncadd.s32 $0xFFFFC000  }
0x42: {  	[spmem:s2] =	stream.indirect.scatter.add.f32 [tilespmem:s14], [sflag:$0x2], $0x80, s13, s13, $0xb8;
	[tilespmem:$0x18100] =	vst v63  }
0x43: {  	_ =	swait.ge [sflag:s12], $0x4000  }
0x44: {  	[sflag:s12] =	ssyncset.done $0x0  }
0x45: {  	s16 =	sadd.s32 $0x1, s16;
	[sflag:s12] =	ssyncadd.s32 $0xFFFFC000  }
0x46: {  	p0 =	sne.s32 s16, s8;
	[bflag:$0x0] =	sbarrier.arrive $0xFFFF  }
0x47: {  	[hbm:s7], [sflag:s6] =	dma.local [spmem:s11], $0x2800  }
.Ltmp1:
0x48: {  	_ =	swait.ge [sflag:s12], $0x2800;
	(pc) =	sbr.rel @p0 .LBB2_1-.Ltmp1, $3  }
0x49: {  	[sflag:s12] =	ssyncset.done $0x0  }
0x4a: {  	[sflag:s12] =	ssyncadd.s32 $0xFFFFD800  }
0x4b: {  	[bflag:$0x0] =	sbarrier.arrive $0xFFFF;
	_ =	sdelay $0x1  }
0x4c: {  	_ =	sfence.sel $0x180000  }
0x4d: {  	[bflag:$0x0] =	sbarrier.arrive $0xFFFF  }
0x4e: {  	p0 =	sne.s32 s0, $0x0;
	_ =	strace $0x9000004A  }
0x4f: {  	s0 =	sadd.s32 @!p0 $0x100000, s1;
	[bflag:$0x2] =	sbarrier.arrive $0xFFFF  }
0x50: {  	[sflag:s0] =	ssyncadd.tile.s32 @!p0 $0x1;
	_ =	shalt  }
.Lfunc_end2:
_tile_overlayer_lowered:
.L_overlay_start_2:
0x51: {  	(tag) =	ssettag $0x2  }
0x52: {  	s0 =	rddreg [dreg:$0x0];
	s2 =	stileid.u32  }
0x53: {  	s1 =	rddreg [dreg:$0x1];
	p0 =	sne.s32 s2, $0x0  }
0x54: {  	s3 =	rddreg [dreg:$0x2];
	[bflag:$0x3] =	sbarrier.arrive $0xFFFF;
	s2 =	simm.s32 @!p0 $0x1C02  }
0x55: {  	[timem:s3], [sflag:s2] =	dma.local @!p0 [hbm:s0], s1  }
0x56: {  	s0 =	simm.s32 @!p0 $0x2  }
0x57: {  	_ =	swait.ge @!p0 [sflag:s0], s1  }
0x58: {  	s1 =	ssub.s32 @!p0 $0x0, s1;
	[sflag:s0] =	ssyncset.done @!p0 $0x0  }
0x59: {  	[sflag:s0] =	ssyncadd.s32 @!p0 s1  }
0x5a: {  	[bflag:$0x3] =	sbarrier.arrive $0xFFFF  }
0x5b: {  	_ =	shalt  }

// kernel: kernel.16.cloned.1.call-start
scs
__scs_entry_jumppad:
0x0: {  	(pc) =	sbr.rel $0x88, $3  }
0x1: {  	(tag) =	ssettag $0x0;
	lr =	simm.s32 $0x1  }
0x2: {  	[smem:$0x3F87] =	sst lr;
	_ =	strace $0xD0000000  }
0x3: {  	_ = 	snop  }
0x4: {  	_ = 	snop  }
0x5: {  	_ = 	snop  }
0x6: {  	_ = 	snop  }
0x7: {  	_ = 	snop  }
__scs_overlays_trampoline_lowered:
0x8: {  	[smem:$0x3F96] =	sst s0  }
0x9: {  	[smem:$0x3F97] =	sst s1  }
0xa: {  	[smem:$0x3F98] =	sst s2  }
0xb: {  	[smem:$0x3F99] =	sst s3  }
0xc: {  	[smem:$0x3F9A] =	sst s4  }
0xd: {  	[smem:$0x3F9B] =	sst s5  }
0xe: {  	[smem:$0x3F9C] =	sst s6  }
0xf: {  	[smem:$0x3F9D] =	sst s7  }
0x10: {  	[smem:$0x3F9E] =	sst s8  }
0x11: {  	[smem:$0x3F9F] =	sst s9;
	s0 =	simm.s32 @!p0 $0x0  }
0x12: {  	s1 =	sld [smem:$0x3F85];
	s0 =	simm.s32 @p0 $0x1  }
0x13: {  	[smem:$0x3FA0] =	sst s0;
	s0 =	simm.s32 @!p1 $0x0  }
0x14: {  	s2 =	sld [smem:$0x3F84];
	s0 =	simm.s32 @p1 $0x1  }
0x15: {  	[smem:$0x3FA1] =	sst s0;
	s0 =	simm.s32 @!p2 $0x0  }
0x16: {  	s3 =	sld [smem:$0x3FDB];
	s0 =	simm.s32 @p2 $0x1  }
0x17: {  	s4 =	simm.s32 $0x1BF5;
	[smem:$0x3FA3] =	sst s0  }
0x18: {  	s0 =	sld [smem:$0x3F86];
	_ =	swait.ge [sflag:s4], $0x0  }
0x19: {  	s7 =	sld [smem:$0x3F87]  }
0x1a: {  	s8 =	sadd.s32 $0xFFFFE003, lr  }
0x1b: {  	s9 =	sadd.s32 $0xFFFFFEF7, lr;
	s5 =	simm.s32 $0xFFFFFFFF;
	p2 =	slt.u32 s8, $0xFFFFF086  }
0x1c: {  	p1 =	slt.u32 s9, $0xF7A;
	s5 =	simm.s32 @!p2 $0x0  }
0x1d: {  	s5 =	simm.s32 @p1 $0x1;
	p0 =	seq.s32 s7, s2  }
0x1e: {  	s7 =	smul.u32 @!p0 $0xF7A, s2;
	p2 =	seq.s32 @!p0 s5, $0x0  }
0x1f: {  	s9 =	smul.u32 $0xF7A, s1;
	s8 =	simm.s32 @!p0 $0x1BF5;
	p2 =	por !p2, p0  }
0x20: {  	[sflag:s8] =	ssyncset.s32 @!p0 $0xFFFFF086;
	s6 =	sadd.s32 @!p0 s3, s7;
	s7 =	simm.s32 @!p0 $0x108  }
0x21: {  	s3 =	sadd.s32 s3, s9;
	s6 =	sadd.s32 @!p0 $0x88, s6;
	s7 =	simm.s32 @p2 $0x1082  }
0x22: {  	[simem:s7], [sflag:s8] =	dma.local @!p0 [hbm:s6], $0xF7A  }
0x23: {  	s9 =	sor.u32 $0xD0000000, s2;
	s6 =	simm.s32 $0x108;
	_ =	swait.ge @!p0 [sflag:s8], $0x0  }
0x24: {  	s3 =	sadd.s32 $0x88, s3;
	s6 =	simm.s32 @!p1 $0x1082;
	[sflag:s4] =	ssyncset.s32 $0xFFFFF086  }
0x25: {  	[simem:s6], [sflag:s4] =	dma.local [hbm:s3], $0xF7A  }
0x26: {  	[smem:$0x3F87] =	sst s1;
	(tag) =	ssettag s2;
	_ =	strace s9  }
0x27: {  	s1 =	sld [smem:$0x3F97]  }
0x28: {  	s2 =	sld [smem:$0x3F98]  }
0x29: {  	s4 =	sld [smem:$0x3F9A]  }
0x2a: {  	p0 =	seq.s32 s5, $0x0;
	s5 =	sld [smem:$0x3F9B]  }
0x2b: {  	s6 =	sld [smem:$0x3F9C]  }
0x2c: {  	s7 =	sld [smem:$0x3F9D]  }
0x2d: {  	s3 =	simm.s32 $0x108;
	s8 =	sld [smem:$0x3F9E]  }
0x2e: {  	s3 =	simm.s32 @!p0 $0x1082;
	s9 =	sld [smem:$0x3F9F]  }
0x2f: {  	lr =	sadd.s32 s0, s3;
	s0 =	sld [smem:$0x3F96]  }
0x30: {  	s3 =	sld [smem:$0x3F99]  }
0x31: {  	[smem:$0x3FA2] =	sst s10  }
0x32: {  	s10 =	sld [smem:$0x3FA0];
	_ =	sdelay $0x3  }
0x33: {  	p0 =	seq.s32 s10, $0x1;
	s10 =	sld [smem:$0x3FA2];
	_ =	sdelay $0x3  }
0x34: {  	[smem:$0x3FA2] =	sst s10  }
0x35: {  	s10 =	sld [smem:$0x3FA1];
	_ =	sdelay $0x3  }
0x36: {  	p1 =	seq.s32 s10, $0x1;
	s10 =	sld [smem:$0x3FA2];
	_ =	sdelay $0x3  }
0x37: {  	[smem:$0x3FA2] =	sst s10  }
0x38: {  	s10 =	sld [smem:$0x3FA3]  }
0x39: {  	_ = 	snop;
	(pc) =	sbr.ind lr, $3  }
0x3a: {  	_ = 	snop  }
0x3b: {  	_ = 	snop  }
0x3c: {  	p2 =	seq.s32 s10, $0x1;
	s10 =	sld [smem:$0x3FA2]  }
0x3d: {  	_ =	shalt  }
0x3e: {  	_ =	shalt  }
0x3f: {  	_ =	shalt  }
0x40: {  	_ =	shalt  }
0x41: {  	_ =	shalt  }
0x42: {  	_ =	shalt  }
0x43: {  	_ =	shalt  }
0x44: {  	_ =	shalt  }
0x45: {  	_ =	shalt  }
0x46: {  	_ =	shalt  }
0x47: {  	_ =	shalt  }
0x48: {  	_ =	shalt  }
0x49: {  	_ =	shalt  }
0x4a: {  	_ =	shalt  }
0x4b: {  	_ =	shalt  }
0x4c: {  	_ =	shalt  }
0x4d: {  	_ =	shalt  }
0x4e: {  	_ =	shalt  }
0x4f: {  	_ =	shalt  }
0x50: {  	_ =	shalt  }
0x51: {  	_ =	shalt  }
0x52: {  	_ =	shalt  }
0x53: {  	_ =	shalt  }
0x54: {  	_ =	shalt  }
0x55: {  	_ =	shalt  }
0x56: {  	_ =	shalt  }
0x57: {  	_ =	shalt  }
0x58: {  	_ =	shalt  }
0x59: {  	_ =	shalt  }
0x5a: {  	_ =	shalt  }
0x5b: {  	_ =	shalt  }
0x5c: {  	_ =	shalt  }
0x5d: {  	_ =	shalt  }
0x5e: {  	_ =	shalt  }
0x5f: {  	_ =	shalt  }
0x60: {  	_ =	shalt  }
0x61: {  	_ =	shalt  }
0x62: {  	_ =	shalt  }
0x63: {  	_ =	shalt  }
0x64: {  	_ =	shalt  }
0x65: {  	_ =	shalt  }
0x66: {  	_ =	shalt  }
0x67: {  	_ =	shalt  }
0x68: {  	_ =	shalt  }
0x69: {  	_ =	shalt  }
0x6a: {  	_ =	shalt  }
0x6b: {  	_ =	shalt  }
0x6c: {  	_ =	shalt  }
0x6d: {  	_ =	shalt  }
0x6e: {  	_ =	shalt  }
0x6f: {  	_ =	shalt  }
0x70: {  	_ =	shalt  }
0x71: {  	_ =	shalt  }
0x72: {  	_ =	shalt  }
0x73: {  	_ =	shalt  }
0x74: {  	_ =	shalt  }
0x75: {  	_ =	shalt  }
0x76: {  	_ =	shalt  }
0x77: {  	_ =	shalt  }
0x78: {  	_ =	shalt  }
0x79: {  	_ =	shalt  }
0x7a: {  	_ =	shalt  }
0x7b: {  	_ =	shalt  }
0x7c: {  	_ =	shalt  }
0x7d: {  	_ =	shalt  }
0x7e: {  	_ =	shalt  }
0x7f: {  	_ =	shalt  }
0x80: {  	_ =	shalt  }
0x81: {  	_ =	shalt  }
0x82: {  	_ =	shalt  }
0x83: {  	_ =	shalt  }
0x84: {  	_ =	shalt  }
0x85: {  	_ =	shalt  }
0x86: {  	_ =	shalt  }
0x87: {  	_ =	shalt  }
.Lfunc_end0:
.L_simem_size_0:
called_computation.2_lowered:
.L_overlay_start_0:
0x88: {  	s2 =	sld [smem:$0x3FD9]  }
0x89: {  	s3 =	sld [smem:$0x3FFE];
	_ =	sdelay $0x1  }
0x8a: {  	s1 =	srdreg.scid  }
0x8b: {  	s0 =	sand.u32 $0x1, s1  }
0x8c: {  	s16 =	sshll.u32 s0, $0xA;
	s2 =	sadd.s32 s3, s2  }
0x8d: {  	s2 =	sadd.s32 s2, s16  }
0x8e: {  	[smem:$0x3FAE] =	sst s2  }
0x8f: {  	_ = 	snop  }
0x90: {  	(tm) =	ssettm $0x1  }
0x91: {  	s17 =	sld [smem:$0x3FFB];
	_ =	sdelay $0x3  }
0x92: {  	_ =	strace s17  }
0x93: {  	s2 =	sld [smem:$0x3FFC];
	_ =	sdelay $0x3  }
0x94: {  	_ =	strace s2  }
0x95: {  	s2 =	sld [smem:$0x3FFD];
	_ =	sdelay $0x3  }
0x96: {  	_ =	strace s2  }
0x97: {  	_ =	strace $0x8FFFFFFF  }
0x98: {  	s18 =	sld [smem:$0x3FDB];
	_ =	sdelay $0x1  }
0x99: {  	s19 =	simm.s32 $_scs_section_size  }
0x9a: {  	s4 =	simm.s32 $_size__tile_overlayer_lowered;
	s5 =	simm.s32 $_tile_overlayer_lowered  }
0x9b: {  	s22 =	simm.s32 $0x1BFF;
	s21 =	sshll.u32 s5, $0x1;
	s2 =	sadd.s32 s19, s18  }
0x9c: {  	s6 =	simm.s32 $0x0;
	s20 =	sshll.u32 s4, $0x1;
	s4 =	sadd.s32 s21, s2  }
0x9d: {  	[timem:s6], [sflag:s22] =	dma.local [hbm:s4], s20  }
0x9e: {  	_ =	swait.ge [sflag:s22], s20  }
0x9f: {  	s3 =	ssub.s32 $0x0, s20;
	[sflag:s22] =	ssyncset.done $0x0  }
0xa0: {  	[sflag:s22] =	ssyncadd.s32 s3;
	_ =	sdelay $0x1  }
0xa1: {  	s23 =	simm.s32 $0x1B8B  }
0xa2: {  	_ =	swait.ge [sflag:s23], $0x1  }
0xa3: {  	[sflag:s23] =	ssyncset.done $0x0  }
0xa4: {  	s25 =	simm.s32 $0x1B8E;
	s24 =	sld [smem:$0x3FFE];
	[sflag:s23] =	ssyncadd.s32 $0xFFFFFFFF  }
0xa5: {  	s26 =	simm.s32 $execute0_lowered;
	[smem:$0x3FD2] =	sst s25  }
0xa6: {  	s4 =	sshll.u32 s26, $0x1;
	_ =	strace $0x8000004C;
	[dreg:$0x1] =	wrdreg $0xFFFFFFFF  }
0xa7: {  	s28 =	simm.s32 $_size_execute0_lowered;
	s2 =	sadd.s32 s2, s4;
	[dreg:$0x0] =	wrdreg $0x0  }
0xa8: {  	s4 =	sshll.u32 s28, $0x1;
	[dreg:$0x2] =	wrdreg s2  }
0xa9: {  	[dreg:$0x3] =	wrdreg s4  }
0xaa: {  	[dreg:$0x4] =	wrdreg $0xC0  }
0xab: {  	_ =	task [dreg:s6], $0x5FFFF  }
0xac: {  	[dreg:$0x1] =	wrdreg $0xFFFFFFFF  }
0xad: {  	[dreg:$0x0] =	wrdreg $0x60  }
0xae: {  	[dreg:$0x2] =	wrdreg s24  }
0xaf: {  	[dreg:$0x3] =	wrdreg $0x41800  }
0xb0: {  	[dreg:$0x4] =	wrdreg $0x9  }
0xb1: {  	_ =	task.clear_ibuf [dreg:s6], $0x5FFFF;
	_ =	strace $0x9000004C  }
0xb2: {  	s29 =	simm.s32 $0x9;
	_ =	strace $0x8000004E  }
0xb3: {  	_ =	swait.ge [sflag:s29], $0x1  }
0xb4: {  	[sflag:s29] =	ssyncadd.s32 $0xFFFFFFFF  }
0xb5: {  	_ =	strace $0x9000004E  }
0xb6: {  	_ =	sfence  }
0xb7: {  	s30 =	sld [smem:$0x0];
	_ =	sdelay $0x2  }
0xb8: {  	s31 =	sshll.u32 s1, $0xD;
	s1 =	sshrl.u32 s1, $0x2  }
0xb9: {  	s3 =	sand.u32 $0x4000, s31;
	s1 =	sadd.s32 s1, s30  }
0xba: {  	s0 =	sor.u32 s3, s0;
	s1 =	sshll.u32 s1, $0x11  }
0xbb: {  	s0 =	sor.u32 s1, s0  }
0xbc: {  	s0 =	sadd.s32 $0x8F2B, s0  }
0xbd: {  	[sflag:s0] =	ssyncadd.remote.s32 $0x1  }
0xbe: {  	_ =	sfence.sel $0xFFFF  }
0xbf: {  	[dreg:$0x0] =	wrdreg $0xFFFFFFFF;
	(pc) =	sbr.abs _section_cstart, $3  }
0xc0: {  	[dreg:$0x1] =	wrdreg $0xFFFFFFFF  }
0xc1: {  	_ =	task.clear_ibuf [dreg:s6], $0x2FFFF;
	_ =	strace $0x9FFFFFFF  }
0xc2: {  	(tm) =	ssettm $0x7FFFFFFF  }
0xc3: {  	_ =	shalt  }
tec
execute0_lowered:
.L_overlay_start_1:
0x0: {  	(tag) =	ssettag $0x1  }
0x1: {  	s5 =	rddreg [dreg:$0x0]  }
0x2: {  	s2 =	rddreg [dreg:$0x1]  }
0x3: {  	s0 =	srdreg.scid;
	s1 =	rddreg [dreg:$0x2]  }
0x4: {  	s3 =	simm.s32 $0x0;
	s14 =	simm.s32 $0x2;
	s4 =	sand.u32 $0x1, s0  }
0x5: {  	s15 =	simm.s32 $0x80;
	s0 =	stileid.u32;
	s6 =	smul.u32 $0x27800, s4  }
0x6: {  	s16 =	simm.s32 $0x180;
	s17 =	simm.s32 $0x1;
	s7 =	smul.u32 $0x2780, s0  }
0x7: {  	s18 =	simm.s32 $0x100;
	[smem:$0x7FF] =	sst s3;
	s25 =	smul.u32 $0x14000, s0  }
0x8: {  	s19 =	simm.s32 $0x0;
	s8 =	smul.u32 $0x280000, s4;
	_ =	strace $0x8000004D  }
0x9: {  	s28 =	ssub.s32 $0x2, s4;
	s9 =	smul.u32 $0x50000, s0;
	s4 =	sadd.s32 $0x92A00, s5  }
0xa: {  	s31 =	sshll.u32 s0, $0x6;
	s10 =	sshrl.u32 s28, $0x1;
	s6 =	sadd.s32 s7, s6  }
0xb: {  	s26 =	sadd.s32 s25, s8;
	s10 =	ssub.s32 s28, s10;
	s29 =	sshrl.u32 s9, $0x2  }
0xc: {  	s30 =	sshrl.u32 s25, $0x3;
	s6 =	sshrl.u32 s6, $0x3;
	s13 =	sadd.s32 s29, s2  }
0xd: {  	s10 =	smax.u32 s10, $0x1;
	s12 =	sadd.s32 s6, s5;
	s6 =	sshrl.u32 s26, $0x3  }
0xe: {  	s13 =	sshrl.u32 s13, $0x3;
	s11 =	sadd.s32 s6, s5;
	s5 =	sadd.s32 s4, s30  }
0xf: {  	s6 =	sor.u32 $0x1C02, s31;
	s7 =	sadd.s32 $0xE2A00, s11;
	s8 =	sadd.s32 $0x28000, s5  }
0x10: {  	s9 =	sadd.s32 $0x10AA00, s11;
	s11 =	sadd.s32 $0x6E00, s12;
	s12 =	sadd.s32 $0x10C00, s12  }
.LBB2_1:
0x11: {  	[spmem:s13], [sflag:s6] =	dma.local [hbm:s5], $0x2800  }
0x12: {  	_ =	swait.ge [sflag:s14], $0x2800  }
0x13: {  	[sflag:s14] =	ssyncset.done $0x0  }
0x14: {  	[sflag:s14] =	ssyncadd.s32 $0xFFFFD800  }
0x15: {  	s20 =	sadd.s32 $0x0, s12;
	[bflag:$0x0] =	sbarrier.arrive $0xFFFF  }
0x16: {  	[tilespmem:s3], [sflag:$0x2] =	stream.linear.gather [hbm4b:s20+s3], $0x80, $0x38;
	[tilespmem:$0x18180] =	vst v63  }
0x17: {  	_ =	swait.ge [sflag:s14], $0x80  }
0x18: {  	[sflag:s14] =	ssyncset.done $0x0  }
0x19: {  	s31 =	sadd.s32 $0x0, s11;
	[sflag:s14] =	ssyncadd.s32 $0xFFFFFF80  }
0x1a: {  	[tilespmem:s15], [sflag:$0x2] =	stream.linear.gather [hbm4b:s31+s3], $0x80, $0x38;
	[tilespmem:$0x18180] =	vst v63  }
0x1b: {  	_ =	swait.ge [sflag:s14], $0x80  }
0x1c: {  	[sflag:s14] =	ssyncset.done $0x0  }
0x1d: {  	[sflag:s14] =	ssyncadd.s32 $0xFFFFFF80  }
0x1e: {  	[tilespmem:s16], [sflag:$0x1] =	stream.indirect.gather [hbm4b:s4+s15], $0x80, s3, s15, $0xb8;
	[tilespmem:$0x18180] =	vst v63  }
0x1f: {  	_ =	swait.ge [sflag:s17], $0x4000  }
0x20: {  	[sflag:s17] =	ssyncset.done $0x0  }
0x21: {  	[sflag:s17] =	ssyncadd.s32 $0xFFFFC000  }
0x22: {  	[spmem:s2] =	stream.indirect.scatter.add.f32 [tilespmem:s16], [sflag:$0x2], $0x80, s15, s15, $0xb8;
	[tilespmem:$0x18180] =	vst v63  }
0x23: {  	_ =	swait.ge [sflag:s14], $0x4000  }
0x24: {  	s21 =	simm.s32 $0x20;
	s20 =	simm.s32 $0x10;
	[sflag:s14] =	ssyncset.done $0x0  }
.LBB2_2:
0x25: {  	s22 =	sadd.s32 s20, s12  }
0x26: {  	[sflag:s14] =	ssyncadd.s32 $0xFFFFC000;
	s23 =	smov.u32 s21;
	s24 =	sadd.s32 $0x10, s21  }
0x27: {  	[tilespmem:s3], [sflag:$0x2] =	stream.linear.gather [hbm4b:s22+s3], $0x80, $0x38;
	[tilespmem:$0x18180] =	vst v63  }
0x28: {  	p0 =	sne.s32 s21, $0x4E0;
	_ =	swait.ge [sflag:s14], $0x80  }
0x29: {  	[sflag:s14] =	ssyncset.done $0x0  }
0x2a: {  	s21 =	sadd.s32 s20, s11;
	s20 =	smov.u32 s23;
	[sflag:s14] =	ssyncadd.s32 $0xFFFFFF80  }
0x2b: {  	[tilespmem:s15], [sflag:$0x2] =	stream.linear.gather [hbm4b:s21+s3], $0x80, $0x38;
	[tilespmem:$0x18180] =	vst v63  }
0x2c: {  	_ =	swait.ge [sflag:s14], $0x80  }
0x2d: {  	[sflag:s14] =	ssyncset.done $0x0  }
0x2e: {  	[sflag:s14] =	ssyncadd.s32 $0xFFFFFF80  }
0x2f: {  	[tilespmem:s16], [sflag:$0x1] =	stream.indirect.gather [hbm4b:s4+s15], $0x80, s3, s15, $0xb8;
	[tilespmem:$0x18180] =	vst v63  }
0x30: {  	_ =	swait.ge [sflag:s17], $0x4000  }
.Ltmp0:
0x31: {  	[sflag:s17] =	ssyncset.done $0x0;
	(pc) =	sbr.rel @p0 .LBB2_2-.Ltmp0, $4  }
0x32: {  	[sflag:s17] =	ssyncadd.s32 $0xFFFFC000  }
0x33: {  	[spmem:s2] =	stream.indirect.scatter.add.f32 [tilespmem:s16], [sflag:$0x2], $0x80, s15, s15, $0xb8;
	[tilespmem:$0x18180] =	vst v63  }
0x34: {  	_ =	swait.ge [sflag:s14], $0x4000  }
0x35: {  	s21 =	smov.u32 s24;
	[sflag:s14] =	ssyncset.done $0x0  }
0x36: {  	s21 =	sadd.s32 s20, s12;
	[sflag:s14] =	ssyncadd.s32 $0xFFFFC000  }
0x37: {  	[tilespmem:s3], [sflag:$0x2] =	stream.linear.gather [hbm4b:s21+s3], $0x80, $0x38;
	[tilespmem:$0x18180] =	vst v63  }
0x38: {  	_ =	swait.ge [sflag:s14], $0x80  }
0x39: {  	[sflag:s14] =	ssyncset.done $0x0  }
0x3a: {  	s29 =	sadd.s32 s20, s11;
	[sflag:s14] =	ssyncadd.s32 $0xFFFFFF80  }
0x3b: {  	[tilespmem:s15], [sflag:$0x2] =	stream.linear.gather [hbm4b:s29+s3], $0x80, $0x38;
	[tilespmem:$0x18180] =	vst v63  }
0x3c: {  	_ =	swait.ge [sflag:s14], $0x80  }
0x3d: {  	[sflag:s14] =	ssyncset.done $0x0  }
0x3e: {  	[sflag:s14] =	ssyncadd.s32 $0xFFFFFF80  }
0x3f: {  	[tilespmem:s16], [sflag:$0x1] =	stream.indirect.gather [hbm4b:s4+s15], $0x80, s3, s15, $0xb8;
	[tilespmem:$0x18180] =	vst v63  }
0x40: {  	_ =	swait.ge [sflag:s17], $0x4000  }
0x41: {  	[sflag:s17] =	ssyncset.done $0x0  }
0x42: {  	[sflag:s17] =	ssyncadd.s32 $0xFFFFC000  }
0x43: {  	[spmem:s2] =	stream.indirect.scatter.add.f32 [tilespmem:s16], [sflag:$0x2], $0x80, s15, s15, $0xb8;
	[tilespmem:$0x18180] =	vst v63  }
0x44: {  	_ =	swait.ge [sflag:s14], $0x4000  }
0x45: {  	[sflag:s14] =	ssyncset.done $0x0  }
0x46: {  	[sflag:s14] =	ssyncadd.s32 $0xFFFFC000  }
0x47: {  	[bflag:$0x0] =	sbarrier.arrive $0xFFFF  }
0x48: {  	[hbm:s7], [sflag:s6] =	dma.local [spmem:s13], $0x2800  }
0x49: {  	_ =	swait.ge [sflag:s14], $0x2800  }
0x4a: {  	[sflag:s14] =	ssyncset.done $0x0  }
0x4b: {  	[sflag:s14] =	ssyncadd.s32 $0xFFFFD800  }
0x4c: {  	[bflag:$0x0] =	sbarrier.arrive $0xFFFF  }
0x4d: {  	[spmem:s13], [sflag:s6] =	dma.local [hbm:s8], $0x2800  }
0x4e: {  	_ =	swait.ge [sflag:s14], $0x2800  }
0x4f: {  	[sflag:s14] =	ssyncset.done $0x0  }
0x50: {  	[sflag:s14] =	ssyncadd.s32 $0xFFFFD800  }
0x51: {  	s30 =	sadd.s32 $0x0, s12;
	[bflag:$0x0] =	sbarrier.arrive $0xFFFF  }
0x52: {  	[tilespmem:s3], [sflag:$0x2] =	stream.linear.gather [hbm4b:s30+s3], $0x80, $0x38;
	[tilespmem:$0x18180] =	vst v63  }
0x53: {  	_ =	swait.ge [sflag:s14], $0x80  }
0x54: {  	[sflag:s14] =	ssyncset.done $0x0  }
0x55: {  	s31 =	sadd.s32 $0x0, s11;
	[sflag:s14] =	ssyncadd.s32 $0xFFFFFF80  }
0x56: {  	[tilespmem:s15], [sflag:$0x2] =	stream.linear.gather [hbm4b:s31+s3], $0x80, $0x38;
	[tilespmem:$0x18180] =	vst v63  }
0x57: {  	_ =	swait.ge [sflag:s14], $0x80  }
0x58: {  	[sflag:s14] =	ssyncset.done $0x0  }
0x59: {  	[sflag:s14] =	ssyncadd.s32 $0xFFFFFF80  }
0x5a: {  	v0 =	vld [tilespmem:$0x70]  }
0x5b: {  	v1 =	vld [tilespmem:$0x30]  }
0x5c: {  	v2 =	vld [tilespmem:$0x50]  }
0x5d: {  	v3 =	vld [tilespmem:$0x60]  }
0x5e: {  	v4 =	vld [tilespmem:$0x20]  }
0x5f: {  	v5 =	vld [tilespmem:$0x10];
	v0 =	vadd.s32 $0x2800, v0  }
0x60: {  	v6 =	vld [tilespmem:$0x40];
	v1 =	vadd.s32 $0x2800, v1;
	[tilespmem:$0x170] =	vst v0  }
0x61: {  	v58 =	vld [tilespmem:$0x0];
	v59 =	vadd.s32 $0x2800, v2;
	[tilespmem:$0x130] =	vst v1  }
0x62: {  	v60 =	vadd.s32 $0x2800, v3;
	[tilespmem:$0x150] =	vst v59  }
0x63: {  	v61 =	vadd.s32 $0x2800, v4;
	[tilespmem:$0x160] =	vst v60  }
0x64: {  	v62 =	vadd.s32 $0x2800, v5;
	[tilespmem:$0x120] =	vst v61  }
0x65: {  	v63 =	vadd.s32 $0x2800, v6;
	[tilespmem:$0x110] =	vst v62  }
0x66: {  	v0 =	vadd.s32 $0x2800, v58;
	[tilespmem:$0x140] =	vst v63  }
0x67: {  	s20 =	simm.s32 $0x10;
	[tilespmem:$0x100] =	vst v0  }
.LBB2_4:
0x68: {  	[tilespmem:s16], [sflag:$0x1] =	stream.indirect.gather [hbm4b:s4+s15], $0x80, s18, s15, $0xb8;
	[tilespmem:$0x18180] =	vst v63  }
0x69: {  	s21 =	smov.u32 s20  }
0x6a: {  	p0 =	sne.s32 s20, $0x4E0;
	s20 =	sadd.s32 $0x10, s20;
	_ =	swait.ge [sflag:s17], $0x4000  }
0x6b: {  	[sflag:s17] =	ssyncset.done $0x0  }
0x6c: {  	[sflag:s17] =	ssyncadd.s32 $0xFFFFC000  }
0x6d: {  	[spmem:s2] =	stream.indirect.scatter.add.f32 [tilespmem:s16], [sflag:$0x2], $0x80, s15, s15, $0xb8;
	[tilespmem:$0x18180] =	vst v63  }
0x6e: {  	_ =	swait.ge [sflag:s14], $0x4000  }
0x6f: {  	[sflag:s14] =	ssyncset.done $0x0  }
0x70: {  	s22 =	sadd.s32 s21, s12;
	[sflag:s14] =	ssyncadd.s32 $0xFFFFC000  }
0x71: {  	[tilespmem:s3], [sflag:$0x2] =	stream.linear.gather [hbm4b:s22+s3], $0x80, $0x38;
	[tilespmem:$0x18180] =	vst v63  }
0x72: {  	_ =	swait.ge [sflag:s14], $0x80  }
0x73: {  	[sflag:s14] =	ssyncset.done $0x0  }
0x74: {  	s21 =	sadd.s32 s21, s11;
	[sflag:s14] =	ssyncadd.s32 $0xFFFFFF80  }
0x75: {  	[tilespmem:s15], [sflag:$0x2] =	stream.linear.gather [hbm4b:s21+s3], $0x80, $0x38;
	[tilespmem:$0x18180] =	vst v63  }
0x76: {  	_ =	swait.ge [sflag:s14], $0x80  }
0x77: {  	[sflag:s14] =	ssyncset.done $0x0  }
0x78: {  	[sflag:s14] =	ssyncadd.s32 $0xFFFFFF80  }
0x79: {  	v0 =	vld [tilespmem:$0x70]  }
0x7a: {  	v1 =	vld [tilespmem:$0x30]  }
0x7b: {  	v2 =	vld [tilespmem:$0x50]  }
0x7c: {  	v3 =	vld [tilespmem:$0x60]  }
0x7d: {  	v4 =	vld [tilespmem:$0x20]  }
0x7e: {  	v5 =	vld [tilespmem:$0x10];
	v0 =	vadd.s32 $0x2800, v0  }
0x7f: {  	v1 =	vadd.s32 $0x2800, v1;
	v6 =	vld [tilespmem:$0x40];
	[tilespmem:$0x170] =	vst v0  }
0x80: {  	v0 =	vld [tilespmem:$0x0];
	[tilespmem:$0x130] =	vst v1;
	v1 =	vadd.s32 $0x2800, v2  }
0x81: {  	[tilespmem:$0x150] =	vst v1;
	v1 =	vadd.s32 $0x2800, v3  }
.Ltmp1:
0x82: {  	v2 =	vadd.s32 $0x2800, v4;
	[tilespmem:$0x160] =	vst v1;
	(pc) =	sbr.rel @p0 .LBB2_4-.Ltmp1, $4  }
0x83: {  	v1 =	vadd.s32 $0x2800, v5;
	[tilespmem:$0x120] =	vst v2  }
0x84: {  	[tilespmem:$0x110] =	vst v1;
	v1 =	vadd.s32 $0x2800, v6  }
0x85: {  	v0 =	vadd.s32 $0x2800, v0;
	[tilespmem:$0x140] =	vst v1  }
0x86: {  	[tilespmem:$0x100] =	vst v0  }
0x87: {  	[tilespmem:s16], [sflag:$0x1] =	stream.indirect.gather [hbm4b:s4+s15], $0x80, s18, s15, $0xb8;
	[tilespmem:$0x18180] =	vst v63  }
0x88: {  	_ =	swait.ge [sflag:s17], $0x4000  }
0x89: {  	[sflag:s17] =	ssyncset.done $0x0  }
0x8a: {  	[sflag:s17] =	ssyncadd.s32 $0xFFFFC000  }
0x8b: {  	[spmem:s2] =	stream.indirect.scatter.add.f32 [tilespmem:s16], [sflag:$0x2], $0x80, s15, s15, $0xb8;
	[tilespmem:$0x18180] =	vst v63  }
0x8c: {  	_ =	swait.ge [sflag:s14], $0x4000  }
0x8d: {  	[sflag:s14] =	ssyncset.done $0x0  }
0x8e: {  	s19 =	sadd.s32 $0x1, s19;
	[sflag:s14] =	ssyncadd.s32 $0xFFFFC000  }
0x8f: {  	p0 =	sne.s32 s19, s10;
	[bflag:$0x0] =	sbarrier.arrive $0xFFFF  }
0x90: {  	[hbm:s9], [sflag:s6] =	dma.local [spmem:s13], $0x2800  }
.Ltmp2:
0x91: {  	_ =	swait.ge [sflag:s14], $0x2800;
	(pc) =	sbr.rel @p0 .LBB2_1-.Ltmp2, $3  }
0x92: {  	[sflag:s14] =	ssyncset.done $0x0  }
0x93: {  	[sflag:s14] =	ssyncadd.s32 $0xFFFFD800  }
0x94: {  	[bflag:$0x0] =	sbarrier.arrive $0xFFFF;
	_ =	sdelay $0x1  }
0x95: {  	_ =	sfence.sel $0x180000  }
0x96: {  	[bflag:$0x0] =	sbarrier.arrive $0xFFFF  }
0x97: {  	p0 =	sne.s32 s0, $0x0;
	_ =	strace $0x9000004D  }
0x98: {  	s0 =	sadd.s32 @!p0 $0x100000, s1;
	[bflag:$0x2] =	sbarrier.arrive $0xFFFF  }
0x99: {  	[sflag:s0] =	ssyncadd.tile.s32 @!p0 $0x1;
	_ =	shalt  }
.Lfunc_end2:
_tile_overlayer_lowered:
.L_overlay_start_2:
0x9a: {  	(tag) =	ssettag $0x2  }
0x9b: {  	s0 =	rddreg [dreg:$0x0];
	s2 =	stileid.u32  }
0x9c: {  	s1 =	rddreg [dreg:$0x1];
	p0 =	sne.s32 s2, $0x0  }
0x9d: {  	s3 =	rddreg [dreg:$0x2];
	[bflag:$0x3] =	sbarrier.arrive $0xFFFF;
	s2 =	simm.s32 @!p0 $0x1C02  }
0x9e: {  	[timem:s3], [sflag:s2] =	dma.local @!p0 [hbm:s0], s1  }
0x9f: {  	s0 =	simm.s32 @!p0 $0x2  }
0xa0: {  	_ =	swait.ge @!p0 [sflag:s0], s1  }
0xa1: {  	s1 =	ssub.s32 @!p0 $0x0, s1;
	[sflag:s0] =	ssyncset.done @!p0 $0x0  }
0xa2: {  	[sflag:s0] =	ssyncadd.s32 @!p0 s1  }
0xa3: {  	[bflag:$0x3] =	sbarrier.arrive $0xFFFF  }
0xa4: {  	_ =	shalt  }

// kernel: kernel.19.cloned.1.call-start
scs
__scs_entry_jumppad:
0x0: {  	(pc) =	sbr.rel $0x88, $3  }
0x1: {  	(tag) =	ssettag $0x0;
	lr =	simm.s32 $0x1  }
0x2: {  	[smem:$0x3F87] =	sst lr;
	_ =	strace $0xD0000000  }
0x3: {  	_ = 	snop  }
0x4: {  	_ = 	snop  }
0x5: {  	_ = 	snop  }
0x6: {  	_ = 	snop  }
0x7: {  	_ = 	snop  }
__scs_overlays_trampoline_lowered:
0x8: {  	[smem:$0x3F96] =	sst s0  }
0x9: {  	[smem:$0x3F97] =	sst s1  }
0xa: {  	[smem:$0x3F98] =	sst s2  }
0xb: {  	[smem:$0x3F99] =	sst s3  }
0xc: {  	[smem:$0x3F9A] =	sst s4  }
0xd: {  	[smem:$0x3F9B] =	sst s5  }
0xe: {  	[smem:$0x3F9C] =	sst s6  }
0xf: {  	[smem:$0x3F9D] =	sst s7  }
0x10: {  	[smem:$0x3F9E] =	sst s8  }
0x11: {  	[smem:$0x3F9F] =	sst s9;
	s0 =	simm.s32 @!p0 $0x0  }
0x12: {  	s1 =	sld [smem:$0x3F85];
	s0 =	simm.s32 @p0 $0x1  }
0x13: {  	[smem:$0x3FA0] =	sst s0;
	s0 =	simm.s32 @!p1 $0x0  }
0x14: {  	s2 =	sld [smem:$0x3F84];
	s0 =	simm.s32 @p1 $0x1  }
0x15: {  	[smem:$0x3FA1] =	sst s0;
	s0 =	simm.s32 @!p2 $0x0  }
0x16: {  	s3 =	sld [smem:$0x3FDB];
	s0 =	simm.s32 @p2 $0x1  }
0x17: {  	s4 =	simm.s32 $0x1BF5;
	[smem:$0x3FA3] =	sst s0  }
0x18: {  	s0 =	sld [smem:$0x3F86];
	_ =	swait.ge [sflag:s4], $0x0  }
0x19: {  	s7 =	sld [smem:$0x3F87]  }
0x1a: {  	s8 =	sadd.s32 $0xFFFFE003, lr  }
0x1b: {  	s9 =	sadd.s32 $0xFFFFFEF7, lr;
	s5 =	simm.s32 $0xFFFFFFFF;
	p2 =	slt.u32 s8, $0xFFFFF086  }
0x1c: {  	p1 =	slt.u32 s9, $0xF7A;
	s5 =	simm.s32 @!p2 $0x0  }
0x1d: {  	s5 =	simm.s32 @p1 $0x1;
	p0 =	seq.s32 s7, s2  }
0x1e: {  	s7 =	smul.u32 @!p0 $0xF7A, s2;
	p2 =	seq.s32 @!p0 s5, $0x0  }
0x1f: {  	s9 =	smul.u32 $0xF7A, s1;
	s8 =	simm.s32 @!p0 $0x1BF5;
	p2 =	por !p2, p0  }
0x20: {  	[sflag:s8] =	ssyncset.s32 @!p0 $0xFFFFF086;
	s6 =	sadd.s32 @!p0 s3, s7;
	s7 =	simm.s32 @!p0 $0x108  }
0x21: {  	s3 =	sadd.s32 s3, s9;
	s6 =	sadd.s32 @!p0 $0x88, s6;
	s7 =	simm.s32 @p2 $0x1082  }
0x22: {  	[simem:s7], [sflag:s8] =	dma.local @!p0 [hbm:s6], $0xF7A  }
0x23: {  	s9 =	sor.u32 $0xD0000000, s2;
	s6 =	simm.s32 $0x108;
	_ =	swait.ge @!p0 [sflag:s8], $0x0  }
0x24: {  	s3 =	sadd.s32 $0x88, s3;
	s6 =	simm.s32 @!p1 $0x1082;
	[sflag:s4] =	ssyncset.s32 $0xFFFFF086  }
0x25: {  	[simem:s6], [sflag:s4] =	dma.local [hbm:s3], $0xF7A  }
0x26: {  	[smem:$0x3F87] =	sst s1;
	(tag) =	ssettag s2;
	_ =	strace s9  }
0x27: {  	s1 =	sld [smem:$0x3F97]  }
0x28: {  	s2 =	sld [smem:$0x3F98]  }
0x29: {  	s4 =	sld [smem:$0x3F9A]  }
0x2a: {  	p0 =	seq.s32 s5, $0x0;
	s5 =	sld [smem:$0x3F9B]  }
0x2b: {  	s6 =	sld [smem:$0x3F9C]  }
0x2c: {  	s7 =	sld [smem:$0x3F9D]  }
0x2d: {  	s3 =	simm.s32 $0x108;
	s8 =	sld [smem:$0x3F9E]  }
0x2e: {  	s3 =	simm.s32 @!p0 $0x1082;
	s9 =	sld [smem:$0x3F9F]  }
0x2f: {  	lr =	sadd.s32 s0, s3;
	s0 =	sld [smem:$0x3F96]  }
0x30: {  	s3 =	sld [smem:$0x3F99]  }
0x31: {  	[smem:$0x3FA2] =	sst s10  }
0x32: {  	s10 =	sld [smem:$0x3FA0];
	_ =	sdelay $0x3  }
0x33: {  	p0 =	seq.s32 s10, $0x1;
	s10 =	sld [smem:$0x3FA2];
	_ =	sdelay $0x3  }
0x34: {  	[smem:$0x3FA2] =	sst s10  }
0x35: {  	s10 =	sld [smem:$0x3FA1];
	_ =	sdelay $0x3  }
0x36: {  	p1 =	seq.s32 s10, $0x1;
	s10 =	sld [smem:$0x3FA2];
	_ =	sdelay $0x3  }
0x37: {  	[smem:$0x3FA2] =	sst s10  }
0x38: {  	s10 =	sld [smem:$0x3FA3]  }
0x39: {  	_ = 	snop;
	(pc) =	sbr.ind lr, $3  }
0x3a: {  	_ = 	snop  }
0x3b: {  	_ = 	snop  }
0x3c: {  	p2 =	seq.s32 s10, $0x1;
	s10 =	sld [smem:$0x3FA2]  }
0x3d: {  	_ =	shalt  }
0x3e: {  	_ =	shalt  }
0x3f: {  	_ =	shalt  }
0x40: {  	_ =	shalt  }
0x41: {  	_ =	shalt  }
0x42: {  	_ =	shalt  }
0x43: {  	_ =	shalt  }
0x44: {  	_ =	shalt  }
0x45: {  	_ =	shalt  }
0x46: {  	_ =	shalt  }
0x47: {  	_ =	shalt  }
0x48: {  	_ =	shalt  }
0x49: {  	_ =	shalt  }
0x4a: {  	_ =	shalt  }
0x4b: {  	_ =	shalt  }
0x4c: {  	_ =	shalt  }
0x4d: {  	_ =	shalt  }
0x4e: {  	_ =	shalt  }
0x4f: {  	_ =	shalt  }
0x50: {  	_ =	shalt  }
0x51: {  	_ =	shalt  }
0x52: {  	_ =	shalt  }
0x53: {  	_ =	shalt  }
0x54: {  	_ =	shalt  }
0x55: {  	_ =	shalt  }
0x56: {  	_ =	shalt  }
0x57: {  	_ =	shalt  }
0x58: {  	_ =	shalt  }
0x59: {  	_ =	shalt  }
0x5a: {  	_ =	shalt  }
0x5b: {  	_ =	shalt  }
0x5c: {  	_ =	shalt  }
0x5d: {  	_ =	shalt  }
0x5e: {  	_ =	shalt  }
0x5f: {  	_ =	shalt  }
0x60: {  	_ =	shalt  }
0x61: {  	_ =	shalt  }
0x62: {  	_ =	shalt  }
0x63: {  	_ =	shalt  }
0x64: {  	_ =	shalt  }
0x65: {  	_ =	shalt  }
0x66: {  	_ =	shalt  }
0x67: {  	_ =	shalt  }
0x68: {  	_ =	shalt  }
0x69: {  	_ =	shalt  }
0x6a: {  	_ =	shalt  }
0x6b: {  	_ =	shalt  }
0x6c: {  	_ =	shalt  }
0x6d: {  	_ =	shalt  }
0x6e: {  	_ =	shalt  }
0x6f: {  	_ =	shalt  }
0x70: {  	_ =	shalt  }
0x71: {  	_ =	shalt  }
0x72: {  	_ =	shalt  }
0x73: {  	_ =	shalt  }
0x74: {  	_ =	shalt  }
0x75: {  	_ =	shalt  }
0x76: {  	_ =	shalt  }
0x77: {  	_ =	shalt  }
0x78: {  	_ =	shalt  }
0x79: {  	_ =	shalt  }
0x7a: {  	_ =	shalt  }
0x7b: {  	_ =	shalt  }
0x7c: {  	_ =	shalt  }
0x7d: {  	_ =	shalt  }
0x7e: {  	_ =	shalt  }
0x7f: {  	_ =	shalt  }
0x80: {  	_ =	shalt  }
0x81: {  	_ =	shalt  }
0x82: {  	_ =	shalt  }
0x83: {  	_ =	shalt  }
0x84: {  	_ =	shalt  }
0x85: {  	_ =	shalt  }
0x86: {  	_ =	shalt  }
0x87: {  	_ =	shalt  }
.Lfunc_end0:
.L_simem_size_0:
called_computation.3_lowered:
.L_overlay_start_0:
0x88: {  	s2 =	sld [smem:$0x3FD9]  }
0x89: {  	s3 =	sld [smem:$0x3FFE];
	_ =	sdelay $0x1  }
0x8a: {  	s1 =	srdreg.scid  }
0x8b: {  	s0 =	sand.u32 $0x1, s1  }
0x8c: {  	s16 =	sshll.u32 s0, $0xA;
	s2 =	sadd.s32 s3, s2  }
0x8d: {  	s2 =	sadd.s32 s2, s16  }
0x8e: {  	[smem:$0x3FAE] =	sst s2  }
0x8f: {  	_ = 	snop  }
0x90: {  	(tm) =	ssettm $0x1  }
0x91: {  	s17 =	sld [smem:$0x3FFB];
	_ =	sdelay $0x3  }
0x92: {  	_ =	strace s17  }
0x93: {  	s2 =	sld [smem:$0x3FFC];
	_ =	sdelay $0x3  }
0x94: {  	_ =	strace s2  }
0x95: {  	s2 =	sld [smem:$0x3FFD];
	_ =	sdelay $0x3  }
0x96: {  	_ =	strace s2  }
0x97: {  	_ =	strace $0x8FFFFFFF  }
0x98: {  	s18 =	sld [smem:$0x3FDB];
	_ =	sdelay $0x1  }
0x99: {  	s19 =	simm.s32 $_scs_section_size  }
0x9a: {  	s4 =	simm.s32 $_size__tile_overlayer_lowered;
	s5 =	simm.s32 $_tile_overlayer_lowered  }
0x9b: {  	s22 =	simm.s32 $0x1BFF;
	s21 =	sshll.u32 s5, $0x1;
	s2 =	sadd.s32 s19, s18  }
0x9c: {  	s6 =	simm.s32 $0x0;
	s20 =	sshll.u32 s4, $0x1;
	s4 =	sadd.s32 s21, s2  }
0x9d: {  	[timem:s6], [sflag:s22] =	dma.local [hbm:s4], s20  }
0x9e: {  	_ =	swait.ge [sflag:s22], s20  }
0x9f: {  	s3 =	ssub.s32 $0x0, s20;
	[sflag:s22] =	ssyncset.done $0x0  }
0xa0: {  	[sflag:s22] =	ssyncadd.s32 s3;
	_ =	sdelay $0x1  }
0xa1: {  	s23 =	simm.s32 $0x1B8B  }
0xa2: {  	_ =	swait.ge [sflag:s23], $0x1  }
0xa3: {  	[sflag:s23] =	ssyncset.done $0x0  }
0xa4: {  	s25 =	simm.s32 $0x1B8E;
	s24 =	sld [smem:$0x3FFE];
	[sflag:s23] =	ssyncadd.s32 $0xFFFFFFFF  }
0xa5: {  	s26 =	simm.s32 $execute0_lowered;
	[smem:$0x3FD2] =	sst s25  }
0xa6: {  	s4 =	sshll.u32 s26, $0x1;
	_ =	strace $0x8000004F;
	[dreg:$0x1] =	wrdreg $0xFFFFFFFF  }
0xa7: {  	s28 =	simm.s32 $_size_execute0_lowered;
	s2 =	sadd.s32 s2, s4;
	[dreg:$0x0] =	wrdreg $0x0  }
0xa8: {  	s4 =	sshll.u32 s28, $0x1;
	[dreg:$0x2] =	wrdreg s2  }
0xa9: {  	[dreg:$0x3] =	wrdreg s4  }
0xaa: {  	[dreg:$0x4] =	wrdreg $0xC0  }
0xab: {  	_ =	task [dreg:s6], $0x5FFFF  }
0xac: {  	[dreg:$0x1] =	wrdreg $0xFFFFFFFF  }
0xad: {  	[dreg:$0x0] =	wrdreg $0x60  }
0xae: {  	[dreg:$0x2] =	wrdreg s24  }
0xaf: {  	[dreg:$0x3] =	wrdreg $0x41800  }
0xb0: {  	[dreg:$0x4] =	wrdreg $0x9  }
0xb1: {  	_ =	task.clear_ibuf [dreg:s6], $0x5FFFF;
	_ =	strace $0x9000004F  }
0xb2: {  	s29 =	simm.s32 $0x9;
	_ =	strace $0x80000051  }
0xb3: {  	_ =	swait.ge [sflag:s29], $0x1  }
0xb4: {  	[sflag:s29] =	ssyncadd.s32 $0xFFFFFFFF  }
0xb5: {  	_ =	strace $0x90000051  }
0xb6: {  	_ =	sfence  }
0xb7: {  	s30 =	sld [smem:$0x0];
	_ =	sdelay $0x2  }
0xb8: {  	s31 =	sshll.u32 s1, $0xD;
	s1 =	sshrl.u32 s1, $0x2  }
0xb9: {  	s3 =	sand.u32 $0x4000, s31;
	s1 =	sadd.s32 s1, s30  }
0xba: {  	s0 =	sor.u32 s3, s0;
	s1 =	sshll.u32 s1, $0x11  }
0xbb: {  	s0 =	sor.u32 s1, s0  }
0xbc: {  	s0 =	sadd.s32 $0x8F2B, s0  }
0xbd: {  	[sflag:s0] =	ssyncadd.remote.s32 $0x1  }
0xbe: {  	_ =	sfence.sel $0xFFFF  }
0xbf: {  	[dreg:$0x0] =	wrdreg $0xFFFFFFFF;
	(pc) =	sbr.abs _section_cstart, $3  }
0xc0: {  	[dreg:$0x1] =	wrdreg $0xFFFFFFFF  }
0xc1: {  	_ =	task.clear_ibuf [dreg:s6], $0x2FFFF;
	_ =	strace $0x9FFFFFFF  }
0xc2: {  	(tm) =	ssettm $0x7FFFFFFF  }
0xc3: {  	_ =	shalt  }
tec
execute0_lowered:
.L_overlay_start_1:
0x0: {  	(tag) =	ssettag $0x1  }
0x1: {  	s5 =	rddreg [dreg:$0x0]  }
0x2: {  	s2 =	rddreg [dreg:$0x1]  }
0x3: {  	s0 =	srdreg.scid;
	s1 =	rddreg [dreg:$0x2];
	s3 =	simm.s32 $0x0  }
0x4: {  	s18 =	simm.s32 $0x2;
	s19 =	simm.s32 $0x80;
	s4 =	sand.u32 $0x1, s0  }
0x5: {  	s20 =	simm.s32 $0x180;
	s0 =	stileid.u32;
	s6 =	smul.u32 $0x27800, s4  }
0x6: {  	s21 =	simm.s32 $0x1;
	s22 =	simm.s32 $0x100;
	s7 =	smul.u32 $0x2780, s0  }
0x7: {  	s23 =	simm.s32 $0x0;
	[smem:$0x7FF] =	sst s3;
	s8 =	smul.u32 $0x14000, s0  }
0x8: {  	s24 =	smul.u32 $0x500000, s4;
	_ =	strace $0x80000050;
	s26 =	ssub.s32 $0x2, s4  }
0x9: {  	s9 =	smul.u32 $0x50000, s0;
	s4 =	sadd.s32 $0x1AA00, s5;
	s31 =	sshll.u32 s0, $0x6  }
0xa: {  	s28 =	sshrl.u32 s26, $0x1;
	s6 =	sadd.s32 s7, s6;
	s25 =	sadd.s32 s8, s24  }
0xb: {  	s14 =	ssub.s32 s26, s28;
	s29 =	sshrl.u32 s9, $0x2;
	s30 =	sshrl.u32 s8, $0x3  }
0xc: {  	s6 =	sshrl.u32 s6, $0x3;
	s17 =	sadd.s32 s29, s2;
	s14 =	smax.u32 s14, $0x1  }
0xd: {  	s16 =	sadd.s32 s6, s5;
	s6 =	sshrl.u32 s25, $0x3;
	s17 =	sshrl.u32 s17, $0x3  }
0xe: {  	s13 =	sadd.s32 s6, s5;
	s5 =	sadd.s32 s4, s30;
	s6 =	sor.u32 $0x1C02, s31  }
0xf: {  	s15 =	sadd.s32 $0x6E00, s16;
	s16 =	sadd.s32 $0x10C00, s16;
	s7 =	sadd.s32 $0xBAA00, s13  }
0x10: {  	s8 =	sadd.s32 $0x28000, s5;
	s9 =	sadd.s32 $0xE2A00, s13;
	s11 =	sadd.s32 $0x10AA00, s13  }
0x11: {  	s10 =	sadd.s32 $0x50000, s5;
	s12 =	sadd.s32 $0x78000, s5;
	s13 =	sadd.s32 $0x132A00, s13  }
.LBB2_1:
0x12: {  	[spmem:s17], [sflag:s6] =	dma.local [hbm:s5], $0x2800  }
0x13: {  	_ =	swait.ge [sflag:s18], $0x2800  }
0x14: {  	[sflag:s18] =	ssyncset.done $0x0  }
0x15: {  	[sflag:s18] =	ssyncadd.s32 $0xFFFFD800  }
0x16: {  	s24 =	sadd.s32 $0x0, s16;
	[bflag:$0x0] =	sbarrier.arrive $0xFFFF  }
0x17: {  	[tilespmem:s3], [sflag:$0x2] =	stream.linear.gather [hbm4b:s24+s3], $0x80, $0x38;
	[tilespmem:$0x18180] =	vst v63  }
0x18: {  	_ =	swait.ge [sflag:s18], $0x80  }
0x19: {  	[sflag:s18] =	ssyncset.done $0x0  }
0x1a: {  	s31 =	sadd.s32 $0x0, s15;
	[sflag:s18] =	ssyncadd.s32 $0xFFFFFF80  }
0x1b: {  	[tilespmem:s19], [sflag:$0x2] =	stream.linear.gather [hbm4b:s31+s3], $0x80, $0x38;
	[tilespmem:$0x18180] =	vst v63  }
0x1c: {  	_ =	swait.ge [sflag:s18], $0x80  }
0x1d: {  	[sflag:s18] =	ssyncset.done $0x0  }
0x1e: {  	[sflag:s18] =	ssyncadd.s32 $0xFFFFFF80  }
0x1f: {  	[tilespmem:s20], [sflag:$0x1] =	stream.indirect.gather [hbm4b:s4+s19], $0x80, s3, s19, $0xb8;
	[tilespmem:$0x18180] =	vst v63  }
0x20: {  	_ =	swait.ge [sflag:s21], $0x4000  }
0x21: {  	[sflag:s21] =	ssyncset.done $0x0  }
0x22: {  	[sflag:s21] =	ssyncadd.s32 $0xFFFFC000  }
0x23: {  	[spmem:s2] =	stream.indirect.scatter.add.f32 [tilespmem:s20], [sflag:$0x2], $0x80, s19, s19, $0xb8;
	[tilespmem:$0x18180] =	vst v63  }
0x24: {  	_ =	swait.ge [sflag:s18], $0x4000  }
0x25: {  	s25 =	simm.s32 $0x20;
	s24 =	simm.s32 $0x10;
	[sflag:s18] =	ssyncset.done $0x0  }
.LBB2_2:
0x26: {  	s26 =	sadd.s32 s24, s16  }
0x27: {  	[sflag:s18] =	ssyncadd.s32 $0xFFFFC000;
	s28 =	smov.u32 s25;
	s29 =	sadd.s32 $0x10, s25  }
0x28: {  	[tilespmem:s3], [sflag:$0x2] =	stream.linear.gather [hbm4b:s26+s3], $0x80, $0x38;
	[tilespmem:$0x18180] =	vst v63  }
0x29: {  	p0 =	sne.s32 s25, $0x4E0;
	_ =	swait.ge [sflag:s18], $0x80  }
0x2a: {  	[sflag:s18] =	ssyncset.done $0x0  }
0x2b: {  	s25 =	sadd.s32 s24, s15;
	s24 =	smov.u32 s28;
	[sflag:s18] =	ssyncadd.s32 $0xFFFFFF80  }
0x2c: {  	[tilespmem:s19], [sflag:$0x2] =	stream.linear.gather [hbm4b:s25+s3], $0x80, $0x38;
	[tilespmem:$0x18180] =	vst v63  }
0x2d: {  	_ =	swait.ge [sflag:s18], $0x80  }
0x2e: {  	[sflag:s18] =	ssyncset.done $0x0  }
0x2f: {  	[sflag:s18] =	ssyncadd.s32 $0xFFFFFF80  }
0x30: {  	[tilespmem:s20], [sflag:$0x1] =	stream.indirect.gather [hbm4b:s4+s19], $0x80, s3, s19, $0xb8;
	[tilespmem:$0x18180] =	vst v63  }
0x31: {  	_ =	swait.ge [sflag:s21], $0x4000  }
.Ltmp0:
0x32: {  	[sflag:s21] =	ssyncset.done $0x0;
	(pc) =	sbr.rel @p0 .LBB2_2-.Ltmp0, $4  }
0x33: {  	[sflag:s21] =	ssyncadd.s32 $0xFFFFC000  }
0x34: {  	[spmem:s2] =	stream.indirect.scatter.add.f32 [tilespmem:s20], [sflag:$0x2], $0x80, s19, s19, $0xb8;
	[tilespmem:$0x18180] =	vst v63  }
0x35: {  	_ =	swait.ge [sflag:s18], $0x4000  }
0x36: {  	s25 =	smov.u32 s29;
	[sflag:s18] =	ssyncset.done $0x0  }
0x37: {  	s25 =	sadd.s32 s24, s16;
	[sflag:s18] =	ssyncadd.s32 $0xFFFFC000  }
0x38: {  	[tilespmem:s3], [sflag:$0x2] =	stream.linear.gather [hbm4b:s25+s3], $0x80, $0x38;
	[tilespmem:$0x18180] =	vst v63  }
0x39: {  	_ =	swait.ge [sflag:s18], $0x80  }
0x3a: {  	[sflag:s18] =	ssyncset.done $0x0  }
0x3b: {  	s29 =	sadd.s32 s24, s15;
	[sflag:s18] =	ssyncadd.s32 $0xFFFFFF80  }
0x3c: {  	[tilespmem:s19], [sflag:$0x2] =	stream.linear.gather [hbm4b:s29+s3], $0x80, $0x38;
	[tilespmem:$0x18180] =	vst v63  }
0x3d: {  	_ =	swait.ge [sflag:s18], $0x80  }
0x3e: {  	[sflag:s18] =	ssyncset.done $0x0  }
0x3f: {  	[sflag:s18] =	ssyncadd.s32 $0xFFFFFF80  }
0x40: {  	[tilespmem:s20], [sflag:$0x1] =	stream.indirect.gather [hbm4b:s4+s19], $0x80, s3, s19, $0xb8;
	[tilespmem:$0x18180] =	vst v63  }
0x41: {  	_ =	swait.ge [sflag:s21], $0x4000  }
0x42: {  	[sflag:s21] =	ssyncset.done $0x0  }
0x43: {  	[sflag:s21] =	ssyncadd.s32 $0xFFFFC000  }
0x44: {  	[spmem:s2] =	stream.indirect.scatter.add.f32 [tilespmem:s20], [sflag:$0x2], $0x80, s19, s19, $0xb8;
	[tilespmem:$0x18180] =	vst v63  }
0x45: {  	_ =	swait.ge [sflag:s18], $0x4000  }
0x46: {  	[sflag:s18] =	ssyncset.done $0x0  }
0x47: {  	[sflag:s18] =	ssyncadd.s32 $0xFFFFC000  }
0x48: {  	[bflag:$0x0] =	sbarrier.arrive $0xFFFF  }
0x49: {  	[hbm:s7], [sflag:s6] =	dma.local [spmem:s17], $0x2800  }
0x4a: {  	_ =	swait.ge [sflag:s18], $0x2800  }
0x4b: {  	[sflag:s18] =	ssyncset.done $0x0  }
0x4c: {  	[sflag:s18] =	ssyncadd.s32 $0xFFFFD800  }
0x4d: {  	[bflag:$0x0] =	sbarrier.arrive $0xFFFF  }
0x4e: {  	[spmem:s17], [sflag:s6] =	dma.local [hbm:s8], $0x2800  }
0x4f: {  	_ =	swait.ge [sflag:s18], $0x2800  }
0x50: {  	[sflag:s18] =	ssyncset.done $0x0  }
0x51: {  	[sflag:s18] =	ssyncadd.s32 $0xFFFFD800  }
0x52: {  	s30 =	sadd.s32 $0x0, s16;
	[bflag:$0x0] =	sbarrier.arrive $0xFFFF  }
0x53: {  	[tilespmem:s3], [sflag:$0x2] =	stream.linear.gather [hbm4b:s30+s3], $0x80, $0x38;
	[tilespmem:$0x18180] =	vst v63  }
0x54: {  	_ =	swait.ge [sflag:s18], $0x80  }
0x55: {  	[sflag:s18] =	ssyncset.done $0x0  }
0x56: {  	s31 =	sadd.s32 $0x0, s15;
	[sflag:s18] =	ssyncadd.s32 $0xFFFFFF80  }
0x57: {  	[tilespmem:s19], [sflag:$0x2] =	stream.linear.gather [hbm4b:s31+s3], $0x80, $0x38;
	[tilespmem:$0x18180] =	vst v63  }
0x58: {  	_ =	swait.ge [sflag:s18], $0x80  }
0x59: {  	[sflag:s18] =	ssyncset.done $0x0  }
0x5a: {  	[sflag:s18] =	ssyncadd.s32 $0xFFFFFF80  }
0x5b: {  	v0 =	vld [tilespmem:$0x70]  }
0x5c: {  	v1 =	vld [tilespmem:$0x30]  }
0x5d: {  	v2 =	vld [tilespmem:$0x50]  }
0x5e: {  	v3 =	vld [tilespmem:$0x60]  }
0x5f: {  	v4 =	vld [tilespmem:$0x20]  }
0x60: {  	v5 =	vld [tilespmem:$0x10];
	v0 =	vadd.s32 $0x2800, v0  }
0x61: {  	v6 =	vld [tilespmem:$0x40];
	v1 =	vadd.s32 $0x2800, v1;
	[tilespmem:$0x170] =	vst v0  }
0x62: {  	v58 =	vld [tilespmem:$0x0];
	v59 =	vadd.s32 $0x2800, v2;
	[tilespmem:$0x130] =	vst v1  }
0x63: {  	v60 =	vadd.s32 $0x2800, v3;
	[tilespmem:$0x150] =	vst v59  }
0x64: {  	v61 =	vadd.s32 $0x2800, v4;
	[tilespmem:$0x160] =	vst v60  }
0x65: {  	v62 =	vadd.s32 $0x2800, v5;
	[tilespmem:$0x120] =	vst v61  }
0x66: {  	v63 =	vadd.s32 $0x2800, v6;
	[tilespmem:$0x110] =	vst v62  }
0x67: {  	v0 =	vadd.s32 $0x2800, v58;
	[tilespmem:$0x140] =	vst v63  }
0x68: {  	s24 =	simm.s32 $0x10;
	[tilespmem:$0x100] =	vst v0  }
.LBB2_4:
0x69: {  	[tilespmem:s20], [sflag:$0x1] =	stream.indirect.gather [hbm4b:s4+s19], $0x80, s22, s19, $0xb8;
	[tilespmem:$0x18180] =	vst v63  }
0x6a: {  	s25 =	smov.u32 s24  }
0x6b: {  	p0 =	sne.s32 s24, $0x4E0;
	s24 =	sadd.s32 $0x10, s24;
	_ =	swait.ge [sflag:s21], $0x4000  }
0x6c: {  	[sflag:s21] =	ssyncset.done $0x0  }
0x6d: {  	[sflag:s21] =	ssyncadd.s32 $0xFFFFC000  }
0x6e: {  	[spmem:s2] =	stream.indirect.scatter.add.f32 [tilespmem:s20], [sflag:$0x2], $0x80, s19, s19, $0xb8;
	[tilespmem:$0x18180] =	vst v63  }
0x6f: {  	_ =	swait.ge [sflag:s18], $0x4000  }
0x70: {  	[sflag:s18] =	ssyncset.done $0x0  }
0x71: {  	s26 =	sadd.s32 s25, s16;
	[sflag:s18] =	ssyncadd.s32 $0xFFFFC000  }
0x72: {  	[tilespmem:s3], [sflag:$0x2] =	stream.linear.gather [hbm4b:s26+s3], $0x80, $0x38;
	[tilespmem:$0x18180] =	vst v63  }
0x73: {  	_ =	swait.ge [sflag:s18], $0x80  }
0x74: {  	[sflag:s18] =	ssyncset.done $0x0  }
0x75: {  	s25 =	sadd.s32 s25, s15;
	[sflag:s18] =	ssyncadd.s32 $0xFFFFFF80  }
0x76: {  	[tilespmem:s19], [sflag:$0x2] =	stream.linear.gather [hbm4b:s25+s3], $0x80, $0x38;
	[tilespmem:$0x18180] =	vst v63  }
0x77: {  	_ =	swait.ge [sflag:s18], $0x80  }
0x78: {  	[sflag:s18] =	ssyncset.done $0x0  }
0x79: {  	[sflag:s18] =	ssyncadd.s32 $0xFFFFFF80  }
0x7a: {  	v0 =	vld [tilespmem:$0x70]  }
0x7b: {  	v1 =	vld [tilespmem:$0x30]  }
0x7c: {  	v2 =	vld [tilespmem:$0x50]  }
0x7d: {  	v3 =	vld [tilespmem:$0x60]  }
0x7e: {  	v4 =	vld [tilespmem:$0x20]  }
0x7f: {  	v5 =	vld [tilespmem:$0x10];
	v0 =	vadd.s32 $0x2800, v0  }
0x80: {  	v1 =	vadd.s32 $0x2800, v1;
	v6 =	vld [tilespmem:$0x40];
	[tilespmem:$0x170] =	vst v0  }
0x81: {  	v0 =	vld [tilespmem:$0x0];
	[tilespmem:$0x130] =	vst v1;
	v1 =	vadd.s32 $0x2800, v2  }
0x82: {  	[tilespmem:$0x150] =	vst v1;
	v1 =	vadd.s32 $0x2800, v3  }
.Ltmp1:
0x83: {  	v2 =	vadd.s32 $0x2800, v4;
	[tilespmem:$0x160] =	vst v1;
	(pc) =	sbr.rel @p0 .LBB2_4-.Ltmp1, $4  }
0x84: {  	v1 =	vadd.s32 $0x2800, v5;
	[tilespmem:$0x120] =	vst v2  }
0x85: {  	[tilespmem:$0x110] =	vst v1;
	v1 =	vadd.s32 $0x2800, v6  }
0x86: {  	v0 =	vadd.s32 $0x2800, v0;
	[tilespmem:$0x140] =	vst v1  }
0x87: {  	[tilespmem:$0x100] =	vst v0  }
0x88: {  	[tilespmem:s20], [sflag:$0x1] =	stream.indirect.gather [hbm4b:s4+s19], $0x80, s22, s19, $0xb8;
	[tilespmem:$0x18180] =	vst v63  }
0x89: {  	_ =	swait.ge [sflag:s21], $0x4000  }
0x8a: {  	[sflag:s21] =	ssyncset.done $0x0  }
0x8b: {  	[sflag:s21] =	ssyncadd.s32 $0xFFFFC000  }
0x8c: {  	[spmem:s2] =	stream.indirect.scatter.add.f32 [tilespmem:s20], [sflag:$0x2], $0x80, s19, s19, $0xb8;
	[tilespmem:$0x18180] =	vst v63  }
0x8d: {  	_ =	swait.ge [sflag:s18], $0x4000  }
0x8e: {  	[sflag:s18] =	ssyncset.done $0x0  }
0x8f: {  	[sflag:s18] =	ssyncadd.s32 $0xFFFFC000  }
0x90: {  	[bflag:$0x0] =	sbarrier.arrive $0xFFFF  }
0x91: {  	[hbm:s9], [sflag:s6] =	dma.local [spmem:s17], $0x2800  }
0x92: {  	_ =	swait.ge [sflag:s18], $0x2800  }
0x93: {  	[sflag:s18] =	ssyncset.done $0x0  }
0x94: {  	[sflag:s18] =	ssyncadd.s32 $0xFFFFD800  }
0x95: {  	[bflag:$0x0] =	sbarrier.arrive $0xFFFF  }
0x96: {  	[spmem:s17], [sflag:s6] =	dma.local [hbm:s10], $0x2800  }
0x97: {  	_ =	swait.ge [sflag:s18], $0x2800  }
0x98: {  	[sflag:s18] =	ssyncset.done $0x0  }
0x99: {  	[sflag:s18] =	ssyncadd.s32 $0xFFFFD800  }
0x9a: {  	s24 =	sadd.s32 $0x0, s16;
	[bflag:$0x0] =	sbarrier.arrive $0xFFFF  }
0x9b: {  	[tilespmem:s3], [sflag:$0x2] =	stream.linear.gather [hbm4b:s24+s3], $0x80, $0x38;
	[tilespmem:$0x18180] =	vst v63  }
0x9c: {  	_ =	swait.ge [sflag:s18], $0x80  }
0x9d: {  	[sflag:s18] =	ssyncset.done $0x0  }
0x9e: {  	s31 =	sadd.s32 $0x0, s15;
	[sflag:s18] =	ssyncadd.s32 $0xFFFFFF80  }
0x9f: {  	[tilespmem:s19], [sflag:$0x2] =	stream.linear.gather [hbm4b:s31+s3], $0x80, $0x38;
	[tilespmem:$0x18180] =	vst v63  }
0xa0: {  	_ =	swait.ge [sflag:s18], $0x80  }
0xa1: {  	[sflag:s18] =	ssyncset.done $0x0  }
0xa2: {  	[sflag:s18] =	ssyncadd.s32 $0xFFFFFF80  }
0xa3: {  	v0 =	vld [tilespmem:$0x70]  }
0xa4: {  	v1 =	vld [tilespmem:$0x30]  }
0xa5: {  	v2 =	vld [tilespmem:$0x50]  }
0xa6: {  	v3 =	vld [tilespmem:$0x60]  }
0xa7: {  	v4 =	vld [tilespmem:$0x20]  }
0xa8: {  	v5 =	vld [tilespmem:$0x10];
	v0 =	vadd.s32 $0x5000, v0  }
0xa9: {  	v6 =	vld [tilespmem:$0x40];
	v1 =	vadd.s32 $0x5000, v1;
	[tilespmem:$0x170] =	vst v0  }
0xaa: {  	v58 =	vld [tilespmem:$0x0];
	v59 =	vadd.s32 $0x5000, v2;
	[tilespmem:$0x130] =	vst v1  }
0xab: {  	v60 =	vadd.s32 $0x5000, v3;
	[tilespmem:$0x150] =	vst v59  }
0xac: {  	v61 =	vadd.s32 $0x5000, v4;
	[tilespmem:$0x160] =	vst v60  }
0xad: {  	v62 =	vadd.s32 $0x5000, v5;
	[tilespmem:$0x120] =	vst v61  }
0xae: {  	v63 =	vadd.s32 $0x5000, v6;
	[tilespmem:$0x110] =	vst v62  }
0xaf: {  	v0 =	vadd.s32 $0x5000, v58;
	[tilespmem:$0x140] =	vst v63  }
0xb0: {  	s24 =	simm.s32 $0x10;
	[tilespmem:$0x100] =	vst v0  }
.LBB2_6:
0xb1: {  	[tilespmem:s20], [sflag:$0x1] =	stream.indirect.gather [hbm4b:s4+s19], $0x80, s22, s19, $0xb8;
	[tilespmem:$0x18180] =	vst v63  }
0xb2: {  	s25 =	smov.u32 s24  }
0xb3: {  	p0 =	sne.s32 s24, $0x4E0;
	s24 =	sadd.s32 $0x10, s24;
	_ =	swait.ge [sflag:s21], $0x4000  }
0xb4: {  	[sflag:s21] =	ssyncset.done $0x0  }
0xb5: {  	[sflag:s21] =	ssyncadd.s32 $0xFFFFC000  }
0xb6: {  	[spmem:s2] =	stream.indirect.scatter.add.f32 [tilespmem:s20], [sflag:$0x2], $0x80, s19, s19, $0xb8;
	[tilespmem:$0x18180] =	vst v63  }
0xb7: {  	_ =	swait.ge [sflag:s18], $0x4000  }
0xb8: {  	[sflag:s18] =	ssyncset.done $0x0  }
0xb9: {  	s26 =	sadd.s32 s25, s16;
	[sflag:s18] =	ssyncadd.s32 $0xFFFFC000  }
0xba: {  	[tilespmem:s3], [sflag:$0x2] =	stream.linear.gather [hbm4b:s26+s3], $0x80, $0x38;
	[tilespmem:$0x18180] =	vst v63  }
0xbb: {  	_ =	swait.ge [sflag:s18], $0x80  }
0xbc: {  	[sflag:s18] =	ssyncset.done $0x0  }
0xbd: {  	s25 =	sadd.s32 s25, s15;
	[sflag:s18] =	ssyncadd.s32 $0xFFFFFF80  }
0xbe: {  	[tilespmem:s19], [sflag:$0x2] =	stream.linear.gather [hbm4b:s25+s3], $0x80, $0x38;
	[tilespmem:$0x18180] =	vst v63  }
0xbf: {  	_ =	swait.ge [sflag:s18], $0x80  }
0xc0: {  	[sflag:s18] =	ssyncset.done $0x0  }
0xc1: {  	[sflag:s18] =	ssyncadd.s32 $0xFFFFFF80  }
0xc2: {  	v0 =	vld [tilespmem:$0x70]  }
0xc3: {  	v1 =	vld [tilespmem:$0x30]  }
0xc4: {  	v2 =	vld [tilespmem:$0x50]  }
0xc5: {  	v3 =	vld [tilespmem:$0x60]  }
0xc6: {  	v4 =	vld [tilespmem:$0x20]  }
0xc7: {  	v5 =	vld [tilespmem:$0x10];
	v0 =	vadd.s32 $0x5000, v0  }
0xc8: {  	v1 =	vadd.s32 $0x5000, v1;
	v6 =	vld [tilespmem:$0x40];
	[tilespmem:$0x170] =	vst v0  }
0xc9: {  	v0 =	vld [tilespmem:$0x0];
	[tilespmem:$0x130] =	vst v1;
	v1 =	vadd.s32 $0x5000, v2  }
0xca: {  	[tilespmem:$0x150] =	vst v1;
	v1 =	vadd.s32 $0x5000, v3  }
.Ltmp2:
0xcb: {  	v2 =	vadd.s32 $0x5000, v4;
	[tilespmem:$0x160] =	vst v1;
	(pc) =	sbr.rel @p0 .LBB2_6-.Ltmp2, $4  }
0xcc: {  	v1 =	vadd.s32 $0x5000, v5;
	[tilespmem:$0x120] =	vst v2  }
0xcd: {  	[tilespmem:$0x110] =	vst v1;
	v1 =	vadd.s32 $0x5000, v6  }
0xce: {  	v0 =	vadd.s32 $0x5000, v0;
	[tilespmem:$0x140] =	vst v1  }
0xcf: {  	[tilespmem:$0x100] =	vst v0  }
0xd0: {  	[tilespmem:s20], [sflag:$0x1] =	stream.indirect.gather [hbm4b:s4+s19], $0x80, s22, s19, $0xb8;
	[tilespmem:$0x18180] =	vst v63  }
0xd1: {  	_ =	swait.ge [sflag:s21], $0x4000  }
0xd2: {  	[sflag:s21] =	ssyncset.done $0x0  }
0xd3: {  	[sflag:s21] =	ssyncadd.s32 $0xFFFFC000  }
0xd4: {  	[spmem:s2] =	stream.indirect.scatter.add.f32 [tilespmem:s20], [sflag:$0x2], $0x80, s19, s19, $0xb8;
	[tilespmem:$0x18180] =	vst v63  }
0xd5: {  	_ =	swait.ge [sflag:s18], $0x4000  }
0xd6: {  	[sflag:s18] =	ssyncset.done $0x0  }
0xd7: {  	[sflag:s18] =	ssyncadd.s32 $0xFFFFC000  }
0xd8: {  	[bflag:$0x0] =	sbarrier.arrive $0xFFFF  }
0xd9: {  	[hbm:s11], [sflag:s6] =	dma.local [spmem:s17], $0x2800  }
0xda: {  	_ =	swait.ge [sflag:s18], $0x2800  }
0xdb: {  	[sflag:s18] =	ssyncset.done $0x0  }
0xdc: {  	[sflag:s18] =	ssyncadd.s32 $0xFFFFD800  }
0xdd: {  	[bflag:$0x0] =	sbarrier.arrive $0xFFFF  }
0xde: {  	[spmem:s17], [sflag:s6] =	dma.local [hbm:s12], $0x2800  }
0xdf: {  	_ =	swait.ge [sflag:s18], $0x2800  }
0xe0: {  	[sflag:s18] =	ssyncset.done $0x0  }
0xe1: {  	[sflag:s18] =	ssyncadd.s32 $0xFFFFD800  }
0xe2: {  	s24 =	sadd.s32 $0x0, s16;
	[bflag:$0x0] =	sbarrier.arrive $0xFFFF  }
0xe3: {  	[tilespmem:s3], [sflag:$0x2] =	stream.linear.gather [hbm4b:s24+s3], $0x80, $0x38;
	[tilespmem:$0x18180] =	vst v63  }
0xe4: {  	_ =	swait.ge [sflag:s18], $0x80  }
0xe5: {  	[sflag:s18] =	ssyncset.done $0x0  }
0xe6: {  	s31 =	sadd.s32 $0x0, s15;
	[sflag:s18] =	ssyncadd.s32 $0xFFFFFF80  }
0xe7: {  	[tilespmem:s19], [sflag:$0x2] =	stream.linear.gather [hbm4b:s31+s3], $0x80, $0x38;
	[tilespmem:$0x18180] =	vst v63  }
0xe8: {  	_ =	swait.ge [sflag:s18], $0x80  }
0xe9: {  	[sflag:s18] =	ssyncset.done $0x0  }
0xea: {  	[sflag:s18] =	ssyncadd.s32 $0xFFFFFF80  }
0xeb: {  	v0 =	vld [tilespmem:$0x70]  }
0xec: {  	v1 =	vld [tilespmem:$0x30]  }
0xed: {  	v2 =	vld [tilespmem:$0x50]  }
0xee: {  	v3 =	vld [tilespmem:$0x60]  }
0xef: {  	v4 =	vld [tilespmem:$0x20]  }
0xf0: {  	v5 =	vld [tilespmem:$0x10];
	v0 =	vadd.s32 $0x7800, v0  }
0xf1: {  	v6 =	vld [tilespmem:$0x40];
	v1 =	vadd.s32 $0x7800, v1;
	[tilespmem:$0x170] =	vst v0  }
0xf2: {  	v58 =	vld [tilespmem:$0x0];
	v59 =	vadd.s32 $0x7800, v2;
	[tilespmem:$0x130] =	vst v1  }
0xf3: {  	v60 =	vadd.s32 $0x7800, v3;
	[tilespmem:$0x150] =	vst v59  }
0xf4: {  	v61 =	vadd.s32 $0x7800, v4;
	[tilespmem:$0x160] =	vst v60  }
0xf5: {  	v62 =	vadd.s32 $0x7800, v5;
	[tilespmem:$0x120] =	vst v61  }
0xf6: {  	v63 =	vadd.s32 $0x7800, v6;
	[tilespmem:$0x110] =	vst v62  }
0xf7: {  	v0 =	vadd.s32 $0x7800, v58;
	[tilespmem:$0x140] =	vst v63  }
0xf8: {  	s24 =	simm.s32 $0x10;
	[tilespmem:$0x100] =	vst v0  }
.LBB2_8:
0xf9: {  	[tilespmem:s20], [sflag:$0x1] =	stream.indirect.gather [hbm4b:s4+s19], $0x80, s22, s19, $0xb8;
	[tilespmem:$0x18180] =	vst v63  }
0xfa: {  	s25 =	smov.u32 s24  }
0xfb: {  	p0 =	sne.s32 s24, $0x4E0;
	s24 =	sadd.s32 $0x10, s24;
	_ =	swait.ge [sflag:s21], $0x4000  }
0xfc: {  	[sflag:s21] =	ssyncset.done $0x0  }
0xfd: {  	[sflag:s21] =	ssyncadd.s32 $0xFFFFC000  }
0xfe: {  	[spmem:s2] =	stream.indirect.scatter.add.f32 [tilespmem:s20], [sflag:$0x2], $0x80, s19, s19, $0xb8;
	[tilespmem:$0x18180] =	vst v63  }
0xff: {  	_ =	swait.ge [sflag:s18], $0x4000  }
0x100: {  	[sflag:s18] =	ssyncset.done $0x0  }
0x101: {  	s26 =	sadd.s32 s25, s16;
	[sflag:s18] =	ssyncadd.s32 $0xFFFFC000  }
0x102: {  	[tilespmem:s3], [sflag:$0x2] =	stream.linear.gather [hbm4b:s26+s3], $0x80, $0x38;
	[tilespmem:$0x18180] =	vst v63  }
0x103: {  	_ =	swait.ge [sflag:s18], $0x80  }
0x104: {  	[sflag:s18] =	ssyncset.done $0x0  }
0x105: {  	s25 =	sadd.s32 s25, s15;
	[sflag:s18] =	ssyncadd.s32 $0xFFFFFF80  }
0x106: {  	[tilespmem:s19], [sflag:$0x2] =	stream.linear.gather [hbm4b:s25+s3], $0x80, $0x38;
	[tilespmem:$0x18180] =	vst v63  }
0x107: {  	_ =	swait.ge [sflag:s18], $0x80  }
0x108: {  	[sflag:s18] =	ssyncset.done $0x0  }
0x109: {  	[sflag:s18] =	ssyncadd.s32 $0xFFFFFF80  }
0x10a: {  	v0 =	vld [tilespmem:$0x70]  }
0x10b: {  	v1 =	vld [tilespmem:$0x30]  }
0x10c: {  	v2 =	vld [tilespmem:$0x50]  }
0x10d: {  	v3 =	vld [tilespmem:$0x60]  }
0x10e: {  	v4 =	vld [tilespmem:$0x20]  }
0x10f: {  	v5 =	vld [tilespmem:$0x10];
	v0 =	vadd.s32 $0x7800, v0  }
0x110: {  	v1 =	vadd.s32 $0x7800, v1;
	v6 =	vld [tilespmem:$0x40];
	[tilespmem:$0x170] =	vst v0  }
0x111: {  	v0 =	vld [tilespmem:$0x0];
	[tilespmem:$0x130] =	vst v1;
	v1 =	vadd.s32 $0x7800, v2  }
0x112: {  	[tilespmem:$0x150] =	vst v1;
	v1 =	vadd.s32 $0x7800, v3  }
.Ltmp3:
0x113: {  	v2 =	vadd.s32 $0x7800, v4;
	[tilespmem:$0x160] =	vst v1;
	(pc) =	sbr.rel @p0 .LBB2_8-.Ltmp3, $4  }
0x114: {  	v1 =	vadd.s32 $0x7800, v5;
	[tilespmem:$0x120] =	vst v2  }
0x115: {  	[tilespmem:$0x110] =	vst v1;
	v1 =	vadd.s32 $0x7800, v6  }
0x116: {  	v0 =	vadd.s32 $0x7800, v0;
	[tilespmem:$0x140] =	vst v1  }
0x117: {  	[tilespmem:$0x100] =	vst v0  }
0x118: {  	[tilespmem:s20], [sflag:$0x1] =	stream.indirect.gather [hbm4b:s4+s19], $0x80, s22, s19, $0xb8;
	[tilespmem:$0x18180] =	vst v63  }
0x119: {  	_ =	swait.ge [sflag:s21], $0x4000  }
0x11a: {  	[sflag:s21] =	ssyncset.done $0x0  }
0x11b: {  	[sflag:s21] =	ssyncadd.s32 $0xFFFFC000  }
0x11c: {  	[spmem:s2] =	stream.indirect.scatter.add.f32 [tilespmem:s20], [sflag:$0x2], $0x80, s19, s19, $0xb8;
	[tilespmem:$0x18180] =	vst v63  }
0x11d: {  	_ =	swait.ge [sflag:s18], $0x4000  }
0x11e: {  	[sflag:s18] =	ssyncset.done $0x0  }
0x11f: {  	s23 =	sadd.s32 $0x1, s23;
	[sflag:s18] =	ssyncadd.s32 $0xFFFFC000  }
0x120: {  	p0 =	sne.s32 s23, s14;
	[bflag:$0x0] =	sbarrier.arrive $0xFFFF  }
0x121: {  	[hbm:s13], [sflag:s6] =	dma.local [spmem:s17], $0x2800  }
.Ltmp4:
0x122: {  	_ =	swait.ge [sflag:s18], $0x2800;
	(pc) =	sbr.rel @p0 .LBB2_1-.Ltmp4, $3  }
0x123: {  	[sflag:s18] =	ssyncset.done $0x0  }
0x124: {  	[sflag:s18] =	ssyncadd.s32 $0xFFFFD800  }
0x125: {  	[bflag:$0x0] =	sbarrier.arrive $0xFFFF;
	_ =	sdelay $0x1  }
0x126: {  	_ =	sfence.sel $0x180000  }
0x127: {  	[bflag:$0x0] =	sbarrier.arrive $0xFFFF  }
0x128: {  	p0 =	sne.s32 s0, $0x0;
	_ =	strace $0x90000050  }
0x129: {  	s0 =	sadd.s32 @!p0 $0x100000, s1;
	[bflag:$0x2] =	sbarrier.arrive $0xFFFF  }
0x12a: {  	[sflag:s0] =	ssyncadd.tile.s32 @!p0 $0x1;
	_ =	shalt  }
.Lfunc_end2:
_tile_overlayer_lowered:
.L_overlay_start_2:
0x12b: {  	(tag) =	ssettag $0x2  }
0x12c: {  	s0 =	rddreg [dreg:$0x0];
	s2 =	stileid.u32  }
0x12d: {  	s1 =	rddreg [dreg:$0x1];
	p0 =	sne.s32 s2, $0x0  }
0x12e: {  	s3 =	rddreg [dreg:$0x2];
	[bflag:$0x3] =	sbarrier.arrive $0xFFFF;
	s2 =	simm.s32 @!p0 $0x1C02  }
0x12f: {  	[timem:s3], [sflag:s2] =	dma.local @!p0 [hbm:s0], s1  }
0x130: {  	s0 =	simm.s32 @!p0 $0x2  }
0x131: {  	_ =	swait.ge @!p0 [sflag:s0], s1  }
0x132: {  	s1 =	ssub.s32 @!p0 $0x0, s1;
	[sflag:s0] =	ssyncset.done @!p0 $0x0  }
0x133: {  	[sflag:s0] =	ssyncadd.s32 @!p0 s1  }
0x134: {  	[bflag:$0x3] =	sbarrier.arrive $0xFFFF  }
0x135: {  	_ =	shalt  }

</sc_bundles>
